<compile_context>
chip_gen: v7x
topology: tpu7x:2x2x1
jax: 0.10.2.dev20260603
libtpu: 0.0.44.dev20260713+nightly
codegen_flags: <defaults>
</compile_context>

<pallas_src>
import dataclasses
import functools

import jax
import jax.numpy as jnp
from jax import lax
from jax.experimental import pallas as pl
from jax.experimental.pallas import tpu as pltpu
from jax.experimental.pallas import tpu_sc as plsc

_DIMS = [119, 4, 12, 12, 10, 6, 6, 2, 2, 7, 1, 49, 61, 2, 5, 7]
_EMB = 128
_NW = 32
_CH = 256

_GROUPS = [(0, 10), (12, 7), (11, 8), (2, 3), (4, 13), (9, 15, 1), (5, 6, 14)]
_JDIMS = []
for _g in _GROUPS:
    _p = 1
    for _f in _g:
        _p *= _DIMS[_f]
    _JDIMS.append(_p)
_POFF = [0]
for _d in _JDIMS[:-1]:
    _POFF.append(_POFF[-1] + _d)
_JTOT = _POFF[-1] + _JDIMS[-1]


def _vsplat(vec, i):
    idx = jnp.full((16, 1), i, jnp.int32)
    return lax.gather(
        vec,
        idx,
        lax.GatherDimensionNumbers(
            offset_dims=(), collapsed_slice_dims=(0,), start_index_map=(0,)
        ),
        slice_sizes=(1,),
        mode=lax.GatherScatterMode.PROMISE_IN_BOUNDS,
    )


def _prep_body(*refs):
    ws, out_ref = refs[:-1], refs[-1]
    for g, off, dj in zip(_GROUPS, _POFF, _JDIMS):
        blk = ws[g[0]][:, :]
        for f in g[1:]:
            wf = ws[f][:, :]
            blk = (blk[:, None, :] + wf[None, :, :]).reshape(-1, _EMB)
        out_ref[off : off + dj, :] = blk


def kernel(x, W0, W1, W2, W3, W4, W5, W6, W7, W8, W9, W10, W11, W12, W13, W14, W15):
    Ws = [W0, W1, W2, W3, W4, W5, W6, W7, W8, W9, W10, W11, W12, W13, W14, W15]
    n = x.shape[0]
    n_feat = x.shape[1]
    tab = pl.pallas_call(
        _prep_body,
        out_shape=jax.ShapeDtypeStruct((_JTOT, _EMB), jnp.float32),
    )(*Ws)
    jb = tab.astype(jnp.bfloat16)
    ptab = jax.lax.bitcast_convert_type(
        jnp.stack([jb[:, : _EMB // 2], jb[:, _EMB // 2 :]], axis=-1), jnp.int32
    ).reshape(_JTOT * (_EMB // 2))

    n_full = n // _CH
    rem = n % _CH
    last_full = n_full - 1
    n_in = (n_full + (1 if rem else 0)) * _CH
    x_t = jnp.pad(x, ((0, n_in - n), (0, 0))).T
    rounds = (-(-n_full // _NW) + 1) // 2

    mesh = plsc.VectorSubcoreMesh(core_axis_name="c", subcore_axis_name="s")
    cparams = pltpu.CompilerParams()
    if "needs_layout_passes" in pltpu.CompilerParams.__dataclass_fields__:
        cparams = dataclasses.replace(cparams, needs_layout_passes=False)

    @functools.partial(
        pl.kernel,
        compiler_params=cparams,
        out_type=jax.ShapeDtypeStruct((n, _EMB), jnp.float32),
        mesh=mesh,
        scratch_types=[
            pltpu.VMEM((_JTOT * (_EMB // 2),), jnp.int32),
            pltpu.VMEM((n_feat, _CH), jnp.int32),
            pltpu.VMEM((n_feat, _CH), jnp.int32),
            pltpu.VMEM((_CH, _EMB), jnp.float32),
            pltpu.VMEM((_CH, _EMB), jnp.float32),
            pltpu.SemaphoreType.DMA,
            pltpu.SemaphoreType.DMA,
            pltpu.SemaphoreType.DMA,
            pltpu.SemaphoreType.DMA,
        ],
    )
    def _emb_sum(
        xt_hbm, tab_hbm, out_hbm, tab_v, idx_a, idx_b, out_a, out_b,
        sem_ia, sem_ib, sem_oa, sem_ob,
    ):
        wid = lax.axis_index("s") * 2 + lax.axis_index("c")
        pltpu.sync_copy(tab_hbm, tab_v)
        lanes = lax.iota(jnp.int32, 16)
        tabs = [
            tab_v.at[pl.ds(16 * j, _JTOT * (_EMB // 2) - 16 * j)]
            for j in range(_EMB // 32)
        ]

        def issue_idx(cid, idx_v, sem):
            pltpu.async_copy(xt_hbm.at[:, pl.ds(cid * _CH, _CH)], idx_v, sem)

        def wait_in(idx_v, sem):
            pltpu.make_async_copy(xt_hbm.at[:, pl.ds(0, _CH)], idx_v, sem).wait()

        def wait_out(out_v, sem):
            pltpu.make_async_copy(out_hbm.at[pl.ds(0, _CH), :], out_v, sem).wait()

        def compute(idx_v, out_v):
            @plsc.parallel_loop(0, _CH // 16)
            def _blk(bi):
                b16 = bi * 16
                vs = []
                for g, off in zip(_GROUPS, _POFF):
                    v = idx_v[g[0], pl.ds(b16, 16)]
                    for f in g[1:]:
                        v = v * _DIMS[f] + idx_v[f, pl.ds(b16, 16)]
                    vs.append((v + off) * (_EMB // 2))

                @plsc.parallel_loop(0, 16, unroll=2)
                def _row(l):
                    acc = [None] * (_EMB // 32)
                    for i in range(len(_GROUPS)):
                        sl = _vsplat(vs[i], l) + lanes
                        for j in range(_EMB // 32):
                            g = plsc.load_gather(tabs[j], [sl])
                            gb = plsc.bitcast(g, jnp.bfloat16)
                            acc[j] = gb if acc[j] is None else acc[j] + gb
                    row = b16 + l
                    for j in range(_EMB // 32):
                        av, bv = plsc.unpack(acc[j], format=plsc.PackFormat.INTERLEAVED)
                        out_v[row, pl.ds(16 * j, 16)] = av
                        out_v[row, pl.ds(_EMB // 2 + 16 * j, 16)] = bv

        @pl.when(wid <= last_full)
        def _prime():
            issue_idx(wid, idx_a, sem_ia)

        @pl.loop(0, rounds)
        def _round(r):
            cid0 = wid + _NW * 2 * r
            cid1 = cid0 + _NW
            cid0n = cid0 + 2 * _NW

            @pl.when(cid1 <= last_full)
            def _():
                issue_idx(cid1, idx_b, sem_ib)

            @pl.when(cid0 <= last_full)
            def _half_a():
                @pl.when(r > 0)
                def _():
                    wait_out(out_a, sem_oa)

                wait_in(idx_a, sem_ia)
                compute(idx_a, out_a)
                pltpu.async_copy(out_a, out_hbm.at[pl.ds(cid0 * _CH, _CH), :], sem_oa)

            @pl.when(cid0n <= last_full)
            def _():
                issue_idx(cid0n, idx_a, sem_ia)

            @pl.when(cid1 <= last_full)
            def _half_b():
                @pl.when(r > 0)
                def _():
                    wait_out(out_b, sem_ob)

                wait_in(idx_b, sem_ib)
                compute(idx_b, out_b)
                pltpu.async_copy(out_b, out_hbm.at[pl.ds(cid1 * _CH, _CH), :], sem_ob)

        wait_out(out_a, sem_oa)
        wait_out(out_b, sem_ob)

        if rem:
            @pl.when(wid == _NW - 1)
            def _tail():
                pltpu.sync_copy(xt_hbm.at[:, pl.ds(n_full * _CH, _CH)], idx_a)
                compute(idx_a, out_a)
                pltpu.sync_copy(
                    out_a.at[pl.ds(0, rem), :],
                    out_hbm.at[pl.ds(n_full * _CH, rem), :],
                )

    return _emb_sum(x_t, ptab)

# --- scband reference (transcript-rebuilt; emitter-appended) ---
"""Pipeline reference for scband-atom-encoder-33423435498387 (READ-ONLY COPY).

The authoritative reference and input builder live on the scoring server;
editing this copy changes nothing except your own understanding.
"""

import jax, jax.numpy as jnp
import numpy as np

DIMS = [119, 4, 12, 12, 10, 6, 6, 2, 2, 7, 1, 49, 61, 2, 5, 7]
EMB = 128
N = 100000


def _xavier(key, fan_in, fan_out):
    a = float(np.sqrt(6.0 / (fan_in + fan_out)))
    return jax.random.uniform(key, (fan_in, fan_out), minval=-a, maxval=a, dtype=jnp.float32)


def setup_inputs(seed: int = 0) -> dict:
    key = jax.random.key(seed)
    ks = jax.random.split(key, 2 * len(DIMS))
    # per-column indices, each within its own table's vocab
    cols = [jax.random.randint(ks[i], (N,), 0, DIMS[i], dtype=jnp.int32) for i in range(len(DIMS))]
    x = jnp.stack(cols, axis=1)
    inp = {"x": x}
    for i, d in enumerate(DIMS):
        inp[f"W{i}"] = _xavier(ks[len(DIMS) + i], d, EMB)
    return inp


def reference(x, W0, W1, W2, W3, W4, W5, W6, W7, W8, W9, W10, W11, W12, W13, W14, W15):
    Ws = [W0, W1, W2, W3, W4, W5, W6, W7, W8, W9, W10, W11, W12, W13, W14, W15]
    x_embedding = jnp.zeros((x.shape[0], EMB), dtype=jnp.float32)
    for i in range(x.shape[1]):
        x_embedding = x_embedding + jnp.take(Ws[i], x[:, i], axis=0)
    return x_embedding

if __name__ == "__main__":
    import jax
    _d = setup_inputs()
    print(jax.jit(kernel)(*tuple(_d.values())))

</pallas_src>

<mosaic_0001>
#map = affine_map<(d0, d1) -> (0, 0)>
#map1 = affine_map<(d0, d1) -> (0)>
module attributes {stable_mosaic.version = 14 : i64} {
  func.func @_emb_sum(%arg0: i32, %arg1: i32, %arg2: memref<16x100096xi32, #tpu.memory_space<hbm>>, %arg3: memref<56256xi32, #tpu.memory_space<hbm>>, %arg4: memref<100000x128xf32, #tpu.memory_space<hbm>>, %arg5: memref<56256xi32, #tpu.memory_space<vmem>>, %arg6: memref<16x256xi32, #tpu.memory_space<vmem>>, %arg7: memref<16x256xi32, #tpu.memory_space<vmem>>, %arg8: memref<256x128xf32, #tpu.memory_space<vmem>>, %arg9: memref<256x128xf32, #tpu.memory_space<vmem>>, %arg10: memref<!tpu.dma_semaphore, #tpu.memory_space<semaphore_mem>>, %arg11: memref<!tpu.dma_semaphore, #tpu.memory_space<semaphore_mem>>, %arg12: memref<!tpu.dma_semaphore, #tpu.memory_space<semaphore_mem>>, %arg13: memref<!tpu.dma_semaphore, #tpu.memory_space<semaphore_mem>>) attributes {dimension_semantics = [#tpu.dimension_semantics<core_parallel>, #tpu.dimension_semantics<subcore_parallel>], iteration_bounds = array<i64: 2, 16>, scalar_prefetch = 0 : i64, scratch_operands = 9 : i64, tpu.core_type = #tpu.core_type<sc_vector_subcore>, window_params = [{transform_indices = #map}, {transform_indices = #map1}, {transform_indices = #map}]} {
    %mul3A = arith.constant 2 : i32
    %mul3A_0 = arith.muli %arg1, %mul3A : i32
    %add3A = arith.addi %mul3A_0, %arg0 : i32
    "tpu.region"() ({
      %run_scoped3A = tpu.sem_alloc : memref<!tpu.dma_semaphore, #tpu.memory_space<semaphore_mem>>
      tpu.enqueue_dma source(%arg3 : memref<56256xi32, #tpu.memory_space<hbm>>) target(%arg5 : memref<56256xi32, #tpu.memory_space<vmem>>) target_semaphore(%run_scoped3A : memref<!tpu.dma_semaphore, #tpu.memory_space<semaphore_mem>>)
      tpu.wait_dma2 semaphore(%run_scoped3A : memref<!tpu.dma_semaphore, #tpu.memory_space<semaphore_mem>>) src(%arg3 : memref<56256xi32, #tpu.memory_space<hbm>>) dst(%arg5 : memref<56256xi32, #tpu.memory_space<vmem>>)
      tpu.yield
    }) : () -> ()
    %iota3A = tpu.iota {dimensions = array<i32: 0>} : vector<16xi32>
    %le3A = arith.constant 389 : i32
    %le3A_1 = arith.cmpi sle, %add3A, %le3A : i32
    %convert_element_type3A = arith.extui %le3A_1 : i1 to i32
    %cond3A = arith.constant 0 : i32
    %cond3A_2 = arith.cmpi ne, %convert_element_type3A, %cond3A : i32
    scf.if %cond3A_2 {
      %mul3A_22 = arith.constant 256 : i32
      %mul3A_23 = arith.muli %add3A, %mul3A_22 : i32
      %dma_start3A = arith.constant 0 : i32
      %dma_start3A_24 = tpu.memref_slice %arg2[%dma_start3A, %mul3A_23] : memref<16x100096xi32, #tpu.memory_space<hbm>> -> memref<16x256xi32, #tpu.memory_space<hbm>>
      %dma_start3A_25 = arith.constant 0 : i32
      %dma_start3A_26 = tpu.memref_slice %arg2[%dma_start3A_25, %mul3A_23] : memref<16x100096xi32, #tpu.memory_space<hbm>> -> memref<16x256xi32, #tpu.memory_space<hbm>>
      tpu.enqueue_dma source(%dma_start3A_26 : memref<16x256xi32, #tpu.memory_space<hbm>>) target(%arg6 : memref<16x256xi32, #tpu.memory_space<vmem>>) target_semaphore(%arg10 : memref<!tpu.dma_semaphore, #tpu.memory_space<semaphore_mem>>)
    } else {
    }
    %scan3A = arith.constant 0 : i32
    %scan3A_3 = arith.constant 7 : i32
    %scan3A_4 = arith.addi %scan3A, %scan3A_3 : i32
    %scan3A_5 = arith.constant 1 : i32
    scf.for %scan3A_22 = %scan3A to %scan3A_4 step %scan3A_5  : i32 {
      %mul3A_23 = arith.constant 1 : i32
      %mul3A_24 = arith.muli %scan3A_22, %mul3A_23 : i32
      %add3A_25 = arith.constant 0 : i32
      %add3A_26 = arith.addi %add3A_25, %mul3A_24 : i32
      %mul3A_27 = arith.constant 64 : i32
      %mul3A_28 = arith.muli %mul3A_27, %add3A_26 : i32
      %add3A_29 = arith.addi %add3A, %mul3A_28 : i32
      %add3A_30 = arith.constant 32 : i32
      %add3A_31 = arith.addi %add3A_29, %add3A_30 : i32
      %add3A_32 = arith.constant 64 : i32
      %add3A_33 = arith.addi %add3A_29, %add3A_32 : i32
      %le3A_34 = arith.constant 389 : i32
      %le3A_35 = arith.cmpi sle, %add3A_31, %le3A_34 : i32
      %convert_element_type3A_36 = arith.extui %le3A_35 : i1 to i32
      %cond3A_37 = arith.constant 0 : i32
      %cond3A_38 = arith.cmpi ne, %convert_element_type3A_36, %cond3A_37 : i32
      scf.if %cond3A_38 {
        %mul3A_54 = arith.constant 256 : i32
        %mul3A_55 = arith.muli %add3A_31, %mul3A_54 : i32
        %dma_start3A = arith.constant 0 : i32
        %dma_start3A_56 = tpu.memref_slice %arg2[%dma_start3A, %mul3A_55] : memref<16x100096xi32, #tpu.memory_space<hbm>> -> memref<16x256xi32, #tpu.memory_space<hbm>>
        %dma_start3A_57 = arith.constant 0 : i32
        %dma_start3A_58 = tpu.memref_slice %arg2[%dma_start3A_57, %mul3A_55] : memref<16x100096xi32, #tpu.memory_space<hbm>> -> memref<16x256xi32, #tpu.memory_space<hbm>>
        tpu.enqueue_dma source(%dma_start3A_58 : memref<16x256xi32, #tpu.memory_space<hbm>>) target(%arg7 : memref<16x256xi32, #tpu.memory_space<vmem>>) target_semaphore(%arg11 : memref<!tpu.dma_semaphore, #tpu.memory_space<semaphore_mem>>)
      } else {
      }
      %le3A_39 = arith.constant 389 : i32
      %le3A_40 = arith.cmpi sle, %add3A_29, %le3A_39 : i32
      %convert_element_type3A_41 = arith.extui %le3A_40 : i1 to i32
      %cond3A_42 = arith.constant 0 : i32
      %cond3A_43 = arith.cmpi ne, %convert_element_type3A_41, %cond3A_42 : i32
      scf.if %cond3A_43 {
        %gt3A = arith.constant 0 : i32
        %gt3A_54 = arith.cmpi sgt, %add3A_26, %gt3A : i32
        %convert_element_type3A_55 = arith.extui %gt3A_54 : i1 to i32
        %cond3A_56 = arith.constant 0 : i32
        %cond3A_57 = arith.cmpi ne, %convert_element_type3A_55, %cond3A_56 : i32
        scf.if %cond3A_57 {
          %dma_wait3A_71 = arith.constant 0 : i32
          %dma_wait3A_72 = arith.constant 0 : i32
          %dma_wait3A_73 = tpu.memref_slice %arg4[%dma_wait3A_71, %dma_wait3A_72] : memref<100000x128xf32, #tpu.memory_space<hbm>> -> memref<256x128xf32, #tpu.memory_space<hbm>>
          %dma_wait3A_74 = arith.constant 0 : i32
          %dma_wait3A_75 = arith.constant 0 : i32
          %dma_wait3A_76 = tpu.memref_slice %arg4[%dma_wait3A_74, %dma_wait3A_75] : memref<100000x128xf32, #tpu.memory_space<hbm>> -> memref<256x128xf32, #tpu.memory_space<hbm>>
          tpu.wait_dma2 semaphore(%arg12 : memref<!tpu.dma_semaphore, #tpu.memory_space<semaphore_mem>>) src(%dma_wait3A_76 : memref<256x128xf32, #tpu.memory_space<hbm>>) dst(%arg8 : memref<256x128xf32, #tpu.memory_space<vmem>>)
        } else {
        }
        %dma_wait3A_58 = arith.constant 0 : i32
        %dma_wait3A_59 = arith.constant 0 : i32
        %dma_wait3A_60 = tpu.memref_slice %arg2[%dma_wait3A_58, %dma_wait3A_59] : memref<16x100096xi32, #tpu.memory_space<hbm>> -> memref<16x256xi32, #tpu.memory_space<hbm>>
        %dma_wait3A_61 = arith.constant 0 : i32
        %dma_wait3A_62 = arith.constant 0 : i32
        %dma_wait3A_63 = tpu.memref_slice %arg2[%dma_wait3A_61, %dma_wait3A_62] : memref<16x100096xi32, #tpu.memory_space<hbm>> -> memref<16x256xi32, #tpu.memory_space<hbm>>
        tpu.wait_dma2 semaphore(%arg10 : memref<!tpu.dma_semaphore, #tpu.memory_space<semaphore_mem>>) src(%dma_wait3A_63 : memref<16x256xi32, #tpu.memory_space<hbm>>) dst(%arg6 : memref<16x256xi32, #tpu.memory_space<vmem>>)
        %parallel_loop3A = arith.constant 0 : i32
        %parallel_loop3A_64 = arith.constant 16 : i32
        %parallel_loop3A_65 = arith.constant 1 : i32
        scf.for %parallel_loop3A_71 = %parallel_loop3A to %parallel_loop3A_64 step %parallel_loop3A_65  : i32 {
          %parallel_loop3A_72 = arith.constant 16 : i32
          %parallel_loop3A_73 = arith.muli %parallel_loop3A_71, %parallel_loop3A_72 : i32
          %parallel_loop3A_74 = arith.constant 0 : i32
          %parallel_loop3A_75 = arith.index_cast %parallel_loop3A_74 : i32 to index
          %parallel_loop3A_76 = arith.index_cast %parallel_loop3A_73 : i32 to index
          %parallel_loop3A_77 = tpu.vector_load %arg6[%parallel_loop3A_75, %parallel_loop3A_76] {strides = array<i32>} : memref<16x256xi32, #tpu.memory_space<vmem>>, vector<16xi32>,
          %parallel_loop3A_78 = arith.constant 1 : i32
          %parallel_loop3A_79 = vector.broadcast %parallel_loop3A_78 : i32 to vector<16xi32>
          %parallel_loop3A_80 = arith.muli %parallel_loop3A_77, %parallel_loop3A_79 : vector<16xi32>
          %parallel_loop3A_81 = arith.constant 10 : i32
          %parallel_loop3A_82 = arith.index_cast %parallel_loop3A_81 : i32 to index
          %parallel_loop3A_83 = arith.index_cast %parallel_loop3A_73 : i32 to index
          %parallel_loop3A_84 = tpu.vector_load %arg6[%parallel_loop3A_82, %parallel_loop3A_83] {strides = array<i32>} : memref<16x256xi32, #tpu.memory_space<vmem>>, vector<16xi32>,
          %parallel_loop3A_85 = arith.addi %parallel_loop3A_80, %parallel_loop3A_84 : vector<16xi32>
          %parallel_loop3A_86 = arith.constant 0 : i32
          %parallel_loop3A_87 = vector.broadcast %parallel_loop3A_86 : i32 to vector<16xi32>
          %parallel_loop3A_88 = arith.addi %parallel_loop3A_85, %parallel_loop3A_87 : vector<16xi32>
          %parallel_loop3A_89 = arith.constant 64 : i32
          %parallel_loop3A_90 = vector.broadcast %parallel_loop3A_89 : i32 to vector<16xi32>
          %parallel_loop3A_91 = arith.muli %parallel_loop3A_88, %parallel_loop3A_90 : vector<16xi32>
          %parallel_loop3A_92 = arith.constant 12 : i32
          %parallel_loop3A_93 = arith.index_cast %parallel_loop3A_92 : i32 to index
          %parallel_loop3A_94 = arith.index_cast %parallel_loop3A_73 : i32 to index
          %parallel_loop3A_95 = tpu.vector_load %arg6[%parallel_loop3A_93, %parallel_loop3A_94] {strides = array<i32>} : memref<16x256xi32, #tpu.memory_space<vmem>>, vector<16xi32>,
          %parallel_loop3A_96 = arith.constant 2 : i32
          %parallel_loop3A_97 = vector.broadcast %parallel_loop3A_96 : i32 to vector<16xi32>
          %parallel_loop3A_98 = arith.muli %parallel_loop3A_95, %parallel_loop3A_97 : vector<16xi32>
          %parallel_loop3A_99 = arith.constant 7 : i32
          %parallel_loop3A_100 = arith.index_cast %parallel_loop3A_99 : i32 to index
          %parallel_loop3A_101 = arith.index_cast %parallel_loop3A_73 : i32 to index
          %parallel_loop3A_102 = tpu.vector_load %arg6[%parallel_loop3A_100, %parallel_loop3A_101] {strides = array<i32>} : memref<16x256xi32, #tpu.memory_space<vmem>>, vector<16xi32>,
          %parallel_loop3A_103 = arith.addi %parallel_loop3A_98, %parallel_loop3A_102 : vector<16xi32>
          %parallel_loop3A_104 = arith.constant 119 : i32
          %parallel_loop3A_105 = vector.broadcast %parallel_loop3A_104 : i32 to vector<16xi32>
          %parallel_loop3A_106 = arith.addi %parallel_loop3A_103, %parallel_loop3A_105 : vector<16xi32>
          %parallel_loop3A_107 = arith.constant 64 : i32
          %parallel_loop3A_108 = vector.broadcast %parallel_loop3A_107 : i32 to vector<16xi32>
          %parallel_loop3A_109 = arith.muli %parallel_loop3A_106, %parallel_loop3A_108 : vector<16xi32>
          %parallel_loop3A_110 = arith.constant 11 : i32
          %parallel_loop3A_111 = arith.index_cast %parallel_loop3A_110 : i32 to index
          %parallel_loop3A_112 = arith.index_cast %parallel_loop3A_73 : i32 to index
          %parallel_loop3A_113 = tpu.vector_load %arg6[%parallel_loop3A_111, %parallel_loop3A_112] {strides = array<i32>} : memref<16x256xi32, #tpu.memory_space<vmem>>, vector<16xi32>,
          %parallel_loop3A_114 = arith.constant 2 : i32
          %parallel_loop3A_115 = vector.broadcast %parallel_loop3A_114 : i32 to vector<16xi32>
          %parallel_loop3A_116 = arith.muli %parallel_loop3A_113, %parallel_loop3A_115 : vector<16xi32>
          %parallel_loop3A_117 = arith.constant 8 : i32
          %parallel_loop3A_118 = arith.index_cast %parallel_loop3A_117 : i32 to index
          %parallel_loop3A_119 = arith.index_cast %parallel_loop3A_73 : i32 to index
          %parallel_loop3A_120 = tpu.vector_load %arg6[%parallel_loop3A_118, %parallel_loop3A_119] {strides = array<i32>} : memref<16x256xi32, #tpu.memory_space<vmem>>, vector<16xi32>,
          %parallel_loop3A_121 = arith.addi %parallel_loop3A_116, %parallel_loop3A_120 : vector<16xi32>
          %parallel_loop3A_122 = arith.constant 241 : i32
          %parallel_loop3A_123 = vector.broadcast %parallel_loop3A_122 : i32 to vector<16xi32>
          %parallel_loop3A_124 = arith.addi %parallel_loop3A_121, %parallel_loop3A_123 : vector<16xi32>
          %parallel_loop3A_125 = arith.constant 64 : i32
          %parallel_loop3A_126 = vector.broadcast %parallel_loop3A_125 : i32 to vector<16xi32>
          %parallel_loop3A_127 = arith.muli %parallel_loop3A_124, %parallel_loop3A_126 : vector<16xi32>
          %parallel_loop3A_128 = arith.constant 2 : i32
          %parallel_loop3A_129 = arith.index_cast %parallel_loop3A_128 : i32 to index
          %parallel_loop3A_130 = arith.index_cast %parallel_loop3A_73 : i32 to index
          %parallel_loop3A_131 = tpu.vector_load %arg6[%parallel_loop3A_129, %parallel_loop3A_130] {strides = array<i32>} : memref<16x256xi32, #tpu.memory_space<vmem>>, vector<16xi32>,
          %parallel_loop3A_132 = arith.constant 12 : i32
          %parallel_loop3A_133 = vector.broadcast %parallel_loop3A_132 : i32 to vector<16xi32>
          %parallel_loop3A_134 = arith.muli %parallel_loop3A_131, %parallel_loop3A_133 : vector<16xi32>
          %parallel_loop3A_135 = arith.constant 3 : i32
          %parallel_loop3A_136 = arith.index_cast %parallel_loop3A_135 : i32 to index
          %parallel_loop3A_137 = arith.index_cast %parallel_loop3A_73 : i32 to index
          %parallel_loop3A_138 = tpu.vector_load %arg6[%parallel_loop3A_136, %parallel_loop3A_137] {strides = array<i32>} : memref<16x256xi32, #tpu.memory_space<vmem>>, vector<16xi32>,
          %parallel_loop3A_139 = arith.addi %parallel_loop3A_134, %parallel_loop3A_138 : vector<16xi32>
          %parallel_loop3A_140 = arith.constant 339 : i32
          %parallel_loop3A_141 = vector.broadcast %parallel_loop3A_140 : i32 to vector<16xi32>
          %parallel_loop3A_142 = arith.addi %parallel_loop3A_139, %parallel_loop3A_141 : vector<16xi32>
          %parallel_loop3A_143 = arith.constant 64 : i32
          %parallel_loop3A_144 = vector.broadcast %parallel_loop3A_143 : i32 to vector<16xi32>
          %parallel_loop3A_145 = arith.muli %parallel_loop3A_142, %parallel_loop3A_144 : vector<16xi32>
          %parallel_loop3A_146 = arith.constant 4 : i32
          %parallel_loop3A_147 = arith.index_cast %parallel_loop3A_146 : i32 to index
          %parallel_loop3A_148 = arith.index_cast %parallel_loop3A_73 : i32 to index
          %parallel_loop3A_149 = tpu.vector_load %arg6[%parallel_loop3A_147, %parallel_loop3A_148] {strides = array<i32>} : memref<16x256xi32, #tpu.memory_space<vmem>>, vector<16xi32>,
          %parallel_loop3A_150 = arith.constant 2 : i32
          %parallel_loop3A_151 = vector.broadcast %parallel_loop3A_150 : i32 to vector<16xi32>
          %parallel_loop3A_152 = arith.muli %parallel_loop3A_149, %parallel_loop3A_151 : vector<16xi32>
          %parallel_loop3A_153 = arith.constant 13 : i32
          %parallel_loop3A_154 = arith.index_cast %parallel_loop3A_153 : i32 to index
          %parallel_loop3A_155 = arith.index_cast %parallel_loop3A_73 : i32 to index
          %parallel_loop3A_156 = tpu.vector_load %arg6[%parallel_loop3A_154, %parallel_loop3A_155] {strides = array<i32>} : memref<16x256xi32, #tpu.memory_space<vmem>>, vector<16xi32>,
          %parallel_loop3A_157 = arith.addi %parallel_loop3A_152, %parallel_loop3A_156 : vector<16xi32>
          %parallel_loop3A_158 = arith.constant 483 : i32
          %parallel_loop3A_159 = vector.broadcast %parallel_loop3A_158 : i32 to vector<16xi32>
          %parallel_loop3A_160 = arith.addi %parallel_loop3A_157, %parallel_loop3A_159 : vector<16xi32>
          %parallel_loop3A_161 = arith.constant 64 : i32
          %parallel_loop3A_162 = vector.broadcast %parallel_loop3A_161 : i32 to vector<16xi32>
          %parallel_loop3A_163 = arith.muli %parallel_loop3A_160, %parallel_loop3A_162 : vector<16xi32>
          %parallel_loop3A_164 = arith.constant 9 : i32
          %parallel_loop3A_165 = arith.index_cast %parallel_loop3A_164 : i32 to index
          %parallel_loop3A_166 = arith.index_cast %parallel_loop3A_73 : i32 to index
          %parallel_loop3A_167 = tpu.vector_load %arg6[%parallel_loop3A_165, %parallel_loop3A_166] {strides = array<i32>} : memref<16x256xi32, #tpu.memory_space<vmem>>, vector<16xi32>,
          %parallel_loop3A_168 = arith.constant 7 : i32
          %parallel_loop3A_169 = vector.broadcast %parallel_loop3A_168 : i32 to vector<16xi32>
          %parallel_loop3A_170 = arith.muli %parallel_loop3A_167, %parallel_loop3A_169 : vector<16xi32>
          %parallel_loop3A_171 = arith.constant 15 : i32
          %parallel_loop3A_172 = arith.index_cast %parallel_loop3A_171 : i32 to index
          %parallel_loop3A_173 = arith.index_cast %parallel_loop3A_73 : i32 to index
          %parallel_loop3A_174 = tpu.vector_load %arg6[%parallel_loop3A_172, %parallel_loop3A_173] {strides = array<i32>} : memref<16x256xi32, #tpu.memory_space<vmem>>, vector<16xi32>,
          %parallel_loop3A_175 = arith.addi %parallel_loop3A_170, %parallel_loop3A_174 : vector<16xi32>
          %parallel_loop3A_176 = arith.constant 4 : i32
          %parallel_loop3A_177 = vector.broadcast %parallel_loop3A_176 : i32 to vector<16xi32>
          %parallel_loop3A_178 = arith.muli %parallel_loop3A_175, %parallel_loop3A_177 : vector<16xi32>
          %parallel_loop3A_179 = arith.constant 1 : i32
          %parallel_loop3A_180 = arith.index_cast %parallel_loop3A_179 : i32 to index
          %parallel_loop3A_181 = arith.index_cast %parallel_loop3A_73 : i32 to index
          %parallel_loop3A_182 = tpu.vector_load %arg6[%parallel_loop3A_180, %parallel_loop3A_181] {strides = array<i32>} : memref<16x256xi32, #tpu.memory_space<vmem>>, vector<16xi32>,
          %parallel_loop3A_183 = arith.addi %parallel_loop3A_178, %parallel_loop3A_182 : vector<16xi32>
          %parallel_loop3A_184 = arith.constant 503 : i32
          %parallel_loop3A_185 = vector.broadcast %parallel_loop3A_184 : i32 to vector<16xi32>
          %parallel_loop3A_186 = arith.addi %parallel_loop3A_183, %parallel_loop3A_185 : vector<16xi32>
          %parallel_loop3A_187 = arith.constant 64 : i32
          %parallel_loop3A_188 = vector.broadcast %parallel_loop3A_187 : i32 to vector<16xi32>
          %parallel_loop3A_189 = arith.muli %parallel_loop3A_186, %parallel_loop3A_188 : vector<16xi32>
          %parallel_loop3A_190 = arith.constant 5 : i32
          %parallel_loop3A_191 = arith.index_cast %parallel_loop3A_190 : i32 to index
          %parallel_loop3A_192 = arith.index_cast %parallel_loop3A_73 : i32 to index
          %parallel_loop3A_193 = tpu.vector_load %arg6[%parallel_loop3A_191, %parallel_loop3A_192] {strides = array<i32>} : memref<16x256xi32, #tpu.memory_space<vmem>>, vector<16xi32>,
          %parallel_loop3A_194 = arith.constant 6 : i32
          %parallel_loop3A_195 = vector.broadcast %parallel_loop3A_194 : i32 to vector<16xi32>
          %parallel_loop3A_196 = arith.muli %parallel_loop3A_193, %parallel_loop3A_195 : vector<16xi32>
          %parallel_loop3A_197 = arith.constant 6 : i32
          %parallel_loop3A_198 = arith.index_cast %parallel_loop3A_197 : i32 to index
          %parallel_loop3A_199 = arith.index_cast %parallel_loop3A_73 : i32 to index
          %parallel_loop3A_200 = tpu.vector_load %arg6[%parallel_loop3A_198, %parallel_loop3A_199] {strides = array<i32>} : memref<16x256xi32, #tpu.memory_space<vmem>>, vector<16xi32>,
          %parallel_loop3A_201 = arith.addi %parallel_loop3A_196, %parallel_loop3A_200 : vector<16xi32>
          %parallel_loop3A_202 = arith.constant 5 : i32
          %parallel_loop3A_203 = vector.broadcast %parallel_loop3A_202 : i32 to vector<16xi32>
          %parallel_loop3A_204 = arith.muli %parallel_loop3A_201, %parallel_loop3A_203 : vector<16xi32>
          %parallel_loop3A_205 = arith.constant 14 : i32
          %parallel_loop3A_206 = arith.index_cast %parallel_loop3A_205 : i32 to index
          %parallel_loop3A_207 = arith.index_cast %parallel_loop3A_73 : i32 to index
          %parallel_loop3A_208 = tpu.vector_load %arg6[%parallel_loop3A_206, %parallel_loop3A_207] {strides = array<i32>} : memref<16x256xi32, #tpu.memory_space<vmem>>, vector<16xi32>,
          %parallel_loop3A_209 = arith.addi %parallel_loop3A_204, %parallel_loop3A_208 : vector<16xi32>
          %parallel_loop3A_210 = arith.constant 699 : i32
          %parallel_loop3A_211 = vector.broadcast %parallel_loop3A_210 : i32 to vector<16xi32>
          %parallel_loop3A_212 = arith.addi %parallel_loop3A_209, %parallel_loop3A_211 : vector<16xi32>
          %parallel_loop3A_213 = arith.constant 64 : i32
          %parallel_loop3A_214 = vector.broadcast %parallel_loop3A_213 : i32 to vector<16xi32>
          %parallel_loop3A_215 = arith.muli %parallel_loop3A_212, %parallel_loop3A_214 : vector<16xi32>
          %parallel_loop3A_216 = arith.constant 0 : i32
          %parallel_loop3A_217 = arith.constant 16 : i32
          %parallel_loop3A_218 = arith.constant 1 : i32
          scf.for %parallel_loop3A_219 = %parallel_loop3A_216 to %parallel_loop3A_217 step %parallel_loop3A_218  : i32 {
            %parallel_loop3A_220 = vector.broadcast %parallel_loop3A_219 : i32 to vector<16x1xi32>
            %parallel_loop3A_221 = vector.shape_cast %parallel_loop3A_220 : vector<16x1xi32> to vector<16xi32>
            %parallel_loop3A_222 = tpu.dynamic_gather %parallel_loop3A_91[%parallel_loop3A_221] in [0] : vector<16xi32>, vector<16xi32> -> vector<16xi32>
            %parallel_loop3A_223 = arith.addi %parallel_loop3A_222, %iota3A : vector<16xi32>
            %parallel_loop3A_224 = arith.constant 0 : i32
            %parallel_loop3A_225 = tpu.memref_slice %arg5[%parallel_loop3A_224] : memref<56256xi32, #tpu.memory_space<vmem>> -> memref<56256xi32, #tpu.memory_space<vmem>>
            %parallel_loop3A_226 = tpu.vector_load_idx %parallel_loop3A_225[%parallel_loop3A_223] : memref<56256xi32, #tpu.memory_space<vmem>>[vector<16xi32>], vector<16xi32>,
            %parallel_loop3A_227 = vector.bitcast %parallel_loop3A_226 : vector<16xi32> to vector<32xbf16>
            %parallel_loop3A_228 = arith.constant 16 : i32
            %parallel_loop3A_229 = tpu.memref_slice %arg5[%parallel_loop3A_228] : memref<56256xi32, #tpu.memory_space<vmem>> -> memref<56240xi32, #tpu.memory_space<vmem>>
            %parallel_loop3A_230 = tpu.vector_load_idx %parallel_loop3A_229[%parallel_loop3A_223] : memref<56240xi32, #tpu.memory_space<vmem>>[vector<16xi32>], vector<16xi32>,
            %parallel_loop3A_231 = vector.bitcast %parallel_loop3A_230 : vector<16xi32> to vector<32xbf16>
            %parallel_loop3A_232 = arith.constant 32 : i32
            %parallel_loop3A_233 = tpu.memref_slice %arg5[%parallel_loop3A_232] : memref<56256xi32, #tpu.memory_space<vmem>> -> memref<56224xi32, #tpu.memory_space<vmem>>
            %parallel_loop3A_234 = tpu.vector_load_idx %parallel_loop3A_233[%parallel_loop3A_223] : memref<56224xi32, #tpu.memory_space<vmem>>[vector<16xi32>], vector<16xi32>,
            %parallel_loop3A_235 = vector.bitcast %parallel_loop3A_234 : vector<16xi32> to vector<32xbf16>
            %parallel_loop3A_236 = arith.constant 48 : i32
            %parallel_loop3A_237 = tpu.memref_slice %arg5[%parallel_loop3A_236] : memref<56256xi32, #tpu.memory_space<vmem>> -> memref<56208xi32, #tpu.memory_space<vmem>>
            %parallel_loop3A_238 = tpu.vector_load_idx %parallel_loop3A_237[%parallel_loop3A_223] : memref<56208xi32, #tpu.memory_space<vmem>>[vector<16xi32>], vector<16xi32>,
            %parallel_loop3A_239 = vector.bitcast %parallel_loop3A_238 : vector<16xi32> to vector<32xbf16>
            %parallel_loop3A_240 = vector.broadcast %parallel_loop3A_219 : i32 to vector<16x1xi32>
            %parallel_loop3A_241 = vector.shape_cast %parallel_loop3A_240 : vector<16x1xi32> to vector<16xi32>
            %parallel_loop3A_242 = tpu.dynamic_gather %parallel_loop3A_109[%parallel_loop3A_241] in [0] : vector<16xi32>, vector<16xi32> -> vector<16xi32>
            %parallel_loop3A_243 = arith.addi %parallel_loop3A_242, %iota3A : vector<16xi32>
            %parallel_loop3A_244 = arith.constant 0 : i32
            %parallel_loop3A_245 = tpu.memref_slice %arg5[%parallel_loop3A_244] : memref<56256xi32, #tpu.memory_space<vmem>> -> memref<56256xi32, #tpu.memory_space<vmem>>
            %parallel_loop3A_246 = tpu.vector_load_idx %parallel_loop3A_245[%parallel_loop3A_243] : memref<56256xi32, #tpu.memory_space<vmem>>[vector<16xi32>], vector<16xi32>,
            %parallel_loop3A_247 = vector.bitcast %parallel_loop3A_246 : vector<16xi32> to vector<32xbf16>
            %parallel_loop3A_248 = arith.addf %parallel_loop3A_227, %parallel_loop3A_247 : vector<32xbf16>
            %parallel_loop3A_249 = arith.constant 16 : i32
            %parallel_loop3A_250 = tpu.memref_slice %arg5[%parallel_loop3A_249] : memref<56256xi32, #tpu.memory_space<vmem>> -> memref<56240xi32, #tpu.memory_space<vmem>>
            %parallel_loop3A_251 = tpu.vector_load_idx %parallel_loop3A_250[%parallel_loop3A_243] : memref<56240xi32, #tpu.memory_space<vmem>>[vector<16xi32>], vector<16xi32>,
            %parallel_loop3A_252 = vector.bitcast %parallel_loop3A_251 : vector<16xi32> to vector<32xbf16>
            %parallel_loop3A_253 = arith.addf %parallel_loop3A_231, %parallel_loop3A_252 : vector<32xbf16>
            %parallel_loop3A_254 = arith.constant 32 : i32
            %parallel_loop3A_255 = tpu.memref_slice %arg5[%parallel_loop3A_254] : memref<56256xi32, #tpu.memory_space<vmem>> -> memref<56224xi32, #tpu.memory_space<vmem>>
            %parallel_loop3A_256 = tpu.vector_load_idx %parallel_loop3A_255[%parallel_loop3A_243] : memref<56224xi32, #tpu.memory_space<vmem>>[vector<16xi32>], vector<16xi32>,
            %parallel_loop3A_257 = vector.bitcast %parallel_loop3A_256 : vector<16xi32> to vector<32xbf16>
            %parallel_loop3A_258 = arith.addf %parallel_loop3A_235, %parallel_loop3A_257 : vector<32xbf16>
            %parallel_loop3A_259 = arith.constant 48 : i32
            %parallel_loop3A_260 = tpu.memref_slice %arg5[%parallel_loop3A_259] : memref<56256xi32, #tpu.memory_space<vmem>> -> memref<56208xi32, #tpu.memory_space<vmem>>
            %parallel_loop3A_261 = tpu.vector_load_idx %parallel_loop3A_260[%parallel_loop3A_243] : memref<56208xi32, #tpu.memory_space<vmem>>[vector<16xi32>], vector<16xi32>,
            %parallel_loop3A_262 = vector.bitcast %parallel_loop3A_261 : vector<16xi32> to vector<32xbf16>
            %parallel_loop3A_263 = arith.addf %parallel_loop3A_239, %parallel_loop3A_262 : vector<32xbf16>
            %parallel_loop3A_264 = vector.broadcast %parallel_loop3A_219 : i32 to vector<16x1xi32>
            %parallel_loop3A_265 = vector.shape_cast %parallel_loop3A_264 : vector<16x1xi32> to vector<16xi32>
            %parallel_loop3A_266 = tpu.dynamic_gather %parallel_loop3A_127[%parallel_loop3A_265] in [0] : vector<16xi32>, vector<16xi32> -> vector<16xi32>
            %parallel_loop3A_267 = arith.addi %parallel_loop3A_266, %iota3A : vector<16xi32>
            %parallel_loop3A_268 = arith.constant 0 : i32
            %parallel_loop3A_269 = tpu.memref_slice %arg5[%parallel_loop3A_268] : memref<56256xi32, #tpu.memory_space<vmem>> -> memref<56256xi32, #tpu.memory_space<vmem>>
            %parallel_loop3A_270 = tpu.vector_load_idx %parallel_loop3A_269[%parallel_loop3A_267] : memref<56256xi32, #tpu.memory_space<vmem>>[vector<16xi32>], vector<16xi32>,
            %parallel_loop3A_271 = vector.bitcast %parallel_loop3A_270 : vector<16xi32> to vector<32xbf16>
            %parallel_loop3A_272 = arith.addf %parallel_loop3A_248, %parallel_loop3A_271 : vector<32xbf16>
            %parallel_loop3A_273 = arith.constant 16 : i32
            %parallel_loop3A_274 = tpu.memref_slice %arg5[%parallel_loop3A_273] : memref<56256xi32, #tpu.memory_space<vmem>> -> memref<56240xi32, #tpu.memory_space<vmem>>
            %parallel_loop3A_275 = tpu.vector_load_idx %parallel_loop3A_274[%parallel_loop3A_267] : memref<56240xi32, #tpu.memory_space<vmem>>[vector<16xi32>], vector<16xi32>,
            %parallel_loop3A_276 = vector.bitcast %parallel_loop3A_275 : vector<16xi32> to vector<32xbf16>
            %parallel_loop3A_277 = arith.addf %parallel_loop3A_253, %parallel_loop3A_276 : vector<32xbf16>
            %parallel_loop3A_278 = arith.constant 32 : i32
            %parallel_loop3A_279 = tpu.memref_slice %arg5[%parallel_loop3A_278] : memref<56256xi32, #tpu.memory_space<vmem>> -> memref<56224xi32, #tpu.memory_space<vmem>>
            %parallel_loop3A_280 = tpu.vector_load_idx %parallel_loop3A_279[%parallel_loop3A_267] : memref<56224xi32, #tpu.memory_space<vmem>>[vector<16xi32>], vector<16xi32>,
            %parallel_loop3A_281 = vector.bitcast %parallel_loop3A_280 : vector<16xi32> to vector<32xbf16>
            %parallel_loop3A_282 = arith.addf %parallel_loop3A_258, %parallel_loop3A_281 : vector<32xbf16>
            %parallel_loop3A_283 = arith.constant 48 : i32
            %parallel_loop3A_284 = tpu.memref_slice %arg5[%parallel_loop3A_283] : memref<56256xi32, #tpu.memory_space<vmem>> -> memref<56208xi32, #tpu.memory_space<vmem>>
            %parallel_loop3A_285 = tpu.vector_load_idx %parallel_loop3A_284[%parallel_loop3A_267] : memref<56208xi32, #tpu.memory_space<vmem>>[vector<16xi32>], vector<16xi32>,
            %parallel_loop3A_286 = vector.bitcast %parallel_loop3A_285 : vector<16xi32> to vector<32xbf16>
            %parallel_loop3A_287 = arith.addf %parallel_loop3A_263, %parallel_loop3A_286 : vector<32xbf16>
            %parallel_loop3A_288 = vector.broadcast %parallel_loop3A_219 : i32 to vector<16x1xi32>
            %parallel_loop3A_289 = vector.shape_cast %parallel_loop3A_288 : vector<16x1xi32> to vector<16xi32>
            %parallel_loop3A_290 = tpu.dynamic_gather %parallel_loop3A_145[%parallel_loop3A_289] in [0] : vector<16xi32>, vector<16xi32> -> vector<16xi32>
            %parallel_loop3A_291 = arith.addi %parallel_loop3A_290, %iota3A : vector<16xi32>
            %parallel_loop3A_292 = arith.constant 0 : i32
            %parallel_loop3A_293 = tpu.memref_slice %arg5[%parallel_loop3A_292] : memref<56256xi32, #tpu.memory_space<vmem>> -> memref<56256xi32, #tpu.memory_space<vmem>>
            %parallel_loop3A_294 = tpu.vector_load_idx %parallel_loop3A_293[%parallel_loop3A_291] : memref<56256xi32, #tpu.memory_space<vmem>>[vector<16xi32>], vector<16xi32>,
            %parallel_loop3A_295 = vector.bitcast %parallel_loop3A_294 : vector<16xi32> to vector<32xbf16>
            %parallel_loop3A_296 = arith.addf %parallel_loop3A_272, %parallel_loop3A_295 : vector<32xbf16>
            %parallel_loop3A_297 = arith.constant 16 : i32
            %parallel_loop3A_298 = tpu.memref_slice %arg5[%parallel_loop3A_297] : memref<56256xi32, #tpu.memory_space<vmem>> -> memref<56240xi32, #tpu.memory_space<vmem>>
            %parallel_loop3A_299 = tpu.vector_load_idx %parallel_loop3A_298[%parallel_loop3A_291] : memref<56240xi32, #tpu.memory_space<vmem>>[vector<16xi32>], vector<16xi32>,
            %parallel_loop3A_300 = vector.bitcast %parallel_loop3A_299 : vector<16xi32> to vector<32xbf16>
            %parallel_loop3A_301 = arith.addf %parallel_loop3A_277, %parallel_loop3A_300 : vector<32xbf16>
            %parallel_loop3A_302 = arith.constant 32 : i32
            %parallel_loop3A_303 = tpu.memref_slice %arg5[%parallel_loop3A_302] : memref<56256xi32, #tpu.memory_space<vmem>> -> memref<56224xi32, #tpu.memory_space<vmem>>
            %parallel_loop3A_304 = tpu.vector_load_idx %parallel_loop3A_303[%parallel_loop3A_291] : memref<56224xi32, #tpu.memory_space<vmem>>[vector<16xi32>], vector<16xi32>,
            %parallel_loop3A_305 = vector.bitcast %parallel_loop3A_304 : vector<16xi32> to vector<32xbf16>
            %parallel_loop3A_306 = arith.addf %parallel_loop3A_282, %parallel_loop3A_305 : vector<32xbf16>
            %parallel_loop3A_307 = arith.constant 48 : i32
            %parallel_loop3A_308 = tpu.memref_slice %arg5[%parallel_loop3A_307] : memref<56256xi32, #tpu.memory_space<vmem>> -> memref<56208xi32, #tpu.memory_space<vmem>>
            %parallel_loop3A_309 = tpu.vector_load_idx %parallel_loop3A_308[%parallel_loop3A_291] : memref<56208xi32, #tpu.memory_space<vmem>>[vector<16xi32>], vector<16xi32>,
            %parallel_loop3A_310 = vector.bitcast %parallel_loop3A_309 : vector<16xi32> to vector<32xbf16>
            %parallel_loop3A_311 = arith.addf %parallel_loop3A_287, %parallel_loop3A_310 : vector<32xbf16>
            %parallel_loop3A_312 = vector.broadcast %parallel_loop3A_219 : i32 to vector<16x1xi32>
            %parallel_loop3A_313 = vector.shape_cast %parallel_loop3A_312 : vector<16x1xi32> to vector<16xi32>
            %parallel_loop3A_314 = tpu.dynamic_gather %parallel_loop3A_163[%parallel_loop3A_313] in [0] : vector<16xi32>, vector<16xi32> -> vector<16xi32>
            %parallel_loop3A_315 = arith.addi %parallel_loop3A_314, %iota3A : vector<16xi32>
            %parallel_loop3A_316 = arith.constant 0 : i32
            %parallel_loop3A_317 = tpu.memref_slice %arg5[%parallel_loop3A_316] : memref<56256xi32, #tpu.memory_space<vmem>> -> memref<56256xi32, #tpu.memory_space<vmem>>
            %parallel_loop3A_318 = tpu.vector_load_idx %parallel_loop3A_317[%parallel_loop3A_315] : memref<56256xi32, #tpu.memory_space<vmem>>[vector<16xi32>], vector<16xi32>,
            %parallel_loop3A_319 = vector.bitcast %parallel_loop3A_318 : vector<16xi32> to vector<32xbf16>
            %parallel_loop3A_320 = arith.addf %parallel_loop3A_296, %parallel_loop3A_319 : vector<32xbf16>
            %parallel_loop3A_321 = arith.constant 16 : i32
            %parallel_loop3A_322 = tpu.memref_slice %arg5[%parallel_loop3A_321] : memref<56256xi32, #tpu.memory_space<vmem>> -> memref<56240xi32, #tpu.memory_space<vmem>>
            %parallel_loop3A_323 = tpu.vector_load_idx %parallel_loop3A_322[%parallel_loop3A_315] : memref<56240xi32, #tpu.memory_space<vmem>>[vector<16xi32>], vector<16xi32>,
            %parallel_loop3A_324 = vector.bitcast %parallel_loop3A_323 : vector<16xi32> to vector<32xbf16>
            %parallel_loop3A_325 = arith.addf %parallel_loop3A_301, %parallel_loop3A_324 : vector<32xbf16>
            %parallel_loop3A_326 = arith.constant 32 : i32
            %parallel_loop3A_327 = tpu.memref_slice %arg5[%parallel_loop3A_326] : memref<56256xi32, #tpu.memory_space<vmem>> -> memref<56224xi32, #tpu.memory_space<vmem>>
            %parallel_loop3A_328 = tpu.vector_load_idx %parallel_loop3A_327[%parallel_loop3A_315] : memref<56224xi32, #tpu.memory_space<vmem>>[vector<16xi32>], vector<16xi32>,
            %parallel_loop3A_329 = vector.bitcast %parallel_loop3A_328 : vector<16xi32> to vector<32xbf16>
            %parallel_loop3A_330 = arith.addf %parallel_loop3A_306, %parallel_loop3A_329 : vector<32xbf16>
            %parallel_loop3A_331 = arith.constant 48 : i32
            %parallel_loop3A_332 = tpu.memref_slice %arg5[%parallel_loop3A_331] : memref<56256xi32, #tpu.memory_space<vmem>> -> memref<56208xi32, #tpu.memory_space<vmem>>
            %parallel_loop3A_333 = tpu.vector_load_idx %parallel_loop3A_332[%parallel_loop3A_315] : memref<56208xi32, #tpu.memory_space<vmem>>[vector<16xi32>], vector<16xi32>,
            %parallel_loop3A_334 = vector.bitcast %parallel_loop3A_333 : vector<16xi32> to vector<32xbf16>
            %parallel_loop3A_335 = arith.addf %parallel_loop3A_311, %parallel_loop3A_334 : vector<32xbf16>
            %parallel_loop3A_336 = vector.broadcast %parallel_loop3A_219 : i32 to vector<16x1xi32>
            %parallel_loop3A_337 = vector.shape_cast %parallel_loop3A_336 : vector<16x1xi32> to vector<16xi32>
            %parallel_loop3A_338 = tpu.dynamic_gather %parallel_loop3A_189[%parallel_loop3A_337] in [0] : vector<16xi32>, vector<16xi32> -> vector<16xi32>
            %parallel_loop3A_339 = arith.addi %parallel_loop3A_338, %iota3A : vector<16xi32>
            %parallel_loop3A_340 = arith.constant 0 : i32
            %parallel_loop3A_341 = tpu.memref_slice %arg5[%parallel_loop3A_340] : memref<56256xi32, #tpu.memory_space<vmem>> -> memref<56256xi32, #tpu.memory_space<vmem>>
            %parallel_loop3A_342 = tpu.vector_load_idx %parallel_loop3A_341[%parallel_loop3A_339] : memref<56256xi32, #tpu.memory_space<vmem>>[vector<16xi32>], vector<16xi32>,
            %parallel_loop3A_343 = vector.bitcast %parallel_loop3A_342 : vector<16xi32> to vector<32xbf16>
            %parallel_loop3A_344 = arith.addf %parallel_loop3A_320, %parallel_loop3A_343 : vector<32xbf16>
            %parallel_loop3A_345 = arith.constant 16 : i32
            %parallel_loop3A_346 = tpu.memref_slice %arg5[%parallel_loop3A_345] : memref<56256xi32, #tpu.memory_space<vmem>> -> memref<56240xi32, #tpu.memory_space<vmem>>
            %parallel_loop3A_347 = tpu.vector_load_idx %parallel_loop3A_346[%parallel_loop3A_339] : memref<56240xi32, #tpu.memory_space<vmem>>[vector<16xi32>], vector<16xi32>,
            %parallel_loop3A_348 = vector.bitcast %parallel_loop3A_347 : vector<16xi32> to vector<32xbf16>
            %parallel_loop3A_349 = arith.addf %parallel_loop3A_325, %parallel_loop3A_348 : vector<32xbf16>
            %parallel_loop3A_350 = arith.constant 32 : i32
            %parallel_loop3A_351 = tpu.memref_slice %arg5[%parallel_loop3A_350] : memref<56256xi32, #tpu.memory_space<vmem>> -> memref<56224xi32, #tpu.memory_space<vmem>>
            %parallel_loop3A_352 = tpu.vector_load_idx %parallel_loop3A_351[%parallel_loop3A_339] : memref<56224xi32, #tpu.memory_space<vmem>>[vector<16xi32>], vector<16xi32>,
            %parallel_loop3A_353 = vector.bitcast %parallel_loop3A_352 : vector<16xi32> to vector<32xbf16>
            %parallel_loop3A_354 = arith.addf %parallel_loop3A_330, %parallel_loop3A_353 : vector<32xbf16>
            %parallel_loop3A_355 = arith.constant 48 : i32
            %parallel_loop3A_356 = tpu.memref_slice %arg5[%parallel_loop3A_355] : memref<56256xi32, #tpu.memory_space<vmem>> -> memref<56208xi32, #tpu.memory_space<vmem>>
            %parallel_loop3A_357 = tpu.vector_load_idx %parallel_loop3A_356[%parallel_loop3A_339] : memref<56208xi32, #tpu.memory_space<vmem>>[vector<16xi32>], vector<16xi32>,
            %parallel_loop3A_358 = vector.bitcast %parallel_loop3A_357 : vector<16xi32> to vector<32xbf16>
            %parallel_loop3A_359 = arith.addf %parallel_loop3A_335, %parallel_loop3A_358 : vector<32xbf16>
            %parallel_loop3A_360 = vector.broadcast %parallel_loop3A_219 : i32 to vector<16x1xi32>
            %parallel_loop3A_361 = vector.shape_cast %parallel_loop3A_360 : vector<16x1xi32> to vector<16xi32>
            %parallel_loop3A_362 = tpu.dynamic_gather %parallel_loop3A_215[%parallel_loop3A_361] in [0] : vector<16xi32>, vector<16xi32> -> vector<16xi32>
            %parallel_loop3A_363 = arith.addi %parallel_loop3A_362, %iota3A : vector<16xi32>
            %parallel_loop3A_364 = arith.constant 0 : i32
            %parallel_loop3A_365 = tpu.memref_slice %arg5[%parallel_loop3A_364] : memref<56256xi32, #tpu.memory_space<vmem>> -> memref<56256xi32, #tpu.memory_space<vmem>>
            %parallel_loop3A_366 = tpu.vector_load_idx %parallel_loop3A_365[%parallel_loop3A_363] : memref<56256xi32, #tpu.memory_space<vmem>>[vector<16xi32>], vector<16xi32>,
            %parallel_loop3A_367 = vector.bitcast %parallel_loop3A_366 : vector<16xi32> to vector<32xbf16>
            %parallel_loop3A_368 = arith.addf %parallel_loop3A_344, %parallel_loop3A_367 : vector<32xbf16>
            %parallel_loop3A_369 = arith.constant 16 : i32
            %parallel_loop3A_370 = tpu.memref_slice %arg5[%parallel_loop3A_369] : memref<56256xi32, #tpu.memory_space<vmem>> -> memref<56240xi32, #tpu.memory_space<vmem>>
            %parallel_loop3A_371 = tpu.vector_load_idx %parallel_loop3A_370[%parallel_loop3A_363] : memref<56240xi32, #tpu.memory_space<vmem>>[vector<16xi32>], vector<16xi32>,
            %parallel_loop3A_372 = vector.bitcast %parallel_loop3A_371 : vector<16xi32> to vector<32xbf16>
            %parallel_loop3A_373 = arith.addf %parallel_loop3A_349, %parallel_loop3A_372 : vector<32xbf16>
            %parallel_loop3A_374 = arith.constant 32 : i32
            %parallel_loop3A_375 = tpu.memref_slice %arg5[%parallel_loop3A_374] : memref<56256xi32, #tpu.memory_space<vmem>> -> memref<56224xi32, #tpu.memory_space<vmem>>
            %parallel_loop3A_376 = tpu.vector_load_idx %parallel_loop3A_375[%parallel_loop3A_363] : memref<56224xi32, #tpu.memory_space<vmem>>[vector<16xi32>], vector<16xi32>,
            %parallel_loop3A_377 = vector.bitcast %parallel_loop3A_376 : vector<16xi32> to vector<32xbf16>
            %parallel_loop3A_378 = arith.addf %parallel_loop3A_354, %parallel_loop3A_377 : vector<32xbf16>
            %parallel_loop3A_379 = arith.constant 48 : i32
            %parallel_loop3A_380 = tpu.memref_slice %arg5[%parallel_loop3A_379] : memref<56256xi32, #tpu.memory_space<vmem>> -> memref<56208xi32, #tpu.memory_space<vmem>>
            %parallel_loop3A_381 = tpu.vector_load_idx %parallel_loop3A_380[%parallel_loop3A_363] : memref<56208xi32, #tpu.memory_space<vmem>>[vector<16xi32>], vector<16xi32>,
            %parallel_loop3A_382 = vector.bitcast %parallel_loop3A_381 : vector<16xi32> to vector<32xbf16>
            %parallel_loop3A_383 = arith.addf %parallel_loop3A_359, %parallel_loop3A_382 : vector<32xbf16>
            %parallel_loop3A_384 = arith.addi %parallel_loop3A_73, %parallel_loop3A_219 : i32
            %parallel_loop3A_385 = tpu.unpack_subelements %parallel_loop3A_368, 0 {pack_format = #tpu.pack_format<interleaved>} : vector<32xbf16> -> vector<16xf32>
            %parallel_loop3A_386 = tpu.unpack_subelements %parallel_loop3A_368, 1 {pack_format = #tpu.pack_format<interleaved>} : vector<32xbf16> -> vector<16xf32>
            %parallel_loop3A_387 = arith.index_cast %parallel_loop3A_384 : i32 to index
            %parallel_loop3A_388 = arith.constant 0 : index
            %parallel_loop3A_389 = tpu.vector_load %arg8[%parallel_loop3A_387, %parallel_loop3A_388] {strides = array<i32>} : memref<256x128xf32, #tpu.memory_space<vmem>>, vector<16xf32>,
            tpu.vector_store %arg8[%parallel_loop3A_387, %parallel_loop3A_388], %parallel_loop3A_385 {strides = array<i32>} : memref<256x128xf32, #tpu.memory_space<vmem>>, vector<16xf32>,
            %parallel_loop3A_390 = arith.index_cast %parallel_loop3A_384 : i32 to index
            %parallel_loop3A_391 = arith.constant 64 : index
            %parallel_loop3A_392 = tpu.vector_load %arg8[%parallel_loop3A_390, %parallel_loop3A_391] {strides = array<i32>} : memref<256x128xf32, #tpu.memory_space<vmem>>, vector<16xf32>,
            tpu.vector_store %arg8[%parallel_loop3A_390, %parallel_loop3A_391], %parallel_loop3A_386 {strides = array<i32>} : memref<256x128xf32, #tpu.memory_space<vmem>>, vector<16xf32>,
            %parallel_loop3A_393 = tpu.unpack_subelements %parallel_loop3A_373, 0 {pack_format = #tpu.pack_format<interleaved>} : vector<32xbf16> -> vector<16xf32>
            %parallel_loop3A_394 = tpu.unpack_subelements %parallel_loop3A_373, 1 {pack_format = #tpu.pack_format<interleaved>} : vector<32xbf16> -> vector<16xf32>
            %parallel_loop3A_395 = arith.index_cast %parallel_loop3A_384 : i32 to index
            %parallel_loop3A_396 = arith.constant 16 : index
            %parallel_loop3A_397 = tpu.vector_load %arg8[%parallel_loop3A_395, %parallel_loop3A_396] {strides = array<i32>} : memref<256x128xf32, #tpu.memory_space<vmem>>, vector<16xf32>,
            tpu.vector_store %arg8[%parallel_loop3A_395, %parallel_loop3A_396], %parallel_loop3A_393 {strides = array<i32>} : memref<256x128xf32, #tpu.memory_space<vmem>>, vector<16xf32>,
            %parallel_loop3A_398 = arith.index_cast %parallel_loop3A_384 : i32 to index
            %parallel_loop3A_399 = arith.constant 80 : index
            %parallel_loop3A_400 = tpu.vector_load %arg8[%parallel_loop3A_398, %parallel_loop3A_399] {strides = array<i32>} : memref<256x128xf32, #tpu.memory_space<vmem>>, vector<16xf32>,
            tpu.vector_store %arg8[%parallel_loop3A_398, %parallel_loop3A_399], %parallel_loop3A_394 {strides = array<i32>} : memref<256x128xf32, #tpu.memory_space<vmem>>, vector<16xf32>,
            %parallel_loop3A_401 = tpu.unpack_subelements %parallel_loop3A_378, 0 {pack_format = #tpu.pack_format<interleaved>} : vector<32xbf16> -> vector<16xf32>
            %parallel_loop3A_402 = tpu.unpack_subelements %parallel_loop3A_378, 1 {pack_format = #tpu.pack_format<interleaved>} : vector<32xbf16> -> vector<16xf32>
            %parallel_loop3A_403 = arith.index_cast %parallel_loop3A_384 : i32 to index
            %parallel_loop3A_404 = arith.constant 32 : index
            %parallel_loop3A_405 = tpu.vector_load %arg8[%parallel_loop3A_403, %parallel_loop3A_404] {strides = array<i32>} : memref<256x128xf32, #tpu.memory_space<vmem>>, vector<16xf32>,
            tpu.vector_store %arg8[%parallel_loop3A_403, %parallel_loop3A_404], %parallel_loop3A_401 {strides = array<i32>} : memref<256x128xf32, #tpu.memory_space<vmem>>, vector<16xf32>,
            %parallel_loop3A_406 = arith.index_cast %parallel_loop3A_384 : i32 to index
            %parallel_loop3A_407 = arith.constant 96 : index
            %parallel_loop3A_408 = tpu.vector_load %arg8[%parallel_loop3A_406, %parallel_loop3A_407] {strides = array<i32>} : memref<256x128xf32, #tpu.memory_space<vmem>>, vector<16xf32>,
            tpu.vector_store %arg8[%parallel_loop3A_406, %parallel_loop3A_407], %parallel_loop3A_402 {strides = array<i32>} : memref<256x128xf32, #tpu.memory_space<vmem>>, vector<16xf32>,
            %parallel_loop3A_409 = tpu.unpack_subelements %parallel_loop3A_383, 0 {pack_format = #tpu.pack_format<interleaved>} : vector<32xbf16> -> vector<16xf32>
            %parallel_loop3A_410 = tpu.unpack_subelements %parallel_loop3A_383, 1 {pack_format = #tpu.pack_format<interleaved>} : vector<32xbf16> -> vector<16xf32>
            %parallel_loop3A_411 = arith.index_cast %parallel_loop3A_384 : i32 to index
            %parallel_loop3A_412 = arith.constant 48 : index
            %parallel_loop3A_413 = tpu.vector_load %arg8[%parallel_loop3A_411, %parallel_loop3A_412] {strides = array<i32>} : memref<256x128xf32, #tpu.memory_space<vmem>>, vector<16xf32>,
            tpu.vector_store %arg8[%parallel_loop3A_411, %parallel_loop3A_412], %parallel_loop3A_409 {strides = array<i32>} : memref<256x128xf32, #tpu.memory_space<vmem>>, vector<16xf32>,
            %parallel_loop3A_414 = arith.index_cast %parallel_loop3A_384 : i32 to index
            %parallel_loop3A_415 = arith.constant 112 : index
            %parallel_loop3A_416 = tpu.vector_load %arg8[%parallel_loop3A_414, %parallel_loop3A_415] {strides = array<i32>} : memref<256x128xf32, #tpu.memory_space<vmem>>, vector<16xf32>,
            tpu.vector_store %arg8[%parallel_loop3A_414, %parallel_loop3A_415], %parallel_loop3A_410 {strides = array<i32>} : memref<256x128xf32, #tpu.memory_space<vmem>>, vector<16xf32>,
          } {sc.loop_unroll_factor = 2 : i64, sc.parallel_access}
        } {sc.loop_unroll_factor = 1 : i64, sc.parallel_access}
        %mul3A_66 = arith.constant 256 : i32
        %mul3A_67 = arith.muli %add3A_29, %mul3A_66 : i32
        %dma_start3A = arith.constant 0 : i32
        %dma_start3A_68 = tpu.memref_slice %arg4[%mul3A_67, %dma_start3A] : memref<100000x128xf32, #tpu.memory_space<hbm>> -> memref<256x128xf32, #tpu.memory_space<hbm>>
        %dma_start3A_69 = arith.constant 0 : i32
        %dma_start3A_70 = tpu.memref_slice %arg4[%mul3A_67, %dma_start3A_69] : memref<100000x128xf32, #tpu.memory_space<hbm>> -> memref<256x128xf32, #tpu.memory_space<hbm>>
        tpu.enqueue_dma source(%arg8 : memref<256x128xf32, #tpu.memory_space<vmem>>) target(%dma_start3A_70 : memref<256x128xf32, #tpu.memory_space<hbm>>) target_semaphore(%arg12 : memref<!tpu.dma_semaphore, #tpu.memory_space<semaphore_mem>>)
      } else {
      }
      %le3A_44 = arith.constant 389 : i32
      %le3A_45 = arith.cmpi sle, %add3A_33, %le3A_44 : i32
      %convert_element_type3A_46 = arith.extui %le3A_45 : i1 to i32
      %cond3A_47 = arith.constant 0 : i32
      %cond3A_48 = arith.cmpi ne, %convert_element_type3A_46, %cond3A_47 : i32
      scf.if %cond3A_48 {
        %mul3A_54 = arith.constant 256 : i32
        %mul3A_55 = arith.muli %add3A_33, %mul3A_54 : i32
        %dma_start3A = arith.constant 0 : i32
        %dma_start3A_56 = tpu.memref_slice %arg2[%dma_start3A, %mul3A_55] : memref<16x100096xi32, #tpu.memory_space<hbm>> -> memref<16x256xi32, #tpu.memory_space<hbm>>
        %dma_start3A_57 = arith.constant 0 : i32
        %dma_start3A_58 = tpu.memref_slice %arg2[%dma_start3A_57, %mul3A_55] : memref<16x100096xi32, #tpu.memory_space<hbm>> -> memref<16x256xi32, #tpu.memory_space<hbm>>
        tpu.enqueue_dma source(%dma_start3A_58 : memref<16x256xi32, #tpu.memory_space<hbm>>) target(%arg6 : memref<16x256xi32, #tpu.memory_space<vmem>>) target_semaphore(%arg10 : memref<!tpu.dma_semaphore, #tpu.memory_space<semaphore_mem>>)
      } else {
      }
      %le3A_49 = arith.constant 389 : i32
      %le3A_50 = arith.cmpi sle, %add3A_31, %le3A_49 : i32
      %convert_element_type3A_51 = arith.extui %le3A_50 : i1 to i32
      %cond3A_52 = arith.constant 0 : i32
      %cond3A_53 = arith.cmpi ne, %convert_element_type3A_51, %cond3A_52 : i32
      scf.if %cond3A_53 {
        %gt3A = arith.constant 0 : i32
        %gt3A_54 = arith.cmpi sgt, %add3A_26, %gt3A : i32
        %convert_element_type3A_55 = arith.extui %gt3A_54 : i1 to i32
        %cond3A_56 = arith.constant 0 : i32
        %cond3A_57 = arith.cmpi ne, %convert_element_type3A_55, %cond3A_56 : i32
        scf.if %cond3A_57 {
          %dma_wait3A_71 = arith.constant 0 : i32
          %dma_wait3A_72 = arith.constant 0 : i32
          %dma_wait3A_73 = tpu.memref_slice %arg4[%dma_wait3A_71, %dma_wait3A_72] : memref<100000x128xf32, #tpu.memory_space<hbm>> -> memref<256x128xf32, #tpu.memory_space<hbm>>
          %dma_wait3A_74 = arith.constant 0 : i32
          %dma_wait3A_75 = arith.constant 0 : i32
          %dma_wait3A_76 = tpu.memref_slice %arg4[%dma_wait3A_74, %dma_wait3A_75] : memref<100000x128xf32, #tpu.memory_space<hbm>> -> memref<256x128xf32, #tpu.memory_space<hbm>>
          tpu.wait_dma2 semaphore(%arg13 : memref<!tpu.dma_semaphore, #tpu.memory_space<semaphore_mem>>) src(%dma_wait3A_76 : memref<256x128xf32, #tpu.memory_space<hbm>>) dst(%arg9 : memref<256x128xf32, #tpu.memory_space<vmem>>)
        } else {
        }
        %dma_wait3A_58 = arith.constant 0 : i32
        %dma_wait3A_59 = arith.constant 0 : i32
        %dma_wait3A_60 = tpu.memref_slice %arg2[%dma_wait3A_58, %dma_wait3A_59] : memref<16x100096xi32, #tpu.memory_space<hbm>> -> memref<16x256xi32, #tpu.memory_space<hbm>>
        %dma_wait3A_61 = arith.constant 0 : i32
        %dma_wait3A_62 = arith.constant 0 : i32
        %dma_wait3A_63 = tpu.memref_slice %arg2[%dma_wait3A_61, %dma_wait3A_62] : memref<16x100096xi32, #tpu.memory_space<hbm>> -> memref<16x256xi32, #tpu.memory_space<hbm>>
        tpu.wait_dma2 semaphore(%arg11 : memref<!tpu.dma_semaphore, #tpu.memory_space<semaphore_mem>>) src(%dma_wait3A_63 : memref<16x256xi32, #tpu.memory_space<hbm>>) dst(%arg7 : memref<16x256xi32, #tpu.memory_space<vmem>>)
        %parallel_loop3A = arith.constant 0 : i32
        %parallel_loop3A_64 = arith.constant 16 : i32
        %parallel_loop3A_65 = arith.constant 1 : i32
        scf.for %parallel_loop3A_71 = %parallel_loop3A to %parallel_loop3A_64 step %parallel_loop3A_65  : i32 {
          %parallel_loop3A_72 = arith.constant 16 : i32
          %parallel_loop3A_73 = arith.muli %parallel_loop3A_71, %parallel_loop3A_72 : i32
          %parallel_loop3A_74 = arith.constant 0 : i32
          %parallel_loop3A_75 = arith.index_cast %parallel_loop3A_74 : i32 to index
          %parallel_loop3A_76 = arith.index_cast %parallel_loop3A_73 : i32 to index
          %parallel_loop3A_77 = tpu.vector_load %arg7[%parallel_loop3A_75, %parallel_loop3A_76] {strides = array<i32>} : memref<16x256xi32, #tpu.memory_space<vmem>>, vector<16xi32>,
          %parallel_loop3A_78 = arith.constant 1 : i32
          %parallel_loop3A_79 = vector.broadcast %parallel_loop3A_78 : i32 to vector<16xi32>
          %parallel_loop3A_80 = arith.muli %parallel_loop3A_77, %parallel_loop3A_79 : vector<16xi32>
          %parallel_loop3A_81 = arith.constant 10 : i32
          %parallel_loop3A_82 = arith.index_cast %parallel_loop3A_81 : i32 to index
          %parallel_loop3A_83 = arith.index_cast %parallel_loop3A_73 : i32 to index
          %parallel_loop3A_84 = tpu.vector_load %arg7[%parallel_loop3A_82, %parallel_loop3A_83] {strides = array<i32>} : memref<16x256xi32, #tpu.memory_space<vmem>>, vector<16xi32>,
          %parallel_loop3A_85 = arith.addi %parallel_loop3A_80, %parallel_loop3A_84 : vector<16xi32>
          %parallel_loop3A_86 = arith.constant 0 : i32
          %parallel_loop3A_87 = vector.broadcast %parallel_loop3A_86 : i32 to vector<16xi32>
          %parallel_loop3A_88 = arith.addi %parallel_loop3A_85, %parallel_loop3A_87 : vector<16xi32>
          %parallel_loop3A_89 = arith.constant 64 : i32
          %parallel_loop3A_90 = vector.broadcast %parallel_loop3A_89 : i32 to vector<16xi32>
          %parallel_loop3A_91 = arith.muli %parallel_loop3A_88, %parallel_loop3A_90 : vector<16xi32>
          %parallel_loop3A_92 = arith.constant 12 : i32
          %parallel_loop3A_93 = arith.index_cast %parallel_loop3A_92 : i32 to index
          %parallel_loop3A_94 = arith.index_cast %parallel_loop3A_73 : i32 to index
          %parallel_loop3A_95 = tpu.vector_load %arg7[%parallel_loop3A_93, %parallel_loop3A_94] {strides = array<i32>} : memref<16x256xi32, #tpu.memory_space<vmem>>, vector<16xi32>,
          %parallel_loop3A_96 = arith.constant 2 : i32
          %parallel_loop3A_97 = vector.broadcast %parallel_loop3A_96 : i32 to vector<16xi32>
          %parallel_loop3A_98 = arith.muli %parallel_loop3A_95, %parallel_loop3A_97 : vector<16xi32>
          %parallel_loop3A_99 = arith.constant 7 : i32
          %parallel_loop3A_100 = arith.index_cast %parallel_loop3A_99 : i32 to index
          %parallel_loop3A_101 = arith.index_cast %parallel_loop3A_73 : i32 to index
          %parallel_loop3A_102 = tpu.vector_load %arg7[%parallel_loop3A_100, %parallel_loop3A_101] {strides = array<i32>} : memref<16x256xi32, #tpu.memory_space<vmem>>, vector<16xi32>,
          %parallel_loop3A_103 = arith.addi %parallel_loop3A_98, %parallel_loop3A_102 : vector<16xi32>
          %parallel_loop3A_104 = arith.constant 119 : i32
          %parallel_loop3A_105 = vector.broadcast %parallel_loop3A_104 : i32 to vector<16xi32>
          %parallel_loop3A_106 = arith.addi %parallel_loop3A_103, %parallel_loop3A_105 : vector<16xi32>
          %parallel_loop3A_107 = arith.constant 64 : i32
          %parallel_loop3A_108 = vector.broadcast %parallel_loop3A_107 : i32 to vector<16xi32>
          %parallel_loop3A_109 = arith.muli %parallel_loop3A_106, %parallel_loop3A_108 : vector<16xi32>
          %parallel_loop3A_110 = arith.constant 11 : i32
          %parallel_loop3A_111 = arith.index_cast %parallel_loop3A_110 : i32 to index
          %parallel_loop3A_112 = arith.index_cast %parallel_loop3A_73 : i32 to index
          %parallel_loop3A_113 = tpu.vector_load %arg7[%parallel_loop3A_111, %parallel_loop3A_112] {strides = array<i32>} : memref<16x256xi32, #tpu.memory_space<vmem>>, vector<16xi32>,
          %parallel_loop3A_114 = arith.constant 2 : i32
          %parallel_loop3A_115 = vector.broadcast %parallel_loop3A_114 : i32 to vector<16xi32>
          %parallel_loop3A_116 = arith.muli %parallel_loop3A_113, %parallel_loop3A_115 : vector<16xi32>
          %parallel_loop3A_117 = arith.constant 8 : i32
          %parallel_loop3A_118 = arith.index_cast %parallel_loop3A_117 : i32 to index
          %parallel_loop3A_119 = arith.index_cast %parallel_loop3A_73 : i32 to index
          %parallel_loop3A_120 = tpu.vector_load %arg7[%parallel_loop3A_118, %parallel_loop3A_119] {strides = array<i32>} : memref<16x256xi32, #tpu.memory_space<vmem>>, vector<16xi32>,
          %parallel_loop3A_121 = arith.addi %parallel_loop3A_116, %parallel_loop3A_120 : vector<16xi32>
          %parallel_loop3A_122 = arith.constant 241 : i32
          %parallel_loop3A_123 = vector.broadcast %parallel_loop3A_122 : i32 to vector<16xi32>
          %parallel_loop3A_124 = arith.addi %parallel_loop3A_121, %parallel_loop3A_123 : vector<16xi32>
          %parallel_loop3A_125 = arith.constant 64 : i32
          %parallel_loop3A_126 = vector.broadcast %parallel_loop3A_125 : i32 to vector<16xi32>
          %parallel_loop3A_127 = arith.muli %parallel_loop3A_124, %parallel_loop3A_126 : vector<16xi32>
          %parallel_loop3A_128 = arith.constant 2 : i32
          %parallel_loop3A_129 = arith.index_cast %parallel_loop3A_128 : i32 to index
          %parallel_loop3A_130 = arith.index_cast %parallel_loop3A_73 : i32 to index
          %parallel_loop3A_131 = tpu.vector_load %arg7[%parallel_loop3A_129, %parallel_loop3A_130] {strides = array<i32>} : memref<16x256xi32, #tpu.memory_space<vmem>>, vector<16xi32>,
          %parallel_loop3A_132 = arith.constant 12 : i32
          %parallel_loop3A_133 = vector.broadcast %parallel_loop3A_132 : i32 to vector<16xi32>
          %parallel_loop3A_134 = arith.muli %parallel_loop3A_131, %parallel_loop3A_133 : vector<16xi32>
          %parallel_loop3A_135 = arith.constant 3 : i32
          %parallel_loop3A_136 = arith.index_cast %parallel_loop3A_135 : i32 to index
          %parallel_loop3A_137 = arith.index_cast %parallel_loop3A_73 : i32 to index
          %parallel_loop3A_138 = tpu.vector_load %arg7[%parallel_loop3A_136, %parallel_loop3A_137] {strides = array<i32>} : memref<16x256xi32, #tpu.memory_space<vmem>>, vector<16xi32>,
          %parallel_loop3A_139 = arith.addi %parallel_loop3A_134, %parallel_loop3A_138 : vector<16xi32>
          %parallel_loop3A_140 = arith.constant 339 : i32
          %parallel_loop3A_141 = vector.broadcast %parallel_loop3A_140 : i32 to vector<16xi32>
          %parallel_loop3A_142 = arith.addi %parallel_loop3A_139, %parallel_loop3A_141 : vector<16xi32>
          %parallel_loop3A_143 = arith.constant 64 : i32
          %parallel_loop3A_144 = vector.broadcast %parallel_loop3A_143 : i32 to vector<16xi32>
          %parallel_loop3A_145 = arith.muli %parallel_loop3A_142, %parallel_loop3A_144 : vector<16xi32>
          %parallel_loop3A_146 = arith.constant 4 : i32
          %parallel_loop3A_147 = arith.index_cast %parallel_loop3A_146 : i32 to index
          %parallel_loop3A_148 = arith.index_cast %parallel_loop3A_73 : i32 to index
          %parallel_loop3A_149 = tpu.vector_load %arg7[%parallel_loop3A_147, %parallel_loop3A_148] {strides = array<i32>} : memref<16x256xi32, #tpu.memory_space<vmem>>, vector<16xi32>,
          %parallel_loop3A_150 = arith.constant 2 : i32
          %parallel_loop3A_151 = vector.broadcast %parallel_loop3A_150 : i32 to vector<16xi32>
          %parallel_loop3A_152 = arith.muli %parallel_loop3A_149, %parallel_loop3A_151 : vector<16xi32>
          %parallel_loop3A_153 = arith.constant 13 : i32
          %parallel_loop3A_154 = arith.index_cast %parallel_loop3A_153 : i32 to index
          %parallel_loop3A_155 = arith.index_cast %parallel_loop3A_73 : i32 to index
          %parallel_loop3A_156 = tpu.vector_load %arg7[%parallel_loop3A_154, %parallel_loop3A_155] {strides = array<i32>} : memref<16x256xi32, #tpu.memory_space<vmem>>, vector<16xi32>,
          %parallel_loop3A_157 = arith.addi %parallel_loop3A_152, %parallel_loop3A_156 : vector<16xi32>
          %parallel_loop3A_158 = arith.constant 483 : i32
          %parallel_loop3A_159 = vector.broadcast %parallel_loop3A_158 : i32 to vector<16xi32>
          %parallel_loop3A_160 = arith.addi %parallel_loop3A_157, %parallel_loop3A_159 : vector<16xi32>
          %parallel_loop3A_161 = arith.constant 64 : i32
          %parallel_loop3A_162 = vector.broadcast %parallel_loop3A_161 : i32 to vector<16xi32>
          %parallel_loop3A_163 = arith.muli %parallel_loop3A_160, %parallel_loop3A_162 : vector<16xi32>
          %parallel_loop3A_164 = arith.constant 9 : i32
          %parallel_loop3A_165 = arith.index_cast %parallel_loop3A_164 : i32 to index
          %parallel_loop3A_166 = arith.index_cast %parallel_loop3A_73 : i32 to index
          %parallel_loop3A_167 = tpu.vector_load %arg7[%parallel_loop3A_165, %parallel_loop3A_166] {strides = array<i32>} : memref<16x256xi32, #tpu.memory_space<vmem>>, vector<16xi32>,
          %parallel_loop3A_168 = arith.constant 7 : i32
          %parallel_loop3A_169 = vector.broadcast %parallel_loop3A_168 : i32 to vector<16xi32>
          %parallel_loop3A_170 = arith.muli %parallel_loop3A_167, %parallel_loop3A_169 : vector<16xi32>
          %parallel_loop3A_171 = arith.constant 15 : i32
          %parallel_loop3A_172 = arith.index_cast %parallel_loop3A_171 : i32 to index
          %parallel_loop3A_173 = arith.index_cast %parallel_loop3A_73 : i32 to index
          %parallel_loop3A_174 = tpu.vector_load %arg7[%parallel_loop3A_172, %parallel_loop3A_173] {strides = array<i32>} : memref<16x256xi32, #tpu.memory_space<vmem>>, vector<16xi32>,
          %parallel_loop3A_175 = arith.addi %parallel_loop3A_170, %parallel_loop3A_174 : vector<16xi32>
          %parallel_loop3A_176 = arith.constant 4 : i32
          %parallel_loop3A_177 = vector.broadcast %parallel_loop3A_176 : i32 to vector<16xi32>
          %parallel_loop3A_178 = arith.muli %parallel_loop3A_175, %parallel_loop3A_177 : vector<16xi32>
          %parallel_loop3A_179 = arith.constant 1 : i32
          %parallel_loop3A_180 = arith.index_cast %parallel_loop3A_179 : i32 to index
          %parallel_loop3A_181 = arith.index_cast %parallel_loop3A_73 : i32 to index
          %parallel_loop3A_182 = tpu.vector_load %arg7[%parallel_loop3A_180, %parallel_loop3A_181] {strides = array<i32>} : memref<16x256xi32, #tpu.memory_space<vmem>>, vector<16xi32>,
          %parallel_loop3A_183 = arith.addi %parallel_loop3A_178, %parallel_loop3A_182 : vector<16xi32>
          %parallel_loop3A_184 = arith.constant 503 : i32
          %parallel_loop3A_185 = vector.broadcast %parallel_loop3A_184 : i32 to vector<16xi32>
          %parallel_loop3A_186 = arith.addi %parallel_loop3A_183, %parallel_loop3A_185 : vector<16xi32>
          %parallel_loop3A_187 = arith.constant 64 : i32
          %parallel_loop3A_188 = vector.broadcast %parallel_loop3A_187 : i32 to vector<16xi32>
          %parallel_loop3A_189 = arith.muli %parallel_loop3A_186, %parallel_loop3A_188 : vector<16xi32>
          %parallel_loop3A_190 = arith.constant 5 : i32
          %parallel_loop3A_191 = arith.index_cast %parallel_loop3A_190 : i32 to index
          %parallel_loop3A_192 = arith.index_cast %parallel_loop3A_73 : i32 to index
          %parallel_loop3A_193 = tpu.vector_load %arg7[%parallel_loop3A_191, %parallel_loop3A_192] {strides = array<i32>} : memref<16x256xi32, #tpu.memory_space<vmem>>, vector<16xi32>,
          %parallel_loop3A_194 = arith.constant 6 : i32
          %parallel_loop3A_195 = vector.broadcast %parallel_loop3A_194 : i32 to vector<16xi32>
          %parallel_loop3A_196 = arith.muli %parallel_loop3A_193, %parallel_loop3A_195 : vector<16xi32>
          %parallel_loop3A_197 = arith.constant 6 : i32
          %parallel_loop3A_198 = arith.index_cast %parallel_loop3A_197 : i32 to index
          %parallel_loop3A_199 = arith.index_cast %parallel_loop3A_73 : i32 to index
          %parallel_loop3A_200 = tpu.vector_load %arg7[%parallel_loop3A_198, %parallel_loop3A_199] {strides = array<i32>} : memref<16x256xi32, #tpu.memory_space<vmem>>, vector<16xi32>,
          %parallel_loop3A_201 = arith.addi %parallel_loop3A_196, %parallel_loop3A_200 : vector<16xi32>
          %parallel_loop3A_202 = arith.constant 5 : i32
          %parallel_loop3A_203 = vector.broadcast %parallel_loop3A_202 : i32 to vector<16xi32>
          %parallel_loop3A_204 = arith.muli %parallel_loop3A_201, %parallel_loop3A_203 : vector<16xi32>
          %parallel_loop3A_205 = arith.constant 14 : i32
          %parallel_loop3A_206 = arith.index_cast %parallel_loop3A_205 : i32 to index
          %parallel_loop3A_207 = arith.index_cast %parallel_loop3A_73 : i32 to index
          %parallel_loop3A_208 = tpu.vector_load %arg7[%parallel_loop3A_206, %parallel_loop3A_207] {strides = array<i32>} : memref<16x256xi32, #tpu.memory_space<vmem>>, vector<16xi32>,
          %parallel_loop3A_209 = arith.addi %parallel_loop3A_204, %parallel_loop3A_208 : vector<16xi32>
          %parallel_loop3A_210 = arith.constant 699 : i32
          %parallel_loop3A_211 = vector.broadcast %parallel_loop3A_210 : i32 to vector<16xi32>
          %parallel_loop3A_212 = arith.addi %parallel_loop3A_209, %parallel_loop3A_211 : vector<16xi32>
          %parallel_loop3A_213 = arith.constant 64 : i32
          %parallel_loop3A_214 = vector.broadcast %parallel_loop3A_213 : i32 to vector<16xi32>
          %parallel_loop3A_215 = arith.muli %parallel_loop3A_212, %parallel_loop3A_214 : vector<16xi32>
          %parallel_loop3A_216 = arith.constant 0 : i32
          %parallel_loop3A_217 = arith.constant 16 : i32
          %parallel_loop3A_218 = arith.constant 1 : i32
          scf.for %parallel_loop3A_219 = %parallel_loop3A_216 to %parallel_loop3A_217 step %parallel_loop3A_218  : i32 {
            %parallel_loop3A_220 = vector.broadcast %parallel_loop3A_219 : i32 to vector<16x1xi32>
            %parallel_loop3A_221 = vector.shape_cast %parallel_loop3A_220 : vector<16x1xi32> to vector<16xi32>
            %parallel_loop3A_222 = tpu.dynamic_gather %parallel_loop3A_91[%parallel_loop3A_221] in [0] : vector<16xi32>, vector<16xi32> -> vector<16xi32>
            %parallel_loop3A_223 = arith.addi %parallel_loop3A_222, %iota3A : vector<16xi32>
            %parallel_loop3A_224 = arith.constant 0 : i32
            %parallel_loop3A_225 = tpu.memref_slice %arg5[%parallel_loop3A_224] : memref<56256xi32, #tpu.memory_space<vmem>> -> memref<56256xi32, #tpu.memory_space<vmem>>
            %parallel_loop3A_226 = tpu.vector_load_idx %parallel_loop3A_225[%parallel_loop3A_223] : memref<56256xi32, #tpu.memory_space<vmem>>[vector<16xi32>], vector<16xi32>,
            %parallel_loop3A_227 = vector.bitcast %parallel_loop3A_226 : vector<16xi32> to vector<32xbf16>
            %parallel_loop3A_228 = arith.constant 16 : i32
            %parallel_loop3A_229 = tpu.memref_slice %arg5[%parallel_loop3A_228] : memref<56256xi32, #tpu.memory_space<vmem>> -> memref<56240xi32, #tpu.memory_space<vmem>>
            %parallel_loop3A_230 = tpu.vector_load_idx %parallel_loop3A_229[%parallel_loop3A_223] : memref<56240xi32, #tpu.memory_space<vmem>>[vector<16xi32>], vector<16xi32>,
            %parallel_loop3A_231 = vector.bitcast %parallel_loop3A_230 : vector<16xi32> to vector<32xbf16>
            %parallel_loop3A_232 = arith.constant 32 : i32
            %parallel_loop3A_233 = tpu.memref_slice %arg5[%parallel_loop3A_232] : memref<56256xi32, #tpu.memory_space<vmem>> -> memref<56224xi32, #tpu.memory_space<vmem>>
            %parallel_loop3A_234 = tpu.vector_load_idx %parallel_loop3A_233[%parallel_loop3A_223] : memref<56224xi32, #tpu.memory_space<vmem>>[vector<16xi32>], vector<16xi32>,
            %parallel_loop3A_235 = vector.bitcast %parallel_loop3A_234 : vector<16xi32> to vector<32xbf16>
            %parallel_loop3A_236 = arith.constant 48 : i32
            %parallel_loop3A_237 = tpu.memref_slice %arg5[%parallel_loop3A_236] : memref<56256xi32, #tpu.memory_space<vmem>> -> memref<56208xi32, #tpu.memory_space<vmem>>
            %parallel_loop3A_238 = tpu.vector_load_idx %parallel_loop3A_237[%parallel_loop3A_223] : memref<56208xi32, #tpu.memory_space<vmem>>[vector<16xi32>], vector<16xi32>,
            %parallel_loop3A_239 = vector.bitcast %parallel_loop3A_238 : vector<16xi32> to vector<32xbf16>
            %parallel_loop3A_240 = vector.broadcast %parallel_loop3A_219 : i32 to vector<16x1xi32>
            %parallel_loop3A_241 = vector.shape_cast %parallel_loop3A_240 : vector<16x1xi32> to vector<16xi32>
            %parallel_loop3A_242 = tpu.dynamic_gather %parallel_loop3A_109[%parallel_loop3A_241] in [0] : vector<16xi32>, vector<16xi32> -> vector<16xi32>
            %parallel_loop3A_243 = arith.addi %parallel_loop3A_242, %iota3A : vector<16xi32>
            %parallel_loop3A_244 = arith.constant 0 : i32
            %parallel_loop3A_245 = tpu.memref_slice %arg5[%parallel_loop3A_244] : memref<56256xi32, #tpu.memory_space<vmem>> -> memref<56256xi32, #tpu.memory_space<vmem>>
            %parallel_loop3A_246 = tpu.vector_load_idx %parallel_loop3A_245[%parallel_loop3A_243] : memref<56256xi32, #tpu.memory_space<vmem>>[vector<16xi32>], vector<16xi32>,
            %parallel_loop3A_247 = vector.bitcast %parallel_loop3A_246 : vector<16xi32> to vector<32xbf16>
            %parallel_loop3A_248 = arith.addf %parallel_loop3A_227, %parallel_loop3A_247 : vector<32xbf16>
            %parallel_loop3A_249 = arith.constant 16 : i32
            %parallel_loop3A_250 = tpu.memref_slice %arg5[%parallel_loop3A_249] : memref<56256xi32, #tpu.memory_space<vmem>> -> memref<56240xi32, #tpu.memory_space<vmem>>
            %parallel_loop3A_251 = tpu.vector_load_idx %parallel_loop3A_250[%parallel_loop3A_243] : memref<56240xi32, #tpu.memory_space<vmem>>[vector<16xi32>], vector<16xi32>,
            %parallel_loop3A_252 = vector.bitcast %parallel_loop3A_251 : vector<16xi32> to vector<32xbf16>
            %parallel_loop3A_253 = arith.addf %parallel_loop3A_231, %parallel_loop3A_252 : vector<32xbf16>
            %parallel_loop3A_254 = arith.constant 32 : i32
            %parallel_loop3A_255 = tpu.memref_slice %arg5[%parallel_loop3A_254] : memref<56256xi32, #tpu.memory_space<vmem>> -> memref<56224xi32, #tpu.memory_space<vmem>>
            %parallel_loop3A_256 = tpu.vector_load_idx %parallel_loop3A_255[%parallel_loop3A_243] : memref<56224xi32, #tpu.memory_space<vmem>>[vector<16xi32>], vector<16xi32>,
            %parallel_loop3A_257 = vector.bitcast %parallel_loop3A_256 : vector<16xi32> to vector<32xbf16>
            %parallel_loop3A_258 = arith.addf %parallel_loop3A_235, %parallel_loop3A_257 : vector<32xbf16>
            %parallel_loop3A_259 = arith.constant 48 : i32
            %parallel_loop3A_260 = tpu.memref_slice %arg5[%parallel_loop3A_259] : memref<56256xi32, #tpu.memory_space<vmem>> -> memref<56208xi32, #tpu.memory_space<vmem>>
            %parallel_loop3A_261 = tpu.vector_load_idx %parallel_loop3A_260[%parallel_loop3A_243] : memref<56208xi32, #tpu.memory_space<vmem>>[vector<16xi32>], vector<16xi32>,
            %parallel_loop3A_262 = vector.bitcast %parallel_loop3A_261 : vector<16xi32> to vector<32xbf16>
            %parallel_loop3A_263 = arith.addf %parallel_loop3A_239, %parallel_loop3A_262 : vector<32xbf16>
            %parallel_loop3A_264 = vector.broadcast %parallel_loop3A_219 : i32 to vector<16x1xi32>
            %parallel_loop3A_265 = vector.shape_cast %parallel_loop3A_264 : vector<16x1xi32> to vector<16xi32>
            %parallel_loop3A_266 = tpu.dynamic_gather %parallel_loop3A_127[%parallel_loop3A_265] in [0] : vector<16xi32>, vector<16xi32> -> vector<16xi32>
            %parallel_loop3A_267 = arith.addi %parallel_loop3A_266, %iota3A : vector<16xi32>
            %parallel_loop3A_268 = arith.constant 0 : i32
            %parallel_loop3A_269 = tpu.memref_slice %arg5[%parallel_loop3A_268] : memref<56256xi32, #tpu.memory_space<vmem>> -> memref<56256xi32, #tpu.memory_space<vmem>>
            %parallel_loop3A_270 = tpu.vector_load_idx %parallel_loop3A_269[%parallel_loop3A_267] : memref<56256xi32, #tpu.memory_space<vmem>>[vector<16xi32>], vector<16xi32>,
            %parallel_loop3A_271 = vector.bitcast %parallel_loop3A_270 : vector<16xi32> to vector<32xbf16>
            %parallel_loop3A_272 = arith.addf %parallel_loop3A_248, %parallel_loop3A_271 : vector<32xbf16>
            %parallel_loop3A_273 = arith.constant 16 : i32
            %parallel_loop3A_274 = tpu.memref_slice %arg5[%parallel_loop3A_273] : memref<56256xi32, #tpu.memory_space<vmem>> -> memref<56240xi32, #tpu.memory_space<vmem>>
            %parallel_loop3A_275 = tpu.vector_load_idx %parallel_loop3A_274[%parallel_loop3A_267] : memref<56240xi32, #tpu.memory_space<vmem>>[vector<16xi32>], vector<16xi32>,
            %parallel_loop3A_276 = vector.bitcast %parallel_loop3A_275 : vector<16xi32> to vector<32xbf16>
            %parallel_loop3A_277 = arith.addf %parallel_loop3A_253, %parallel_loop3A_276 : vector<32xbf16>
            %parallel_loop3A_278 = arith.constant 32 : i32
            %parallel_loop3A_279 = tpu.memref_slice %arg5[%parallel_loop3A_278] : memref<56256xi32, #tpu.memory_space<vmem>> -> memref<56224xi32, #tpu.memory_space<vmem>>
            %parallel_loop3A_280 = tpu.vector_load_idx %parallel_loop3A_279[%parallel_loop3A_267] : memref<56224xi32, #tpu.memory_space<vmem>>[vector<16xi32>], vector<16xi32>,
            %parallel_loop3A_281 = vector.bitcast %parallel_loop3A_280 : vector<16xi32> to vector<32xbf16>
            %parallel_loop3A_282 = arith.addf %parallel_loop3A_258, %parallel_loop3A_281 : vector<32xbf16>
            %parallel_loop3A_283 = arith.constant 48 : i32
            %parallel_loop3A_284 = tpu.memref_slice %arg5[%parallel_loop3A_283] : memref<56256xi32, #tpu.memory_space<vmem>> -> memref<56208xi32, #tpu.memory_space<vmem>>
            %parallel_loop3A_285 = tpu.vector_load_idx %parallel_loop3A_284[%parallel_loop3A_267] : memref<56208xi32, #tpu.memory_space<vmem>>[vector<16xi32>], vector<16xi32>,
            %parallel_loop3A_286 = vector.bitcast %parallel_loop3A_285 : vector<16xi32> to vector<32xbf16>
            %parallel_loop3A_287 = arith.addf %parallel_loop3A_263, %parallel_loop3A_286 : vector<32xbf16>
            %parallel_loop3A_288 = vector.broadcast %parallel_loop3A_219 : i32 to vector<16x1xi32>
            %parallel_loop3A_289 = vector.shape_cast %parallel_loop3A_288 : vector<16x1xi32> to vector<16xi32>
            %parallel_loop3A_290 = tpu.dynamic_gather %parallel_loop3A_145[%parallel_loop3A_289] in [0] : vector<16xi32>, vector<16xi32> -> vector<16xi32>
            %parallel_loop3A_291 = arith.addi %parallel_loop3A_290, %iota3A : vector<16xi32>
            %parallel_loop3A_292 = arith.constant 0 : i32
            %parallel_loop3A_293 = tpu.memref_slice %arg5[%parallel_loop3A_292] : memref<56256xi32, #tpu.memory_space<vmem>> -> memref<56256xi32, #tpu.memory_space<vmem>>
            %parallel_loop3A_294 = tpu.vector_load_idx %parallel_loop3A_293[%parallel_loop3A_291] : memref<56256xi32, #tpu.memory_space<vmem>>[vector<16xi32>], vector<16xi32>,
            %parallel_loop3A_295 = vector.bitcast %parallel_loop3A_294 : vector<16xi32> to vector<32xbf16>
            %parallel_loop3A_296 = arith.addf %parallel_loop3A_272, %parallel_loop3A_295 : vector<32xbf16>
            %parallel_loop3A_297 = arith.constant 16 : i32
            %parallel_loop3A_298 = tpu.memref_slice %arg5[%parallel_loop3A_297] : memref<56256xi32, #tpu.memory_space<vmem>> -> memref<56240xi32, #tpu.memory_space<vmem>>
            %parallel_loop3A_299 = tpu.vector_load_idx %parallel_loop3A_298[%parallel_loop3A_291] : memref<56240xi32, #tpu.memory_space<vmem>>[vector<16xi32>], vector<16xi32>,
            %parallel_loop3A_300 = vector.bitcast %parallel_loop3A_299 : vector<16xi32> to vector<32xbf16>
            %parallel_loop3A_301 = arith.addf %parallel_loop3A_277, %parallel_loop3A_300 : vector<32xbf16>
            %parallel_loop3A_302 = arith.constant 32 : i32
            %parallel_loop3A_303 = tpu.memref_slice %arg5[%parallel_loop3A_302] : memref<56256xi32, #tpu.memory_space<vmem>> -> memref<56224xi32, #tpu.memory_space<vmem>>
            %parallel_loop3A_304 = tpu.vector_load_idx %parallel_loop3A_303[%parallel_loop3A_291] : memref<56224xi32, #tpu.memory_space<vmem>>[vector<16xi32>], vector<16xi32>,
            %parallel_loop3A_305 = vector.bitcast %parallel_loop3A_304 : vector<16xi32> to vector<32xbf16>
            %parallel_loop3A_306 = arith.addf %parallel_loop3A_282, %parallel_loop3A_305 : vector<32xbf16>
            %parallel_loop3A_307 = arith.constant 48 : i32
            %parallel_loop3A_308 = tpu.memref_slice %arg5[%parallel_loop3A_307] : memref<56256xi32, #tpu.memory_space<vmem>> -> memref<56208xi32, #tpu.memory_space<vmem>>
            %parallel_loop3A_309 = tpu.vector_load_idx %parallel_loop3A_308[%parallel_loop3A_291] : memref<56208xi32, #tpu.memory_space<vmem>>[vector<16xi32>], vector<16xi32>,
            %parallel_loop3A_310 = vector.bitcast %parallel_loop3A_309 : vector<16xi32> to vector<32xbf16>
            %parallel_loop3A_311 = arith.addf %parallel_loop3A_287, %parallel_loop3A_310 : vector<32xbf16>
            %parallel_loop3A_312 = vector.broadcast %parallel_loop3A_219 : i32 to vector<16x1xi32>
            %parallel_loop3A_313 = vector.shape_cast %parallel_loop3A_312 : vector<16x1xi32> to vector<16xi32>
            %parallel_loop3A_314 = tpu.dynamic_gather %parallel_loop3A_163[%parallel_loop3A_313] in [0] : vector<16xi32>, vector<16xi32> -> vector<16xi32>
            %parallel_loop3A_315 = arith.addi %parallel_loop3A_314, %iota3A : vector<16xi32>
            %parallel_loop3A_316 = arith.constant 0 : i32
            %parallel_loop3A_317 = tpu.memref_slice %arg5[%parallel_loop3A_316] : memref<56256xi32, #tpu.memory_space<vmem>> -> memref<56256xi32, #tpu.memory_space<vmem>>
            %parallel_loop3A_318 = tpu.vector_load_idx %parallel_loop3A_317[%parallel_loop3A_315] : memref<56256xi32, #tpu.memory_space<vmem>>[vector<16xi32>], vector<16xi32>,
            %parallel_loop3A_319 = vector.bitcast %parallel_loop3A_318 : vector<16xi32> to vector<32xbf16>
            %parallel_loop3A_320 = arith.addf %parallel_loop3A_296, %parallel_loop3A_319 : vector<32xbf16>
            %parallel_loop3A_321 = arith.constant 16 : i32
            %parallel_loop3A_322 = tpu.memref_slice %arg5[%parallel_loop3A_321] : memref<56256xi32, #tpu.memory_space<vmem>> -> memref<56240xi32, #tpu.memory_space<vmem>>
            %parallel_loop3A_323 = tpu.vector_load_idx %parallel_loop3A_322[%parallel_loop3A_315] : memref<56240xi32, #tpu.memory_space<vmem>>[vector<16xi32>], vector<16xi32>,
            %parallel_loop3A_324 = vector.bitcast %parallel_loop3A_323 : vector<16xi32> to vector<32xbf16>
            %parallel_loop3A_325 = arith.addf %parallel_loop3A_301, %parallel_loop3A_324 : vector<32xbf16>
            %parallel_loop3A_326 = arith.constant 32 : i32
            %parallel_loop3A_327 = tpu.memref_slice %arg5[%parallel_loop3A_326] : memref<56256xi32, #tpu.memory_space<vmem>> -> memref<56224xi32, #tpu.memory_space<vmem>>
            %parallel_loop3A_328 = tpu.vector_load_idx %parallel_loop3A_327[%parallel_loop3A_315] : memref<56224xi32, #tpu.memory_space<vmem>>[vector<16xi32>], vector<16xi32>,
            %parallel_loop3A_329 = vector.bitcast %parallel_loop3A_328 : vector<16xi32> to vector<32xbf16>
            %parallel_loop3A_330 = arith.addf %parallel_loop3A_306, %parallel_loop3A_329 : vector<32xbf16>
            %parallel_loop3A_331 = arith.constant 48 : i32
            %parallel_loop3A_332 = tpu.memref_slice %arg5[%parallel_loop3A_331] : memref<56256xi32, #tpu.memory_space<vmem>> -> memref<56208xi32, #tpu.memory_space<vmem>>
            %parallel_loop3A_333 = tpu.vector_load_idx %parallel_loop3A_332[%parallel_loop3A_315] : memref<56208xi32, #tpu.memory_space<vmem>>[vector<16xi32>], vector<16xi32>,
            %parallel_loop3A_334 = vector.bitcast %parallel_loop3A_333 : vector<16xi32> to vector<32xbf16>
            %parallel_loop3A_335 = arith.addf %parallel_loop3A_311, %parallel_loop3A_334 : vector<32xbf16>
            %parallel_loop3A_336 = vector.broadcast %parallel_loop3A_219 : i32 to vector<16x1xi32>
            %parallel_loop3A_337 = vector.shape_cast %parallel_loop3A_336 : vector<16x1xi32> to vector<16xi32>
            %parallel_loop3A_338 = tpu.dynamic_gather %parallel_loop3A_189[%parallel_loop3A_337] in [0] : vector<16xi32>, vector<16xi32> -> vector<16xi32>
            %parallel_loop3A_339 = arith.addi %parallel_loop3A_338, %iota3A : vector<16xi32>
            %parallel_loop3A_340 = arith.constant 0 : i32
            %parallel_loop3A_341 = tpu.memref_slice %arg5[%parallel_loop3A_340] : memref<56256xi32, #tpu.memory_space<vmem>> -> memref<56256xi32, #tpu.memory_space<vmem>>
            %parallel_loop3A_342 = tpu.vector_load_idx %parallel_loop3A_341[%parallel_loop3A_339] : memref<56256xi32, #tpu.memory_space<vmem>>[vector<16xi32>], vector<16xi32>,
            %parallel_loop3A_343 = vector.bitcast %parallel_loop3A_342 : vector<16xi32> to vector<32xbf16>
            %parallel_loop3A_344 = arith.addf %parallel_loop3A_320, %parallel_loop3A_343 : vector<32xbf16>
            %parallel_loop3A_345 = arith.constant 16 : i32
            %parallel_loop3A_346 = tpu.memref_slice %arg5[%parallel_loop3A_345] : memref<56256xi32, #tpu.memory_space<vmem>> -> memref<56240xi32, #tpu.memory_space<vmem>>
            %parallel_loop3A_347 = tpu.vector_load_idx %parallel_loop3A_346[%parallel_loop3A_339] : memref<56240xi32, #tpu.memory_space<vmem>>[vector<16xi32>], vector<16xi32>,
            %parallel_loop3A_348 = vector.bitcast %parallel_loop3A_347 : vector<16xi32> to vector<32xbf16>
            %parallel_loop3A_349 = arith.addf %parallel_loop3A_325, %parallel_loop3A_348 : vector<32xbf16>
            %parallel_loop3A_350 = arith.constant 32 : i32
            %parallel_loop3A_351 = tpu.memref_slice %arg5[%parallel_loop3A_350] : memref<56256xi32, #tpu.memory_space<vmem>> -> memref<56224xi32, #tpu.memory_space<vmem>>
            %parallel_loop3A_352 = tpu.vector_load_idx %parallel_loop3A_351[%parallel_loop3A_339] : memref<56224xi32, #tpu.memory_space<vmem>>[vector<16xi32>], vector<16xi32>,
            %parallel_loop3A_353 = vector.bitcast %parallel_loop3A_352 : vector<16xi32> to vector<32xbf16>
            %parallel_loop3A_354 = arith.addf %parallel_loop3A_330, %parallel_loop3A_353 : vector<32xbf16>
            %parallel_loop3A_355 = arith.constant 48 : i32
            %parallel_loop3A_356 = tpu.memref_slice %arg5[%parallel_loop3A_355] : memref<56256xi32, #tpu.memory_space<vmem>> -> memref<56208xi32, #tpu.memory_space<vmem>>
            %parallel_loop3A_357 = tpu.vector_load_idx %parallel_loop3A_356[%parallel_loop3A_339] : memref<56208xi32, #tpu.memory_space<vmem>>[vector<16xi32>], vector<16xi32>,
            %parallel_loop3A_358 = vector.bitcast %parallel_loop3A_357 : vector<16xi32> to vector<32xbf16>
            %parallel_loop3A_359 = arith.addf %parallel_loop3A_335, %parallel_loop3A_358 : vector<32xbf16>
            %parallel_loop3A_360 = vector.broadcast %parallel_loop3A_219 : i32 to vector<16x1xi32>
            %parallel_loop3A_361 = vector.shape_cast %parallel_loop3A_360 : vector<16x1xi32> to vector<16xi32>
            %parallel_loop3A_362 = tpu.dynamic_gather %parallel_loop3A_215[%parallel_loop3A_361] in [0] : vector<16xi32>, vector<16xi32> -> vector<16xi32>
            %parallel_loop3A_363 = arith.addi %parallel_loop3A_362, %iota3A : vector<16xi32>
            %parallel_loop3A_364 = arith.constant 0 : i32
            %parallel_loop3A_365 = tpu.memref_slice %arg5[%parallel_loop3A_364] : memref<56256xi32, #tpu.memory_space<vmem>> -> memref<56256xi32, #tpu.memory_space<vmem>>
            %parallel_loop3A_366 = tpu.vector_load_idx %parallel_loop3A_365[%parallel_loop3A_363] : memref<56256xi32, #tpu.memory_space<vmem>>[vector<16xi32>], vector<16xi32>,
            %parallel_loop3A_367 = vector.bitcast %parallel_loop3A_366 : vector<16xi32> to vector<32xbf16>
            %parallel_loop3A_368 = arith.addf %parallel_loop3A_344, %parallel_loop3A_367 : vector<32xbf16>
            %parallel_loop3A_369 = arith.constant 16 : i32
            %parallel_loop3A_370 = tpu.memref_slice %arg5[%parallel_loop3A_369] : memref<56256xi32, #tpu.memory_space<vmem>> -> memref<56240xi32, #tpu.memory_space<vmem>>
            %parallel_loop3A_371 = tpu.vector_load_idx %parallel_loop3A_370[%parallel_loop3A_363] : memref<56240xi32, #tpu.memory_space<vmem>>[vector<16xi32>], vector<16xi32>,
            %parallel_loop3A_372 = vector.bitcast %parallel_loop3A_371 : vector<16xi32> to vector<32xbf16>
            %parallel_loop3A_373 = arith.addf %parallel_loop3A_349, %parallel_loop3A_372 : vector<32xbf16>
            %parallel_loop3A_374 = arith.constant 32 : i32
            %parallel_loop3A_375 = tpu.memref_slice %arg5[%parallel_loop3A_374] : memref<56256xi32, #tpu.memory_space<vmem>> -> memref<56224xi32, #tpu.memory_space<vmem>>
            %parallel_loop3A_376 = tpu.vector_load_idx %parallel_loop3A_375[%parallel_loop3A_363] : memref<56224xi32, #tpu.memory_space<vmem>>[vector<16xi32>], vector<16xi32>,
            %parallel_loop3A_377 = vector.bitcast %parallel_loop3A_376 : vector<16xi32> to vector<32xbf16>
            %parallel_loop3A_378 = arith.addf %parallel_loop3A_354, %parallel_loop3A_377 : vector<32xbf16>
            %parallel_loop3A_379 = arith.constant 48 : i32
            %parallel_loop3A_380 = tpu.memref_slice %arg5[%parallel_loop3A_379] : memref<56256xi32, #tpu.memory_space<vmem>> -> memref<56208xi32, #tpu.memory_space<vmem>>
            %parallel_loop3A_381 = tpu.vector_load_idx %parallel_loop3A_380[%parallel_loop3A_363] : memref<56208xi32, #tpu.memory_space<vmem>>[vector<16xi32>], vector<16xi32>,
            %parallel_loop3A_382 = vector.bitcast %parallel_loop3A_381 : vector<16xi32> to vector<32xbf16>
            %parallel_loop3A_383 = arith.addf %parallel_loop3A_359, %parallel_loop3A_382 : vector<32xbf16>
            %parallel_loop3A_384 = arith.addi %parallel_loop3A_73, %parallel_loop3A_219 : i32
            %parallel_loop3A_385 = tpu.unpack_subelements %parallel_loop3A_368, 0 {pack_format = #tpu.pack_format<interleaved>} : vector<32xbf16> -> vector<16xf32>
            %parallel_loop3A_386 = tpu.unpack_subelements %parallel_loop3A_368, 1 {pack_format = #tpu.pack_format<interleaved>} : vector<32xbf16> -> vector<16xf32>
            %parallel_loop3A_387 = arith.index_cast %parallel_loop3A_384 : i32 to index
            %parallel_loop3A_388 = arith.constant 0 : index
            %parallel_loop3A_389 = tpu.vector_load %arg9[%parallel_loop3A_387, %parallel_loop3A_388] {strides = array<i32>} : memref<256x128xf32, #tpu.memory_space<vmem>>, vector<16xf32>,
            tpu.vector_store %arg9[%parallel_loop3A_387, %parallel_loop3A_388], %parallel_loop3A_385 {strides = array<i32>} : memref<256x128xf32, #tpu.memory_space<vmem>>, vector<16xf32>,
            %parallel_loop3A_390 = arith.index_cast %parallel_loop3A_384 : i32 to index
            %parallel_loop3A_391 = arith.constant 64 : index
            %parallel_loop3A_392 = tpu.vector_load %arg9[%parallel_loop3A_390, %parallel_loop3A_391] {strides = array<i32>} : memref<256x128xf32, #tpu.memory_space<vmem>>, vector<16xf32>,
            tpu.vector_store %arg9[%parallel_loop3A_390, %parallel_loop3A_391], %parallel_loop3A_386 {strides = array<i32>} : memref<256x128xf32, #tpu.memory_space<vmem>>, vector<16xf32>,
            %parallel_loop3A_393 = tpu.unpack_subelements %parallel_loop3A_373, 0 {pack_format = #tpu.pack_format<interleaved>} : vector<32xbf16> -> vector<16xf32>
            %parallel_loop3A_394 = tpu.unpack_subelements %parallel_loop3A_373, 1 {pack_format = #tpu.pack_format<interleaved>} : vector<32xbf16> -> vector<16xf32>
            %parallel_loop3A_395 = arith.index_cast %parallel_loop3A_384 : i32 to index
            %parallel_loop3A_396 = arith.constant 16 : index
            %parallel_loop3A_397 = tpu.vector_load %arg9[%parallel_loop3A_395, %parallel_loop3A_396] {strides = array<i32>} : memref<256x128xf32, #tpu.memory_space<vmem>>, vector<16xf32>,
            tpu.vector_store %arg9[%parallel_loop3A_395, %parallel_loop3A_396], %parallel_loop3A_393 {strides = array<i32>} : memref<256x128xf32, #tpu.memory_space<vmem>>, vector<16xf32>,
            %parallel_loop3A_398 = arith.index_cast %parallel_loop3A_384 : i32 to index
            %parallel_loop3A_399 = arith.constant 80 : index
            %parallel_loop3A_400 = tpu.vector_load %arg9[%parallel_loop3A_398, %parallel_loop3A_399] {strides = array<i32>} : memref<256x128xf32, #tpu.memory_space<vmem>>, vector<16xf32>,
            tpu.vector_store %arg9[%parallel_loop3A_398, %parallel_loop3A_399], %parallel_loop3A_394 {strides = array<i32>} : memref<256x128xf32, #tpu.memory_space<vmem>>, vector<16xf32>,
            %parallel_loop3A_401 = tpu.unpack_subelements %parallel_loop3A_378, 0 {pack_format = #tpu.pack_format<interleaved>} : vector<32xbf16> -> vector<16xf32>
            %parallel_loop3A_402 = tpu.unpack_subelements %parallel_loop3A_378, 1 {pack_format = #tpu.pack_format<interleaved>} : vector<32xbf16> -> vector<16xf32>
            %parallel_loop3A_403 = arith.index_cast %parallel_loop3A_384 : i32 to index
            %parallel_loop3A_404 = arith.constant 32 : index
            %parallel_loop3A_405 = tpu.vector_load %arg9[%parallel_loop3A_403, %parallel_loop3A_404] {strides = array<i32>} : memref<256x128xf32, #tpu.memory_space<vmem>>, vector<16xf32>,
            tpu.vector_store %arg9[%parallel_loop3A_403, %parallel_loop3A_404], %parallel_loop3A_401 {strides = array<i32>} : memref<256x128xf32, #tpu.memory_space<vmem>>, vector<16xf32>,
            %parallel_loop3A_406 = arith.index_cast %parallel_loop3A_384 : i32 to index
            %parallel_loop3A_407 = arith.constant 96 : index
            %parallel_loop3A_408 = tpu.vector_load %arg9[%parallel_loop3A_406, %parallel_loop3A_407] {strides = array<i32>} : memref<256x128xf32, #tpu.memory_space<vmem>>, vector<16xf32>,
            tpu.vector_store %arg9[%parallel_loop3A_406, %parallel_loop3A_407], %parallel_loop3A_402 {strides = array<i32>} : memref<256x128xf32, #tpu.memory_space<vmem>>, vector<16xf32>,
            %parallel_loop3A_409 = tpu.unpack_subelements %parallel_loop3A_383, 0 {pack_format = #tpu.pack_format<interleaved>} : vector<32xbf16> -> vector<16xf32>
            %parallel_loop3A_410 = tpu.unpack_subelements %parallel_loop3A_383, 1 {pack_format = #tpu.pack_format<interleaved>} : vector<32xbf16> -> vector<16xf32>
            %parallel_loop3A_411 = arith.index_cast %parallel_loop3A_384 : i32 to index
            %parallel_loop3A_412 = arith.constant 48 : index
            %parallel_loop3A_413 = tpu.vector_load %arg9[%parallel_loop3A_411, %parallel_loop3A_412] {strides = array<i32>} : memref<256x128xf32, #tpu.memory_space<vmem>>, vector<16xf32>,
            tpu.vector_store %arg9[%parallel_loop3A_411, %parallel_loop3A_412], %parallel_loop3A_409 {strides = array<i32>} : memref<256x128xf32, #tpu.memory_space<vmem>>, vector<16xf32>,
            %parallel_loop3A_414 = arith.index_cast %parallel_loop3A_384 : i32 to index
            %parallel_loop3A_415 = arith.constant 112 : index
            %parallel_loop3A_416 = tpu.vector_load %arg9[%parallel_loop3A_414, %parallel_loop3A_415] {strides = array<i32>} : memref<256x128xf32, #tpu.memory_space<vmem>>, vector<16xf32>,
            tpu.vector_store %arg9[%parallel_loop3A_414, %parallel_loop3A_415], %parallel_loop3A_410 {strides = array<i32>} : memref<256x128xf32, #tpu.memory_space<vmem>>, vector<16xf32>,
          } {sc.loop_unroll_factor = 2 : i64, sc.parallel_access}
        } {sc.loop_unroll_factor = 1 : i64, sc.parallel_access}
        %mul3A_66 = arith.constant 256 : i32
        %mul3A_67 = arith.muli %add3A_31, %mul3A_66 : i32
        %dma_start3A = arith.constant 0 : i32
        %dma_start3A_68 = tpu.memref_slice %arg4[%mul3A_67, %dma_start3A] : memref<100000x128xf32, #tpu.memory_space<hbm>> -> memref<256x128xf32, #tpu.memory_space<hbm>>
        %dma_start3A_69 = arith.constant 0 : i32
        %dma_start3A_70 = tpu.memref_slice %arg4[%mul3A_67, %dma_start3A_69] : memref<100000x128xf32, #tpu.memory_space<hbm>> -> memref<256x128xf32, #tpu.memory_space<hbm>>
        tpu.enqueue_dma source(%arg9 : memref<256x128xf32, #tpu.memory_space<vmem>>) target(%dma_start3A_70 : memref<256x128xf32, #tpu.memory_space<hbm>>) target_semaphore(%arg13 : memref<!tpu.dma_semaphore, #tpu.memory_space<semaphore_mem>>)
      } else {
      }
    }
    %scan3A_6 = arith.constant 7 : i32
    %dma_wait3A = arith.constant 0 : i32
    %dma_wait3A_7 = arith.constant 0 : i32
    %dma_wait3A_8 = tpu.memref_slice %arg4[%dma_wait3A, %dma_wait3A_7] : memref<100000x128xf32, #tpu.memory_space<hbm>> -> memref<256x128xf32, #tpu.memory_space<hbm>>
    %dma_wait3A_9 = arith.constant 0 : i32
    %dma_wait3A_10 = arith.constant 0 : i32
    %dma_wait3A_11 = tpu.memref_slice %arg4[%dma_wait3A_9, %dma_wait3A_10] : memref<100000x128xf32, #tpu.memory_space<hbm>> -> memref<256x128xf32, #tpu.memory_space<hbm>>
    tpu.wait_dma2 semaphore(%arg12 : memref<!tpu.dma_semaphore, #tpu.memory_space<semaphore_mem>>) src(%dma_wait3A_11 : memref<256x128xf32, #tpu.memory_space<hbm>>) dst(%arg8 : memref<256x128xf32, #tpu.memory_space<vmem>>)
    %dma_wait3A_12 = arith.constant 0 : i32
    %dma_wait3A_13 = arith.constant 0 : i32
    %dma_wait3A_14 = tpu.memref_slice %arg4[%dma_wait3A_12, %dma_wait3A_13] : memref<100000x128xf32, #tpu.memory_space<hbm>> -> memref<256x128xf32, #tpu.memory_space<hbm>>
    %dma_wait3A_15 = arith.constant 0 : i32
    %dma_wait3A_16 = arith.constant 0 : i32
    %dma_wait3A_17 = tpu.memref_slice %arg4[%dma_wait3A_15, %dma_wait3A_16] : memref<100000x128xf32, #tpu.memory_space<hbm>> -> memref<256x128xf32, #tpu.memory_space<hbm>>
    tpu.wait_dma2 semaphore(%arg13 : memref<!tpu.dma_semaphore, #tpu.memory_space<semaphore_mem>>) src(%dma_wait3A_17 : memref<256x128xf32, #tpu.memory_space<hbm>>) dst(%arg9 : memref<256x128xf32, #tpu.memory_space<vmem>>)
    %eq3A = arith.constant 31 : i32
    %eq3A_18 = arith.cmpi eq, %add3A, %eq3A : i32
    %convert_element_type3A_19 = arith.extui %eq3A_18 : i1 to i32
    %cond3A_20 = arith.constant 0 : i32
    %cond3A_21 = arith.cmpi ne, %convert_element_type3A_19, %cond3A_20 : i32
    scf.if %cond3A_21 {
      "tpu.region"() ({
        %run_scoped3A = tpu.sem_alloc : memref<!tpu.dma_semaphore, #tpu.memory_space<semaphore_mem>>
        %dma_start3A = arith.constant 0 : i32
        %dma_start3A_24 = arith.constant 99840 : i32
        %dma_start3A_25 = tpu.memref_slice %arg2[%dma_start3A, %dma_start3A_24] : memref<16x100096xi32, #tpu.memory_space<hbm>> -> memref<16x256xi32, #tpu.memory_space<hbm>>
        %dma_start3A_26 = arith.constant 0 : i32
        %dma_start3A_27 = arith.constant 99840 : i32
        %dma_start3A_28 = tpu.memref_slice %arg2[%dma_start3A_26, %dma_start3A_27] : memref<16x100096xi32, #tpu.memory_space<hbm>> -> memref<16x256xi32, #tpu.memory_space<hbm>>
        tpu.enqueue_dma source(%dma_start3A_28 : memref<16x256xi32, #tpu.memory_space<hbm>>) target(%arg6 : memref<16x256xi32, #tpu.memory_space<vmem>>) target_semaphore(%run_scoped3A : memref<!tpu.dma_semaphore, #tpu.memory_space<semaphore_mem>>)
        %dma_wait3A_29 = arith.constant 0 : i32
        %dma_wait3A_30 = arith.constant 99840 : i32
        %dma_wait3A_31 = tpu.memref_slice %arg2[%dma_wait3A_29, %dma_wait3A_30] : memref<16x100096xi32, #tpu.memory_space<hbm>> -> memref<16x256xi32, #tpu.memory_space<hbm>>
        %dma_wait3A_32 = arith.constant 0 : i32
        %dma_wait3A_33 = arith.constant 99840 : i32
        %dma_wait3A_34 = tpu.memref_slice %arg2[%dma_wait3A_32, %dma_wait3A_33] : memref<16x100096xi32, #tpu.memory_space<hbm>> -> memref<16x256xi32, #tpu.memory_space<hbm>>
        tpu.wait_dma2 semaphore(%run_scoped3A : memref<!tpu.dma_semaphore, #tpu.memory_space<semaphore_mem>>) src(%dma_wait3A_34 : memref<16x256xi32, #tpu.memory_space<hbm>>) dst(%arg6 : memref<16x256xi32, #tpu.memory_space<vmem>>)
        tpu.yield
      }) : () -> ()
      %parallel_loop3A = arith.constant 0 : i32
      %parallel_loop3A_22 = arith.constant 16 : i32
      %parallel_loop3A_23 = arith.constant 1 : i32
      scf.for %parallel_loop3A_24 = %parallel_loop3A to %parallel_loop3A_22 step %parallel_loop3A_23  : i32 {
        %parallel_loop3A_25 = arith.constant 16 : i32
        %parallel_loop3A_26 = arith.muli %parallel_loop3A_24, %parallel_loop3A_25 : i32
        %parallel_loop3A_27 = arith.constant 0 : i32
        %parallel_loop3A_28 = arith.index_cast %parallel_loop3A_27 : i32 to index
        %parallel_loop3A_29 = arith.index_cast %parallel_loop3A_26 : i32 to index
        %parallel_loop3A_30 = tpu.vector_load %arg6[%parallel_loop3A_28, %parallel_loop3A_29] {strides = array<i32>} : memref<16x256xi32, #tpu.memory_space<vmem>>, vector<16xi32>,
        %parallel_loop3A_31 = arith.constant 1 : i32
        %parallel_loop3A_32 = vector.broadcast %parallel_loop3A_31 : i32 to vector<16xi32>
        %parallel_loop3A_33 = arith.muli %parallel_loop3A_30, %parallel_loop3A_32 : vector<16xi32>
        %parallel_loop3A_34 = arith.constant 10 : i32
        %parallel_loop3A_35 = arith.index_cast %parallel_loop3A_34 : i32 to index
        %parallel_loop3A_36 = arith.index_cast %parallel_loop3A_26 : i32 to index
        %parallel_loop3A_37 = tpu.vector_load %arg6[%parallel_loop3A_35, %parallel_loop3A_36] {strides = array<i32>} : memref<16x256xi32, #tpu.memory_space<vmem>>, vector<16xi32>,
        %parallel_loop3A_38 = arith.addi %parallel_loop3A_33, %parallel_loop3A_37 : vector<16xi32>
        %parallel_loop3A_39 = arith.constant 0 : i32
        %parallel_loop3A_40 = vector.broadcast %parallel_loop3A_39 : i32 to vector<16xi32>
        %parallel_loop3A_41 = arith.addi %parallel_loop3A_38, %parallel_loop3A_40 : vector<16xi32>
        %parallel_loop3A_42 = arith.constant 64 : i32
        %parallel_loop3A_43 = vector.broadcast %parallel_loop3A_42 : i32 to vector<16xi32>
        %parallel_loop3A_44 = arith.muli %parallel_loop3A_41, %parallel_loop3A_43 : vector<16xi32>
        %parallel_loop3A_45 = arith.constant 12 : i32
        %parallel_loop3A_46 = arith.index_cast %parallel_loop3A_45 : i32 to index
        %parallel_loop3A_47 = arith.index_cast %parallel_loop3A_26 : i32 to index
        %parallel_loop3A_48 = tpu.vector_load %arg6[%parallel_loop3A_46, %parallel_loop3A_47] {strides = array<i32>} : memref<16x256xi32, #tpu.memory_space<vmem>>, vector<16xi32>,
        %parallel_loop3A_49 = arith.constant 2 : i32
        %parallel_loop3A_50 = vector.broadcast %parallel_loop3A_49 : i32 to vector<16xi32>
        %parallel_loop3A_51 = arith.muli %parallel_loop3A_48, %parallel_loop3A_50 : vector<16xi32>
        %parallel_loop3A_52 = arith.constant 7 : i32
        %parallel_loop3A_53 = arith.index_cast %parallel_loop3A_52 : i32 to index
        %parallel_loop3A_54 = arith.index_cast %parallel_loop3A_26 : i32 to index
        %parallel_loop3A_55 = tpu.vector_load %arg6[%parallel_loop3A_53, %parallel_loop3A_54] {strides = array<i32>} : memref<16x256xi32, #tpu.memory_space<vmem>>, vector<16xi32>,
        %parallel_loop3A_56 = arith.addi %parallel_loop3A_51, %parallel_loop3A_55 : vector<16xi32>
        %parallel_loop3A_57 = arith.constant 119 : i32
        %parallel_loop3A_58 = vector.broadcast %parallel_loop3A_57 : i32 to vector<16xi32>
        %parallel_loop3A_59 = arith.addi %parallel_loop3A_56, %parallel_loop3A_58 : vector<16xi32>
        %parallel_loop3A_60 = arith.constant 64 : i32
        %parallel_loop3A_61 = vector.broadcast %parallel_loop3A_60 : i32 to vector<16xi32>
        %parallel_loop3A_62 = arith.muli %parallel_loop3A_59, %parallel_loop3A_61 : vector<16xi32>
        %parallel_loop3A_63 = arith.constant 11 : i32
        %parallel_loop3A_64 = arith.index_cast %parallel_loop3A_63 : i32 to index
        %parallel_loop3A_65 = arith.index_cast %parallel_loop3A_26 : i32 to index
        %parallel_loop3A_66 = tpu.vector_load %arg6[%parallel_loop3A_64, %parallel_loop3A_65] {strides = array<i32>} : memref<16x256xi32, #tpu.memory_space<vmem>>, vector<16xi32>,
        %parallel_loop3A_67 = arith.constant 2 : i32
        %parallel_loop3A_68 = vector.broadcast %parallel_loop3A_67 : i32 to vector<16xi32>
        %parallel_loop3A_69 = arith.muli %parallel_loop3A_66, %parallel_loop3A_68 : vector<16xi32>
        %parallel_loop3A_70 = arith.constant 8 : i32
        %parallel_loop3A_71 = arith.index_cast %parallel_loop3A_70 : i32 to index
        %parallel_loop3A_72 = arith.index_cast %parallel_loop3A_26 : i32 to index
        %parallel_loop3A_73 = tpu.vector_load %arg6[%parallel_loop3A_71, %parallel_loop3A_72] {strides = array<i32>} : memref<16x256xi32, #tpu.memory_space<vmem>>, vector<16xi32>,
        %parallel_loop3A_74 = arith.addi %parallel_loop3A_69, %parallel_loop3A_73 : vector<16xi32>
        %parallel_loop3A_75 = arith.constant 241 : i32
        %parallel_loop3A_76 = vector.broadcast %parallel_loop3A_75 : i32 to vector<16xi32>
        %parallel_loop3A_77 = arith.addi %parallel_loop3A_74, %parallel_loop3A_76 : vector<16xi32>
        %parallel_loop3A_78 = arith.constant 64 : i32
        %parallel_loop3A_79 = vector.broadcast %parallel_loop3A_78 : i32 to vector<16xi32>
        %parallel_loop3A_80 = arith.muli %parallel_loop3A_77, %parallel_loop3A_79 : vector<16xi32>
        %parallel_loop3A_81 = arith.constant 2 : i32
        %parallel_loop3A_82 = arith.index_cast %parallel_loop3A_81 : i32 to index
        %parallel_loop3A_83 = arith.index_cast %parallel_loop3A_26 : i32 to index
        %parallel_loop3A_84 = tpu.vector_load %arg6[%parallel_loop3A_82, %parallel_loop3A_83] {strides = array<i32>} : memref<16x256xi32, #tpu.memory_space<vmem>>, vector<16xi32>,
        %parallel_loop3A_85 = arith.constant 12 : i32
        %parallel_loop3A_86 = vector.broadcast %parallel_loop3A_85 : i32 to vector<16xi32>
        %parallel_loop3A_87 = arith.muli %parallel_loop3A_84, %parallel_loop3A_86 : vector<16xi32>
        %parallel_loop3A_88 = arith.constant 3 : i32
        %parallel_loop3A_89 = arith.index_cast %parallel_loop3A_88 : i32 to index
        %parallel_loop3A_90 = arith.index_cast %parallel_loop3A_26 : i32 to index
        %parallel_loop3A_91 = tpu.vector_load %arg6[%parallel_loop3A_89, %parallel_loop3A_90] {strides = array<i32>} : memref<16x256xi32, #tpu.memory_space<vmem>>, vector<16xi32>,
        %parallel_loop3A_92 = arith.addi %parallel_loop3A_87, %parallel_loop3A_91 : vector<16xi32>
        %parallel_loop3A_93 = arith.constant 339 : i32
        %parallel_loop3A_94 = vector.broadcast %parallel_loop3A_93 : i32 to vector<16xi32>
        %parallel_loop3A_95 = arith.addi %parallel_loop3A_92, %parallel_loop3A_94 : vector<16xi32>
        %parallel_loop3A_96 = arith.constant 64 : i32
        %parallel_loop3A_97 = vector.broadcast %parallel_loop3A_96 : i32 to vector<16xi32>
        %parallel_loop3A_98 = arith.muli %parallel_loop3A_95, %parallel_loop3A_97 : vector<16xi32>
        %parallel_loop3A_99 = arith.constant 4 : i32
        %parallel_loop3A_100 = arith.index_cast %parallel_loop3A_99 : i32 to index
        %parallel_loop3A_101 = arith.index_cast %parallel_loop3A_26 : i32 to index
        %parallel_loop3A_102 = tpu.vector_load %arg6[%parallel_loop3A_100, %parallel_loop3A_101] {strides = array<i32>} : memref<16x256xi32, #tpu.memory_space<vmem>>, vector<16xi32>,
        %parallel_loop3A_103 = arith.constant 2 : i32
        %parallel_loop3A_104 = vector.broadcast %parallel_loop3A_103 : i32 to vector<16xi32>
        %parallel_loop3A_105 = arith.muli %parallel_loop3A_102, %parallel_loop3A_104 : vector<16xi32>
        %parallel_loop3A_106 = arith.constant 13 : i32
        %parallel_loop3A_107 = arith.index_cast %parallel_loop3A_106 : i32 to index
        %parallel_loop3A_108 = arith.index_cast %parallel_loop3A_26 : i32 to index
        %parallel_loop3A_109 = tpu.vector_load %arg6[%parallel_loop3A_107, %parallel_loop3A_108] {strides = array<i32>} : memref<16x256xi32, #tpu.memory_space<vmem>>, vector<16xi32>,
        %parallel_loop3A_110 = arith.addi %parallel_loop3A_105, %parallel_loop3A_109 : vector<16xi32>
        %parallel_loop3A_111 = arith.constant 483 : i32
        %parallel_loop3A_112 = vector.broadcast %parallel_loop3A_111 : i32 to vector<16xi32>
        %parallel_loop3A_113 = arith.addi %parallel_loop3A_110, %parallel_loop3A_112 : vector<16xi32>
        %parallel_loop3A_114 = arith.constant 64 : i32
        %parallel_loop3A_115 = vector.broadcast %parallel_loop3A_114 : i32 to vector<16xi32>
        %parallel_loop3A_116 = arith.muli %parallel_loop3A_113, %parallel_loop3A_115 : vector<16xi32>
        %parallel_loop3A_117 = arith.constant 9 : i32
        %parallel_loop3A_118 = arith.index_cast %parallel_loop3A_117 : i32 to index
        %parallel_loop3A_119 = arith.index_cast %parallel_loop3A_26 : i32 to index
        %parallel_loop3A_120 = tpu.vector_load %arg6[%parallel_loop3A_118, %parallel_loop3A_119] {strides = array<i32>} : memref<16x256xi32, #tpu.memory_space<vmem>>, vector<16xi32>,
        %parallel_loop3A_121 = arith.constant 7 : i32
        %parallel_loop3A_122 = vector.broadcast %parallel_loop3A_121 : i32 to vector<16xi32>
        %parallel_loop3A_123 = arith.muli %parallel_loop3A_120, %parallel_loop3A_122 : vector<16xi32>
        %parallel_loop3A_124 = arith.constant 15 : i32
        %parallel_loop3A_125 = arith.index_cast %parallel_loop3A_124 : i32 to index
        %parallel_loop3A_126 = arith.index_cast %parallel_loop3A_26 : i32 to index
        %parallel_loop3A_127 = tpu.vector_load %arg6[%parallel_loop3A_125, %parallel_loop3A_126] {strides = array<i32>} : memref<16x256xi32, #tpu.memory_space<vmem>>, vector<16xi32>,
        %parallel_loop3A_128 = arith.addi %parallel_loop3A_123, %parallel_loop3A_127 : vector<16xi32>
        %parallel_loop3A_129 = arith.constant 4 : i32
        %parallel_loop3A_130 = vector.broadcast %parallel_loop3A_129 : i32 to vector<16xi32>
        %parallel_loop3A_131 = arith.muli %parallel_loop3A_128, %parallel_loop3A_130 : vector<16xi32>
        %parallel_loop3A_132 = arith.constant 1 : i32
        %parallel_loop3A_133 = arith.index_cast %parallel_loop3A_132 : i32 to index
        %parallel_loop3A_134 = arith.index_cast %parallel_loop3A_26 : i32 to index
        %parallel_loop3A_135 = tpu.vector_load %arg6[%parallel_loop3A_133, %parallel_loop3A_134] {strides = array<i32>} : memref<16x256xi32, #tpu.memory_space<vmem>>, vector<16xi32>,
        %parallel_loop3A_136 = arith.addi %parallel_loop3A_131, %parallel_loop3A_135 : vector<16xi32>
        %parallel_loop3A_137 = arith.constant 503 : i32
        %parallel_loop3A_138 = vector.broadcast %parallel_loop3A_137 : i32 to vector<16xi32>
        %parallel_loop3A_139 = arith.addi %parallel_loop3A_136, %parallel_loop3A_138 : vector<16xi32>
        %parallel_loop3A_140 = arith.constant 64 : i32
        %parallel_loop3A_141 = vector.broadcast %parallel_loop3A_140 : i32 to vector<16xi32>
        %parallel_loop3A_142 = arith.muli %parallel_loop3A_139, %parallel_loop3A_141 : vector<16xi32>
        %parallel_loop3A_143 = arith.constant 5 : i32
        %parallel_loop3A_144 = arith.index_cast %parallel_loop3A_143 : i32 to index
        %parallel_loop3A_145 = arith.index_cast %parallel_loop3A_26 : i32 to index
        %parallel_loop3A_146 = tpu.vector_load %arg6[%parallel_loop3A_144, %parallel_loop3A_145] {strides = array<i32>} : memref<16x256xi32, #tpu.memory_space<vmem>>, vector<16xi32>,
        %parallel_loop3A_147 = arith.constant 6 : i32
        %parallel_loop3A_148 = vector.broadcast %parallel_loop3A_147 : i32 to vector<16xi32>
        %parallel_loop3A_149 = arith.muli %parallel_loop3A_146, %parallel_loop3A_148 : vector<16xi32>
        %parallel_loop3A_150 = arith.constant 6 : i32
        %parallel_loop3A_151 = arith.index_cast %parallel_loop3A_150 : i32 to index
        %parallel_loop3A_152 = arith.index_cast %parallel_loop3A_26 : i32 to index
        %parallel_loop3A_153 = tpu.vector_load %arg6[%parallel_loop3A_151, %parallel_loop3A_152] {strides = array<i32>} : memref<16x256xi32, #tpu.memory_space<vmem>>, vector<16xi32>,
        %parallel_loop3A_154 = arith.addi %parallel_loop3A_149, %parallel_loop3A_153 : vector<16xi32>
        %parallel_loop3A_155 = arith.constant 5 : i32
        %parallel_loop3A_156 = vector.broadcast %parallel_loop3A_155 : i32 to vector<16xi32>
        %parallel_loop3A_157 = arith.muli %parallel_loop3A_154, %parallel_loop3A_156 : vector<16xi32>
        %parallel_loop3A_158 = arith.constant 14 : i32
        %parallel_loop3A_159 = arith.index_cast %parallel_loop3A_158 : i32 to index
        %parallel_loop3A_160 = arith.index_cast %parallel_loop3A_26 : i32 to index
        %parallel_loop3A_161 = tpu.vector_load %arg6[%parallel_loop3A_159, %parallel_loop3A_160] {strides = array<i32>} : memref<16x256xi32, #tpu.memory_space<vmem>>, vector<16xi32>,
        %parallel_loop3A_162 = arith.addi %parallel_loop3A_157, %parallel_loop3A_161 : vector<16xi32>
        %parallel_loop3A_163 = arith.constant 699 : i32
        %parallel_loop3A_164 = vector.broadcast %parallel_loop3A_163 : i32 to vector<16xi32>
        %parallel_loop3A_165 = arith.addi %parallel_loop3A_162, %parallel_loop3A_164 : vector<16xi32>
        %parallel_loop3A_166 = arith.constant 64 : i32
        %parallel_loop3A_167 = vector.broadcast %parallel_loop3A_166 : i32 to vector<16xi32>
        %parallel_loop3A_168 = arith.muli %parallel_loop3A_165, %parallel_loop3A_167 : vector<16xi32>
        %parallel_loop3A_169 = arith.constant 0 : i32
        %parallel_loop3A_170 = arith.constant 16 : i32
        %parallel_loop3A_171 = arith.constant 1 : i32
        scf.for %parallel_loop3A_172 = %parallel_loop3A_169 to %parallel_loop3A_170 step %parallel_loop3A_171  : i32 {
          %parallel_loop3A_173 = vector.broadcast %parallel_loop3A_172 : i32 to vector<16x1xi32>
          %parallel_loop3A_174 = vector.shape_cast %parallel_loop3A_173 : vector<16x1xi32> to vector<16xi32>
          %parallel_loop3A_175 = tpu.dynamic_gather %parallel_loop3A_44[%parallel_loop3A_174] in [0] : vector<16xi32>, vector<16xi32> -> vector<16xi32>
          %parallel_loop3A_176 = arith.addi %parallel_loop3A_175, %iota3A : vector<16xi32>
          %parallel_loop3A_177 = arith.constant 0 : i32
          %parallel_loop3A_178 = tpu.memref_slice %arg5[%parallel_loop3A_177] : memref<56256xi32, #tpu.memory_space<vmem>> -> memref<56256xi32, #tpu.memory_space<vmem>>
          %parallel_loop3A_179 = tpu.vector_load_idx %parallel_loop3A_178[%parallel_loop3A_176] : memref<56256xi32, #tpu.memory_space<vmem>>[vector<16xi32>], vector<16xi32>,
          %parallel_loop3A_180 = vector.bitcast %parallel_loop3A_179 : vector<16xi32> to vector<32xbf16>
          %parallel_loop3A_181 = arith.constant 16 : i32
          %parallel_loop3A_182 = tpu.memref_slice %arg5[%parallel_loop3A_181] : memref<56256xi32, #tpu.memory_space<vmem>> -> memref<56240xi32, #tpu.memory_space<vmem>>
          %parallel_loop3A_183 = tpu.vector_load_idx %parallel_loop3A_182[%parallel_loop3A_176] : memref<56240xi32, #tpu.memory_space<vmem>>[vector<16xi32>], vector<16xi32>,
          %parallel_loop3A_184 = vector.bitcast %parallel_loop3A_183 : vector<16xi32> to vector<32xbf16>
          %parallel_loop3A_185 = arith.constant 32 : i32
          %parallel_loop3A_186 = tpu.memref_slice %arg5[%parallel_loop3A_185] : memref<56256xi32, #tpu.memory_space<vmem>> -> memref<56224xi32, #tpu.memory_space<vmem>>
          %parallel_loop3A_187 = tpu.vector_load_idx %parallel_loop3A_186[%parallel_loop3A_176] : memref<56224xi32, #tpu.memory_space<vmem>>[vector<16xi32>], vector<16xi32>,
          %parallel_loop3A_188 = vector.bitcast %parallel_loop3A_187 : vector<16xi32> to vector<32xbf16>
          %parallel_loop3A_189 = arith.constant 48 : i32
          %parallel_loop3A_190 = tpu.memref_slice %arg5[%parallel_loop3A_189] : memref<56256xi32, #tpu.memory_space<vmem>> -> memref<56208xi32, #tpu.memory_space<vmem>>
          %parallel_loop3A_191 = tpu.vector_load_idx %parallel_loop3A_190[%parallel_loop3A_176] : memref<56208xi32, #tpu.memory_space<vmem>>[vector<16xi32>], vector<16xi32>,
          %parallel_loop3A_192 = vector.bitcast %parallel_loop3A_191 : vector<16xi32> to vector<32xbf16>
          %parallel_loop3A_193 = vector.broadcast %parallel_loop3A_172 : i32 to vector<16x1xi32>
          %parallel_loop3A_194 = vector.shape_cast %parallel_loop3A_193 : vector<16x1xi32> to vector<16xi32>
          %parallel_loop3A_195 = tpu.dynamic_gather %parallel_loop3A_62[%parallel_loop3A_194] in [0] : vector<16xi32>, vector<16xi32> -> vector<16xi32>
          %parallel_loop3A_196 = arith.addi %parallel_loop3A_195, %iota3A : vector<16xi32>
          %parallel_loop3A_197 = arith.constant 0 : i32
          %parallel_loop3A_198 = tpu.memref_slice %arg5[%parallel_loop3A_197] : memref<56256xi32, #tpu.memory_space<vmem>> -> memref<56256xi32, #tpu.memory_space<vmem>>
          %parallel_loop3A_199 = tpu.vector_load_idx %parallel_loop3A_198[%parallel_loop3A_196] : memref<56256xi32, #tpu.memory_space<vmem>>[vector<16xi32>], vector<16xi32>,
          %parallel_loop3A_200 = vector.bitcast %parallel_loop3A_199 : vector<16xi32> to vector<32xbf16>
          %parallel_loop3A_201 = arith.addf %parallel_loop3A_180, %parallel_loop3A_200 : vector<32xbf16>
          %parallel_loop3A_202 = arith.constant 16 : i32
          %parallel_loop3A_203 = tpu.memref_slice %arg5[%parallel_loop3A_202] : memref<56256xi32, #tpu.memory_space<vmem>> -> memref<56240xi32, #tpu.memory_space<vmem>>
          %parallel_loop3A_204 = tpu.vector_load_idx %parallel_loop3A_203[%parallel_loop3A_196] : memref<56240xi32, #tpu.memory_space<vmem>>[vector<16xi32>], vector<16xi32>,
          %parallel_loop3A_205 = vector.bitcast %parallel_loop3A_204 : vector<16xi32> to vector<32xbf16>
          %parallel_loop3A_206 = arith.addf %parallel_loop3A_184, %parallel_loop3A_205 : vector<32xbf16>
          %parallel_loop3A_207 = arith.constant 32 : i32
          %parallel_loop3A_208 = tpu.memref_slice %arg5[%parallel_loop3A_207] : memref<56256xi32, #tpu.memory_space<vmem>> -> memref<56224xi32, #tpu.memory_space<vmem>>
          %parallel_loop3A_209 = tpu.vector_load_idx %parallel_loop3A_208[%parallel_loop3A_196] : memref<56224xi32, #tpu.memory_space<vmem>>[vector<16xi32>], vector<16xi32>,
          %parallel_loop3A_210 = vector.bitcast %parallel_loop3A_209 : vector<16xi32> to vector<32xbf16>
          %parallel_loop3A_211 = arith.addf %parallel_loop3A_188, %parallel_loop3A_210 : vector<32xbf16>
          %parallel_loop3A_212 = arith.constant 48 : i32
          %parallel_loop3A_213 = tpu.memref_slice %arg5[%parallel_loop3A_212] : memref<56256xi32, #tpu.memory_space<vmem>> -> memref<56208xi32, #tpu.memory_space<vmem>>
          %parallel_loop3A_214 = tpu.vector_load_idx %parallel_loop3A_213[%parallel_loop3A_196] : memref<56208xi32, #tpu.memory_space<vmem>>[vector<16xi32>], vector<16xi32>,
          %parallel_loop3A_215 = vector.bitcast %parallel_loop3A_214 : vector<16xi32> to vector<32xbf16>
          %parallel_loop3A_216 = arith.addf %parallel_loop3A_192, %parallel_loop3A_215 : vector<32xbf16>
          %parallel_loop3A_217 = vector.broadcast %parallel_loop3A_172 : i32 to vector<16x1xi32>
          %parallel_loop3A_218 = vector.shape_cast %parallel_loop3A_217 : vector<16x1xi32> to vector<16xi32>
          %parallel_loop3A_219 = tpu.dynamic_gather %parallel_loop3A_80[%parallel_loop3A_218] in [0] : vector<16xi32>, vector<16xi32> -> vector<16xi32>
          %parallel_loop3A_220 = arith.addi %parallel_loop3A_219, %iota3A : vector<16xi32>
          %parallel_loop3A_221 = arith.constant 0 : i32
          %parallel_loop3A_222 = tpu.memref_slice %arg5[%parallel_loop3A_221] : memref<56256xi32, #tpu.memory_space<vmem>> -> memref<56256xi32, #tpu.memory_space<vmem>>
          %parallel_loop3A_223 = tpu.vector_load_idx %parallel_loop3A_222[%parallel_loop3A_220] : memref<56256xi32, #tpu.memory_space<vmem>>[vector<16xi32>], vector<16xi32>,
          %parallel_loop3A_224 = vector.bitcast %parallel_loop3A_223 : vector<16xi32> to vector<32xbf16>
          %parallel_loop3A_225 = arith.addf %parallel_loop3A_201, %parallel_loop3A_224 : vector<32xbf16>
          %parallel_loop3A_226 = arith.constant 16 : i32
          %parallel_loop3A_227 = tpu.memref_slice %arg5[%parallel_loop3A_226] : memref<56256xi32, #tpu.memory_space<vmem>> -> memref<56240xi32, #tpu.memory_space<vmem>>
          %parallel_loop3A_228 = tpu.vector_load_idx %parallel_loop3A_227[%parallel_loop3A_220] : memref<56240xi32, #tpu.memory_space<vmem>>[vector<16xi32>], vector<16xi32>,
          %parallel_loop3A_229 = vector.bitcast %parallel_loop3A_228 : vector<16xi32> to vector<32xbf16>
          %parallel_loop3A_230 = arith.addf %parallel_loop3A_206, %parallel_loop3A_229 : vector<32xbf16>
          %parallel_loop3A_231 = arith.constant 32 : i32
          %parallel_loop3A_232 = tpu.memref_slice %arg5[%parallel_loop3A_231] : memref<56256xi32, #tpu.memory_space<vmem>> -> memref<56224xi32, #tpu.memory_space<vmem>>
          %parallel_loop3A_233 = tpu.vector_load_idx %parallel_loop3A_232[%parallel_loop3A_220] : memref<56224xi32, #tpu.memory_space<vmem>>[vector<16xi32>], vector<16xi32>,
          %parallel_loop3A_234 = vector.bitcast %parallel_loop3A_233 : vector<16xi32> to vector<32xbf16>
          %parallel_loop3A_235 = arith.addf %parallel_loop3A_211, %parallel_loop3A_234 : vector<32xbf16>
          %parallel_loop3A_236 = arith.constant 48 : i32
          %parallel_loop3A_237 = tpu.memref_slice %arg5[%parallel_loop3A_236] : memref<56256xi32, #tpu.memory_space<vmem>> -> memref<56208xi32, #tpu.memory_space<vmem>>
          %parallel_loop3A_238 = tpu.vector_load_idx %parallel_loop3A_237[%parallel_loop3A_220] : memref<56208xi32, #tpu.memory_space<vmem>>[vector<16xi32>], vector<16xi32>,
          %parallel_loop3A_239 = vector.bitcast %parallel_loop3A_238 : vector<16xi32> to vector<32xbf16>
          %parallel_loop3A_240 = arith.addf %parallel_loop3A_216, %parallel_loop3A_239 : vector<32xbf16>
          %parallel_loop3A_241 = vector.broadcast %parallel_loop3A_172 : i32 to vector<16x1xi32>
          %parallel_loop3A_242 = vector.shape_cast %parallel_loop3A_241 : vector<16x1xi32> to vector<16xi32>
          %parallel_loop3A_243 = tpu.dynamic_gather %parallel_loop3A_98[%parallel_loop3A_242] in [0] : vector<16xi32>, vector<16xi32> -> vector<16xi32>
          %parallel_loop3A_244 = arith.addi %parallel_loop3A_243, %iota3A : vector<16xi32>
          %parallel_loop3A_245 = arith.constant 0 : i32
          %parallel_loop3A_246 = tpu.memref_slice %arg5[%parallel_loop3A_245] : memref<56256xi32, #tpu.memory_space<vmem>> -> memref<56256xi32, #tpu.memory_space<vmem>>
          %parallel_loop3A_247 = tpu.vector_load_idx %parallel_loop3A_246[%parallel_loop3A_244] : memref<56256xi32, #tpu.memory_space<vmem>>[vector<16xi32>], vector<16xi32>,
          %parallel_loop3A_248 = vector.bitcast %parallel_loop3A_247 : vector<16xi32> to vector<32xbf16>
          %parallel_loop3A_249 = arith.addf %parallel_loop3A_225, %parallel_loop3A_248 : vector<32xbf16>
          %parallel_loop3A_250 = arith.constant 16 : i32
          %parallel_loop3A_251 = tpu.memref_slice %arg5[%parallel_loop3A_250] : memref<56256xi32, #tpu.memory_space<vmem>> -> memref<56240xi32, #tpu.memory_space<vmem>>
          %parallel_loop3A_252 = tpu.vector_load_idx %parallel_loop3A_251[%parallel_loop3A_244] : memref<56240xi32, #tpu.memory_space<vmem>>[vector<16xi32>], vector<16xi32>,
          %parallel_loop3A_253 = vector.bitcast %parallel_loop3A_252 : vector<16xi32> to vector<32xbf16>
          %parallel_loop3A_254 = arith.addf %parallel_loop3A_230, %parallel_loop3A_253 : vector<32xbf16>
          %parallel_loop3A_255 = arith.constant 32 : i32
          %parallel_loop3A_256 = tpu.memref_slice %arg5[%parallel_loop3A_255] : memref<56256xi32, #tpu.memory_space<vmem>> -> memref<56224xi32, #tpu.memory_space<vmem>>
          %parallel_loop3A_257 = tpu.vector_load_idx %parallel_loop3A_256[%parallel_loop3A_244] : memref<56224xi32, #tpu.memory_space<vmem>>[vector<16xi32>], vector<16xi32>,
          %parallel_loop3A_258 = vector.bitcast %parallel_loop3A_257 : vector<16xi32> to vector<32xbf16>
          %parallel_loop3A_259 = arith.addf %parallel_loop3A_235, %parallel_loop3A_258 : vector<32xbf16>
          %parallel_loop3A_260 = arith.constant 48 : i32
          %parallel_loop3A_261 = tpu.memref_slice %arg5[%parallel_loop3A_260] : memref<56256xi32, #tpu.memory_space<vmem>> -> memref<56208xi32, #tpu.memory_space<vmem>>
          %parallel_loop3A_262 = tpu.vector_load_idx %parallel_loop3A_261[%parallel_loop3A_244] : memref<56208xi32, #tpu.memory_space<vmem>>[vector<16xi32>], vector<16xi32>,
          %parallel_loop3A_263 = vector.bitcast %parallel_loop3A_262 : vector<16xi32> to vector<32xbf16>
          %parallel_loop3A_264 = arith.addf %parallel_loop3A_240, %parallel_loop3A_263 : vector<32xbf16>
          %parallel_loop3A_265 = vector.broadcast %parallel_loop3A_172 : i32 to vector<16x1xi32>
          %parallel_loop3A_266 = vector.shape_cast %parallel_loop3A_265 : vector<16x1xi32> to vector<16xi32>
          %parallel_loop3A_267 = tpu.dynamic_gather %parallel_loop3A_116[%parallel_loop3A_266] in [0] : vector<16xi32>, vector<16xi32> -> vector<16xi32>
          %parallel_loop3A_268 = arith.addi %parallel_loop3A_267, %iota3A : vector<16xi32>
          %parallel_loop3A_269 = arith.constant 0 : i32
          %parallel_loop3A_270 = tpu.memref_slice %arg5[%parallel_loop3A_269] : memref<56256xi32, #tpu.memory_space<vmem>> -> memref<56256xi32, #tpu.memory_space<vmem>>
          %parallel_loop3A_271 = tpu.vector_load_idx %parallel_loop3A_270[%parallel_loop3A_268] : memref<56256xi32, #tpu.memory_space<vmem>>[vector<16xi32>], vector<16xi32>,
          %parallel_loop3A_272 = vector.bitcast %parallel_loop3A_271 : vector<16xi32> to vector<32xbf16>
          %parallel_loop3A_273 = arith.addf %parallel_loop3A_249, %parallel_loop3A_272 : vector<32xbf16>
          %parallel_loop3A_274 = arith.constant 16 : i32
          %parallel_loop3A_275 = tpu.memref_slice %arg5[%parallel_loop3A_274] : memref<56256xi32, #tpu.memory_space<vmem>> -> memref<56240xi32, #tpu.memory_space<vmem>>
          %parallel_loop3A_276 = tpu.vector_load_idx %parallel_loop3A_275[%parallel_loop3A_268] : memref<56240xi32, #tpu.memory_space<vmem>>[vector<16xi32>], vector<16xi32>,
          %parallel_loop3A_277 = vector.bitcast %parallel_loop3A_276 : vector<16xi32> to vector<32xbf16>
          %parallel_loop3A_278 = arith.addf %parallel_loop3A_254, %parallel_loop3A_277 : vector<32xbf16>
          %parallel_loop3A_279 = arith.constant 32 : i32
          %parallel_loop3A_280 = tpu.memref_slice %arg5[%parallel_loop3A_279] : memref<56256xi32, #tpu.memory_space<vmem>> -> memref<56224xi32, #tpu.memory_space<vmem>>
          %parallel_loop3A_281 = tpu.vector_load_idx %parallel_loop3A_280[%parallel_loop3A_268] : memref<56224xi32, #tpu.memory_space<vmem>>[vector<16xi32>], vector<16xi32>,
          %parallel_loop3A_282 = vector.bitcast %parallel_loop3A_281 : vector<16xi32> to vector<32xbf16>
          %parallel_loop3A_283 = arith.addf %parallel_loop3A_259, %parallel_loop3A_282 : vector<32xbf16>
          %parallel_loop3A_284 = arith.constant 48 : i32
          %parallel_loop3A_285 = tpu.memref_slice %arg5[%parallel_loop3A_284] : memref<56256xi32, #tpu.memory_space<vmem>> -> memref<56208xi32, #tpu.memory_space<vmem>>
          %parallel_loop3A_286 = tpu.vector_load_idx %parallel_loop3A_285[%parallel_loop3A_268] : memref<56208xi32, #tpu.memory_space<vmem>>[vector<16xi32>], vector<16xi32>,
          %parallel_loop3A_287 = vector.bitcast %parallel_loop3A_286 : vector<16xi32> to vector<32xbf16>
          %parallel_loop3A_288 = arith.addf %parallel_loop3A_264, %parallel_loop3A_287 : vector<32xbf16>
          %parallel_loop3A_289 = vector.broadcast %parallel_loop3A_172 : i32 to vector<16x1xi32>
          %parallel_loop3A_290 = vector.shape_cast %parallel_loop3A_289 : vector<16x1xi32> to vector<16xi32>
          %parallel_loop3A_291 = tpu.dynamic_gather %parallel_loop3A_142[%parallel_loop3A_290] in [0] : vector<16xi32>, vector<16xi32> -> vector<16xi32>
          %parallel_loop3A_292 = arith.addi %parallel_loop3A_291, %iota3A : vector<16xi32>
          %parallel_loop3A_293 = arith.constant 0 : i32
          %parallel_loop3A_294 = tpu.memref_slice %arg5[%parallel_loop3A_293] : memref<56256xi32, #tpu.memory_space<vmem>> -> memref<56256xi32, #tpu.memory_space<vmem>>
          %parallel_loop3A_295 = tpu.vector_load_idx %parallel_loop3A_294[%parallel_loop3A_292] : memref<56256xi32, #tpu.memory_space<vmem>>[vector<16xi32>], vector<16xi32>,
          %parallel_loop3A_296 = vector.bitcast %parallel_loop3A_295 : vector<16xi32> to vector<32xbf16>
          %parallel_loop3A_297 = arith.addf %parallel_loop3A_273, %parallel_loop3A_296 : vector<32xbf16>
          %parallel_loop3A_298 = arith.constant 16 : i32
          %parallel_loop3A_299 = tpu.memref_slice %arg5[%parallel_loop3A_298] : memref<56256xi32, #tpu.memory_space<vmem>> -> memref<56240xi32, #tpu.memory_space<vmem>>
          %parallel_loop3A_300 = tpu.vector_load_idx %parallel_loop3A_299[%parallel_loop3A_292] : memref<56240xi32, #tpu.memory_space<vmem>>[vector<16xi32>], vector<16xi32>,
          %parallel_loop3A_301 = vector.bitcast %parallel_loop3A_300 : vector<16xi32> to vector<32xbf16>
          %parallel_loop3A_302 = arith.addf %parallel_loop3A_278, %parallel_loop3A_301 : vector<32xbf16>
          %parallel_loop3A_303 = arith.constant 32 : i32
          %parallel_loop3A_304 = tpu.memref_slice %arg5[%parallel_loop3A_303] : memref<56256xi32, #tpu.memory_space<vmem>> -> memref<56224xi32, #tpu.memory_space<vmem>>
          %parallel_loop3A_305 = tpu.vector_load_idx %parallel_loop3A_304[%parallel_loop3A_292] : memref<56224xi32, #tpu.memory_space<vmem>>[vector<16xi32>], vector<16xi32>,
          %parallel_loop3A_306 = vector.bitcast %parallel_loop3A_305 : vector<16xi32> to vector<32xbf16>
          %parallel_loop3A_307 = arith.addf %parallel_loop3A_283, %parallel_loop3A_306 : vector<32xbf16>
          %parallel_loop3A_308 = arith.constant 48 : i32
          %parallel_loop3A_309 = tpu.memref_slice %arg5[%parallel_loop3A_308] : memref<56256xi32, #tpu.memory_space<vmem>> -> memref<56208xi32, #tpu.memory_space<vmem>>
          %parallel_loop3A_310 = tpu.vector_load_idx %parallel_loop3A_309[%parallel_loop3A_292] : memref<56208xi32, #tpu.memory_space<vmem>>[vector<16xi32>], vector<16xi32>,
          %parallel_loop3A_311 = vector.bitcast %parallel_loop3A_310 : vector<16xi32> to vector<32xbf16>
          %parallel_loop3A_312 = arith.addf %parallel_loop3A_288, %parallel_loop3A_311 : vector<32xbf16>
          %parallel_loop3A_313 = vector.broadcast %parallel_loop3A_172 : i32 to vector<16x1xi32>
          %parallel_loop3A_314 = vector.shape_cast %parallel_loop3A_313 : vector<16x1xi32> to vector<16xi32>
          %parallel_loop3A_315 = tpu.dynamic_gather %parallel_loop3A_168[%parallel_loop3A_314] in [0] : vector<16xi32>, vector<16xi32> -> vector<16xi32>
          %parallel_loop3A_316 = arith.addi %parallel_loop3A_315, %iota3A : vector<16xi32>
          %parallel_loop3A_317 = arith.constant 0 : i32
          %parallel_loop3A_318 = tpu.memref_slice %arg5[%parallel_loop3A_317] : memref<56256xi32, #tpu.memory_space<vmem>> -> memref<56256xi32, #tpu.memory_space<vmem>>
          %parallel_loop3A_319 = tpu.vector_load_idx %parallel_loop3A_318[%parallel_loop3A_316] : memref<56256xi32, #tpu.memory_space<vmem>>[vector<16xi32>], vector<16xi32>,
          %parallel_loop3A_320 = vector.bitcast %parallel_loop3A_319 : vector<16xi32> to vector<32xbf16>
          %parallel_loop3A_321 = arith.addf %parallel_loop3A_297, %parallel_loop3A_320 : vector<32xbf16>
          %parallel_loop3A_322 = arith.constant 16 : i32
          %parallel_loop3A_323 = tpu.memref_slice %arg5[%parallel_loop3A_322] : memref<56256xi32, #tpu.memory_space<vmem>> -> memref<56240xi32, #tpu.memory_space<vmem>>
          %parallel_loop3A_324 = tpu.vector_load_idx %parallel_loop3A_323[%parallel_loop3A_316] : memref<56240xi32, #tpu.memory_space<vmem>>[vector<16xi32>], vector<16xi32>,
          %parallel_loop3A_325 = vector.bitcast %parallel_loop3A_324 : vector<16xi32> to vector<32xbf16>
          %parallel_loop3A_326 = arith.addf %parallel_loop3A_302, %parallel_loop3A_325 : vector<32xbf16>
          %parallel_loop3A_327 = arith.constant 32 : i32
          %parallel_loop3A_328 = tpu.memref_slice %arg5[%parallel_loop3A_327] : memref<56256xi32, #tpu.memory_space<vmem>> -> memref<56224xi32, #tpu.memory_space<vmem>>
          %parallel_loop3A_329 = tpu.vector_load_idx %parallel_loop3A_328[%parallel_loop3A_316] : memref<56224xi32, #tpu.memory_space<vmem>>[vector<16xi32>], vector<16xi32>,
          %parallel_loop3A_330 = vector.bitcast %parallel_loop3A_329 : vector<16xi32> to vector<32xbf16>
          %parallel_loop3A_331 = arith.addf %parallel_loop3A_307, %parallel_loop3A_330 : vector<32xbf16>
          %parallel_loop3A_332 = arith.constant 48 : i32
          %parallel_loop3A_333 = tpu.memref_slice %arg5[%parallel_loop3A_332] : memref<56256xi32, #tpu.memory_space<vmem>> -> memref<56208xi32, #tpu.memory_space<vmem>>
          %parallel_loop3A_334 = tpu.vector_load_idx %parallel_loop3A_333[%parallel_loop3A_316] : memref<56208xi32, #tpu.memory_space<vmem>>[vector<16xi32>], vector<16xi32>,
          %parallel_loop3A_335 = vector.bitcast %parallel_loop3A_334 : vector<16xi32> to vector<32xbf16>
          %parallel_loop3A_336 = arith.addf %parallel_loop3A_312, %parallel_loop3A_335 : vector<32xbf16>
          %parallel_loop3A_337 = arith.addi %parallel_loop3A_26, %parallel_loop3A_172 : i32
          %parallel_loop3A_338 = tpu.unpack_subelements %parallel_loop3A_321, 0 {pack_format = #tpu.pack_format<interleaved>} : vector<32xbf16> -> vector<16xf32>
          %parallel_loop3A_339 = tpu.unpack_subelements %parallel_loop3A_321, 1 {pack_format = #tpu.pack_format<interleaved>} : vector<32xbf16> -> vector<16xf32>
          %parallel_loop3A_340 = arith.index_cast %parallel_loop3A_337 : i32 to index
          %parallel_loop3A_341 = arith.constant 0 : index
          %parallel_loop3A_342 = tpu.vector_load %arg8[%parallel_loop3A_340, %parallel_loop3A_341] {strides = array<i32>} : memref<256x128xf32, #tpu.memory_space<vmem>>, vector<16xf32>,
          tpu.vector_store %arg8[%parallel_loop3A_340, %parallel_loop3A_341], %parallel_loop3A_338 {strides = array<i32>} : memref<256x128xf32, #tpu.memory_space<vmem>>, vector<16xf32>,
          %parallel_loop3A_343 = arith.index_cast %parallel_loop3A_337 : i32 to index
          %parallel_loop3A_344 = arith.constant 64 : index
          %parallel_loop3A_345 = tpu.vector_load %arg8[%parallel_loop3A_343, %parallel_loop3A_344] {strides = array<i32>} : memref<256x128xf32, #tpu.memory_space<vmem>>, vector<16xf32>,
          tpu.vector_store %arg8[%parallel_loop3A_343, %parallel_loop3A_344], %parallel_loop3A_339 {strides = array<i32>} : memref<256x128xf32, #tpu.memory_space<vmem>>, vector<16xf32>,
          %parallel_loop3A_346 = tpu.unpack_subelements %parallel_loop3A_326, 0 {pack_format = #tpu.pack_format<interleaved>} : vector<32xbf16> -> vector<16xf32>
          %parallel_loop3A_347 = tpu.unpack_subelements %parallel_loop3A_326, 1 {pack_format = #tpu.pack_format<interleaved>} : vector<32xbf16> -> vector<16xf32>
          %parallel_loop3A_348 = arith.index_cast %parallel_loop3A_337 : i32 to index
          %parallel_loop3A_349 = arith.constant 16 : index
          %parallel_loop3A_350 = tpu.vector_load %arg8[%parallel_loop3A_348, %parallel_loop3A_349] {strides = array<i32>} : memref<256x128xf32, #tpu.memory_space<vmem>>, vector<16xf32>,
          tpu.vector_store %arg8[%parallel_loop3A_348, %parallel_loop3A_349], %parallel_loop3A_346 {strides = array<i32>} : memref<256x128xf32, #tpu.memory_space<vmem>>, vector<16xf32>,
          %parallel_loop3A_351 = arith.index_cast %parallel_loop3A_337 : i32 to index
          %parallel_loop3A_352 = arith.constant 80 : index
          %parallel_loop3A_353 = tpu.vector_load %arg8[%parallel_loop3A_351, %parallel_loop3A_352] {strides = array<i32>} : memref<256x128xf32, #tpu.memory_space<vmem>>, vector<16xf32>,
          tpu.vector_store %arg8[%parallel_loop3A_351, %parallel_loop3A_352], %parallel_loop3A_347 {strides = array<i32>} : memref<256x128xf32, #tpu.memory_space<vmem>>, vector<16xf32>,
          %parallel_loop3A_354 = tpu.unpack_subelements %parallel_loop3A_331, 0 {pack_format = #tpu.pack_format<interleaved>} : vector<32xbf16> -> vector<16xf32>
          %parallel_loop3A_355 = tpu.unpack_subelements %parallel_loop3A_331, 1 {pack_format = #tpu.pack_format<interleaved>} : vector<32xbf16> -> vector<16xf32>
          %parallel_loop3A_356 = arith.index_cast %parallel_loop3A_337 : i32 to index
          %parallel_loop3A_357 = arith.constant 32 : index
          %parallel_loop3A_358 = tpu.vector_load %arg8[%parallel_loop3A_356, %parallel_loop3A_357] {strides = array<i32>} : memref<256x128xf32, #tpu.memory_space<vmem>>, vector<16xf32>,
          tpu.vector_store %arg8[%parallel_loop3A_356, %parallel_loop3A_357], %parallel_loop3A_354 {strides = array<i32>} : memref<256x128xf32, #tpu.memory_space<vmem>>, vector<16xf32>,
          %parallel_loop3A_359 = arith.index_cast %parallel_loop3A_337 : i32 to index
          %parallel_loop3A_360 = arith.constant 96 : index
          %parallel_loop3A_361 = tpu.vector_load %arg8[%parallel_loop3A_359, %parallel_loop3A_360] {strides = array<i32>} : memref<256x128xf32, #tpu.memory_space<vmem>>, vector<16xf32>,
          tpu.vector_store %arg8[%parallel_loop3A_359, %parallel_loop3A_360], %parallel_loop3A_355 {strides = array<i32>} : memref<256x128xf32, #tpu.memory_space<vmem>>, vector<16xf32>,
          %parallel_loop3A_362 = tpu.unpack_subelements %parallel_loop3A_336, 0 {pack_format = #tpu.pack_format<interleaved>} : vector<32xbf16> -> vector<16xf32>
          %parallel_loop3A_363 = tpu.unpack_subelements %parallel_loop3A_336, 1 {pack_format = #tpu.pack_format<interleaved>} : vector<32xbf16> -> vector<16xf32>
          %parallel_loop3A_364 = arith.index_cast %parallel_loop3A_337 : i32 to index
          %parallel_loop3A_365 = arith.constant 48 : index
          %parallel_loop3A_366 = tpu.vector_load %arg8[%parallel_loop3A_364, %parallel_loop3A_365] {strides = array<i32>} : memref<256x128xf32, #tpu.memory_space<vmem>>, vector<16xf32>,
          tpu.vector_store %arg8[%parallel_loop3A_364, %parallel_loop3A_365], %parallel_loop3A_362 {strides = array<i32>} : memref<256x128xf32, #tpu.memory_space<vmem>>, vector<16xf32>,
          %parallel_loop3A_367 = arith.index_cast %parallel_loop3A_337 : i32 to index
          %parallel_loop3A_368 = arith.constant 112 : index
          %parallel_loop3A_369 = tpu.vector_load %arg8[%parallel_loop3A_367, %parallel_loop3A_368] {strides = array<i32>} : memref<256x128xf32, #tpu.memory_space<vmem>>, vector<16xf32>,
          tpu.vector_store %arg8[%parallel_loop3A_367, %parallel_loop3A_368], %parallel_loop3A_363 {strides = array<i32>} : memref<256x128xf32, #tpu.memory_space<vmem>>, vector<16xf32>,
        } {sc.loop_unroll_factor = 2 : i64, sc.parallel_access}
      } {sc.loop_unroll_factor = 1 : i64, sc.parallel_access}
      "tpu.region"() ({
        %run_scoped3A = tpu.sem_alloc : memref<!tpu.dma_semaphore, #tpu.memory_space<semaphore_mem>>
        %dma_start3A = arith.constant 0 : i32
        %dma_start3A_24 = arith.constant 0 : i32
        %dma_start3A_25 = tpu.memref_slice %arg8[%dma_start3A, %dma_start3A_24] : memref<256x128xf32, #tpu.memory_space<vmem>> -> memref<160x128xf32, #tpu.memory_space<vmem>>
        %dma_start3A_26 = arith.constant 99840 : i32
        %dma_start3A_27 = arith.constant 0 : i32
        %dma_start3A_28 = tpu.memref_slice %arg4[%dma_start3A_26, %dma_start3A_27] : memref<100000x128xf32, #tpu.memory_space<hbm>> -> memref<160x128xf32, #tpu.memory_space<hbm>>
        %dma_start3A_29 = arith.constant 99840 : i32
        %dma_start3A_30 = arith.constant 0 : i32
        %dma_start3A_31 = tpu.memref_slice %arg4[%dma_start3A_29, %dma_start3A_30] : memref<100000x128xf32, #tpu.memory_space<hbm>> -> memref<160x128xf32, #tpu.memory_space<hbm>>
        %dma_start3A_32 = arith.constant 0 : i32
        %dma_start3A_33 = arith.constant 0 : i32
        %dma_start3A_34 = tpu.memref_slice %arg8[%dma_start3A_32, %dma_start3A_33] : memref<256x128xf32, #tpu.memory_space<vmem>> -> memref<160x128xf32, #tpu.memory_space<vmem>>
        tpu.enqueue_dma source(%dma_start3A_34 : memref<160x128xf32, #tpu.memory_space<vmem>>) target(%dma_start3A_31 : memref<160x128xf32, #tpu.memory_space<hbm>>) target_semaphore(%run_scoped3A : memref<!tpu.dma_semaphore, #tpu.memory_space<semaphore_mem>>)
        %dma_wait3A_35 = arith.constant 0 : i32
        %dma_wait3A_36 = arith.constant 0 : i32
        %dma_wait3A_37 = tpu.memref_slice %arg8[%dma_wait3A_35, %dma_wait3A_36] : memref<256x128xf32, #tpu.memory_space<vmem>> -> memref<160x128xf32, #tpu.memory_space<vmem>>
        %dma_wait3A_38 = arith.constant 99840 : i32
        %dma_wait3A_39 = arith.constant 0 : i32
        %dma_wait3A_40 = tpu.memref_slice %arg4[%dma_wait3A_38, %dma_wait3A_39] : memref<100000x128xf32, #tpu.memory_space<hbm>> -> memref<160x128xf32, #tpu.memory_space<hbm>>
        %dma_wait3A_41 = arith.constant 99840 : i32
        %dma_wait3A_42 = arith.constant 0 : i32
        %dma_wait3A_43 = tpu.memref_slice %arg4[%dma_wait3A_41, %dma_wait3A_42] : memref<100000x128xf32, #tpu.memory_space<hbm>> -> memref<160x128xf32, #tpu.memory_space<hbm>>
        %dma_wait3A_44 = arith.constant 0 : i32
        %dma_wait3A_45 = arith.constant 0 : i32
        %dma_wait3A_46 = tpu.memref_slice %arg8[%dma_wait3A_44, %dma_wait3A_45] : memref<256x128xf32, #tpu.memory_space<vmem>> -> memref<160x128xf32, #tpu.memory_space<vmem>>
        tpu.wait_dma2 semaphore(%run_scoped3A : memref<!tpu.dma_semaphore, #tpu.memory_space<semaphore_mem>>) src(%dma_wait3A_46 : memref<160x128xf32, #tpu.memory_space<vmem>>) dst(%dma_wait3A_43 : memref<160x128xf32, #tpu.memory_space<hbm>>)
        tpu.yield
      }) : () -> ()
    } else {
    }
    return
  }
}

module attributes {stable_mosaic.version = 14 : i64} {
  func.func @_prep_body(%arg0: memref<119x128xf32, #tpu.memory_space<vmem>>, %arg1: memref<4x128xf32, #tpu.memory_space<vmem>>, %arg2: memref<12x128xf32, #tpu.memory_space<vmem>>, %arg3: memref<12x128xf32, #tpu.memory_space<vmem>>, %arg4: memref<10x128xf32, #tpu.memory_space<vmem>>, %arg5: memref<6x128xf32, #tpu.memory_space<vmem>>, %arg6: memref<6x128xf32, #tpu.memory_space<vmem>>, %arg7: memref<2x128xf32, #tpu.memory_space<vmem>>, %arg8: memref<2x128xf32, #tpu.memory_space<vmem>>, %arg9: memref<7x128xf32, #tpu.memory_space<vmem>>, %arg10: memref<1x128xf32, #tpu.memory_space<vmem>>, %arg11: memref<49x128xf32, #tpu.memory_space<vmem>>, %arg12: memref<61x128xf32, #tpu.memory_space<vmem>>, %arg13: memref<2x128xf32, #tpu.memory_space<vmem>>, %arg14: memref<5x128xf32, #tpu.memory_space<vmem>>, %arg15: memref<7x128xf32, #tpu.memory_space<vmem>>, %arg16: memref<879x128xf32, #tpu.memory_space<vmem>>) attributes {dimension_semantics = [], scalar_prefetch = 0 : i64, scratch_operands = 0 : i64, tpu.core_type = #tpu.core_type<tc>} {
    %get3A = arith.constant 0 : index
    %get3A_0 = arith.constant 0 : index
    %get3A_1 = vector.load %arg0[%get3A, %get3A_0] : memref<119x128xf32, #tpu.memory_space<vmem>>, vector<119x128xf32>
    %get3A_2 = arith.constant 0 : index
    %get3A_3 = arith.constant 0 : index
    %get3A_4 = vector.load %arg10[%get3A_2, %get3A_3] : memref<1x128xf32, #tpu.memory_space<vmem>>, vector<1x128xf32>
    %broadcast_in_dim3A = vector.shape_cast %get3A_1 : vector<119x128xf32> to vector<119x1x128xf32>
    %broadcast_in_dim3A_5 = vector.shape_cast %get3A_4 : vector<1x128xf32> to vector<1x1x128xf32>
    %add3A = vector.broadcast %broadcast_in_dim3A_5 : vector<1x1x128xf32> to vector<119x1x128xf32>
    %add3A_6 = arith.addf %broadcast_in_dim3A, %add3A : vector<119x1x128xf32>
    %reshape3A = vector.shape_cast %add3A_6 : vector<119x1x128xf32> to vector<119x128xf32>
    %swap3A = arith.constant 0 : index
    %swap3A_7 = arith.constant 0 : index
    %swap3A_8 = vector.load %arg16[%swap3A, %swap3A_7] : memref<879x128xf32, #tpu.memory_space<vmem>>, vector<119x128xf32>
    tpu.vector_store %arg16[%swap3A, %swap3A_7], %reshape3A {strides = array<i32>} : memref<879x128xf32, #tpu.memory_space<vmem>>, vector<119x128xf32>,
    %get3A_9 = arith.constant 0 : index
    %get3A_10 = arith.constant 0 : index
    %get3A_11 = vector.load %arg12[%get3A_9, %get3A_10] : memref<61x128xf32, #tpu.memory_space<vmem>>, vector<61x128xf32>
    %get3A_12 = arith.constant 0 : index
    %get3A_13 = arith.constant 0 : index
    %get3A_14 = vector.load %arg7[%get3A_12, %get3A_13] : memref<2x128xf32, #tpu.memory_space<vmem>>, vector<2x128xf32>
    %broadcast_in_dim3A_15 = vector.shape_cast %get3A_11 : vector<61x128xf32> to vector<61x1x128xf32>
    %broadcast_in_dim3A_16 = vector.shape_cast %get3A_14 : vector<2x128xf32> to vector<1x2x128xf32>
    %add3A_17 = vector.broadcast %broadcast_in_dim3A_15 : vector<61x1x128xf32> to vector<61x2x128xf32>
    %add3A_18 = vector.broadcast %broadcast_in_dim3A_16 : vector<1x2x128xf32> to vector<61x2x128xf32>
    %add3A_19 = arith.addf %add3A_17, %add3A_18 : vector<61x2x128xf32>
    %reshape3A_20 = vector.shape_cast %add3A_19 : vector<61x2x128xf32> to vector<122x128xf32>
    %swap3A_21 = arith.constant 119 : index
    %swap3A_22 = arith.constant 0 : index
    %swap3A_23 = vector.load %arg16[%swap3A_21, %swap3A_22] : memref<879x128xf32, #tpu.memory_space<vmem>>, vector<122x128xf32>
    tpu.vector_store %arg16[%swap3A_21, %swap3A_22], %reshape3A_20 {strides = array<i32>} : memref<879x128xf32, #tpu.memory_space<vmem>>, vector<122x128xf32>,
    %get3A_24 = arith.constant 0 : index
    %get3A_25 = arith.constant 0 : index
    %get3A_26 = vector.load %arg11[%get3A_24, %get3A_25] : memref<49x128xf32, #tpu.memory_space<vmem>>, vector<49x128xf32>
    %get3A_27 = arith.constant 0 : index
    %get3A_28 = arith.constant 0 : index
    %get3A_29 = vector.load %arg8[%get3A_27, %get3A_28] : memref<2x128xf32, #tpu.memory_space<vmem>>, vector<2x128xf32>
    %broadcast_in_dim3A_30 = vector.shape_cast %get3A_26 : vector<49x128xf32> to vector<49x1x128xf32>
    %broadcast_in_dim3A_31 = vector.shape_cast %get3A_29 : vector<2x128xf32> to vector<1x2x128xf32>
    %add3A_32 = vector.broadcast %broadcast_in_dim3A_30 : vector<49x1x128xf32> to vector<49x2x128xf32>
    %add3A_33 = vector.broadcast %broadcast_in_dim3A_31 : vector<1x2x128xf32> to vector<49x2x128xf32>
    %add3A_34 = arith.addf %add3A_32, %add3A_33 : vector<49x2x128xf32>
    %reshape3A_35 = vector.shape_cast %add3A_34 : vector<49x2x128xf32> to vector<98x128xf32>
    %swap3A_36 = arith.constant 241 : index
    %swap3A_37 = arith.constant 0 : index
    %swap3A_38 = vector.load %arg16[%swap3A_36, %swap3A_37] : memref<879x128xf32, #tpu.memory_space<vmem>>, vector<98x128xf32>
    tpu.vector_store %arg16[%swap3A_36, %swap3A_37], %reshape3A_35 {strides = array<i32>} : memref<879x128xf32, #tpu.memory_space<vmem>>, vector<98x128xf32>,
    %get3A_39 = arith.constant 0 : index
    %get3A_40 = arith.constant 0 : index
    %get3A_41 = vector.load %arg2[%get3A_39, %get3A_40] : memref<12x128xf32, #tpu.memory_space<vmem>>, vector<12x128xf32>
    %get3A_42 = arith.constant 0 : index
    %get3A_43 = arith.constant 0 : index
    %get3A_44 = vector.load %arg3[%get3A_42, %get3A_43] : memref<12x128xf32, #tpu.memory_space<vmem>>, vector<12x128xf32>
    %broadcast_in_dim3A_45 = vector.shape_cast %get3A_41 : vector<12x128xf32> to vector<12x1x128xf32>
    %broadcast_in_dim3A_46 = vector.shape_cast %get3A_44 : vector<12x128xf32> to vector<1x12x128xf32>
    %add3A_47 = vector.broadcast %broadcast_in_dim3A_45 : vector<12x1x128xf32> to vector<12x12x128xf32>
    %add3A_48 = vector.broadcast %broadcast_in_dim3A_46 : vector<1x12x128xf32> to vector<12x12x128xf32>
    %add3A_49 = arith.addf %add3A_47, %add3A_48 : vector<12x12x128xf32>
    %reshape3A_50 = vector.shape_cast %add3A_49 : vector<12x12x128xf32> to vector<144x128xf32>
    %swap3A_51 = arith.constant 339 : index
    %swap3A_52 = arith.constant 0 : index
    %swap3A_53 = vector.load %arg16[%swap3A_51, %swap3A_52] : memref<879x128xf32, #tpu.memory_space<vmem>>, vector<144x128xf32>
    tpu.vector_store %arg16[%swap3A_51, %swap3A_52], %reshape3A_50 {strides = array<i32>} : memref<879x128xf32, #tpu.memory_space<vmem>>, vector<144x128xf32>,
    %get3A_54 = arith.constant 0 : index
    %get3A_55 = arith.constant 0 : index
    %get3A_56 = vector.load %arg4[%get3A_54, %get3A_55] : memref<10x128xf32, #tpu.memory_space<vmem>>, vector<10x128xf32>
    %get3A_57 = arith.constant 0 : index
    %get3A_58 = arith.constant 0 : index
    %get3A_59 = vector.load %arg13[%get3A_57, %get3A_58] : memref<2x128xf32, #tpu.memory_space<vmem>>, vector<2x128xf32>
    %broadcast_in_dim3A_60 = vector.shape_cast %get3A_56 : vector<10x128xf32> to vector<10x1x128xf32>
    %broadcast_in_dim3A_61 = vector.shape_cast %get3A_59 : vector<2x128xf32> to vector<1x2x128xf32>
    %add3A_62 = vector.broadcast %broadcast_in_dim3A_60 : vector<10x1x128xf32> to vector<10x2x128xf32>
    %add3A_63 = vector.broadcast %broadcast_in_dim3A_61 : vector<1x2x128xf32> to vector<10x2x128xf32>
    %add3A_64 = arith.addf %add3A_62, %add3A_63 : vector<10x2x128xf32>
    %reshape3A_65 = vector.shape_cast %add3A_64 : vector<10x2x128xf32> to vector<20x128xf32>
    %swap3A_66 = arith.constant 483 : index
    %swap3A_67 = arith.constant 0 : index
    %swap3A_68 = vector.load %arg16[%swap3A_66, %swap3A_67] : memref<879x128xf32, #tpu.memory_space<vmem>>, vector<20x128xf32>
    tpu.vector_store %arg16[%swap3A_66, %swap3A_67], %reshape3A_65 {strides = array<i32>} : memref<879x128xf32, #tpu.memory_space<vmem>>, vector<20x128xf32>,
    %get3A_69 = arith.constant 0 : index
    %get3A_70 = arith.constant 0 : index
    %get3A_71 = vector.load %arg9[%get3A_69, %get3A_70] : memref<7x128xf32, #tpu.memory_space<vmem>>, vector<7x128xf32>
    %get3A_72 = arith.constant 0 : index
    %get3A_73 = arith.constant 0 : index
    %get3A_74 = vector.load %arg15[%get3A_72, %get3A_73] : memref<7x128xf32, #tpu.memory_space<vmem>>, vector<7x128xf32>
    %broadcast_in_dim3A_75 = vector.shape_cast %get3A_71 : vector<7x128xf32> to vector<7x1x128xf32>
    %broadcast_in_dim3A_76 = vector.shape_cast %get3A_74 : vector<7x128xf32> to vector<1x7x128xf32>
    %add3A_77 = vector.broadcast %broadcast_in_dim3A_75 : vector<7x1x128xf32> to vector<7x7x128xf32>
    %add3A_78 = vector.broadcast %broadcast_in_dim3A_76 : vector<1x7x128xf32> to vector<7x7x128xf32>
    %add3A_79 = arith.addf %add3A_77, %add3A_78 : vector<7x7x128xf32>
    %reshape3A_80 = vector.shape_cast %add3A_79 : vector<7x7x128xf32> to vector<49x128xf32>
    %get3A_81 = arith.constant 0 : index
    %get3A_82 = arith.constant 0 : index
    %get3A_83 = vector.load %arg1[%get3A_81, %get3A_82] : memref<4x128xf32, #tpu.memory_space<vmem>>, vector<4x128xf32>
    %broadcast_in_dim3A_84 = vector.shape_cast %reshape3A_80 : vector<49x128xf32> to vector<49x1x128xf32>
    %broadcast_in_dim3A_85 = vector.shape_cast %get3A_83 : vector<4x128xf32> to vector<1x4x128xf32>
    %add3A_86 = vector.broadcast %broadcast_in_dim3A_84 : vector<49x1x128xf32> to vector<49x4x128xf32>
    %add3A_87 = vector.broadcast %broadcast_in_dim3A_85 : vector<1x4x128xf32> to vector<49x4x128xf32>
    %add3A_88 = arith.addf %add3A_86, %add3A_87 : vector<49x4x128xf32>
    %reshape3A_89 = vector.shape_cast %add3A_88 : vector<49x4x128xf32> to vector<196x128xf32>
    %swap3A_90 = arith.constant 503 : index
    %swap3A_91 = arith.constant 0 : index
    %swap3A_92 = vector.load %arg16[%swap3A_90, %swap3A_91] : memref<879x128xf32, #tpu.memory_space<vmem>>, vector<196x128xf32>
    tpu.vector_store %arg16[%swap3A_90, %swap3A_91], %reshape3A_89 {strides = array<i32>} : memref<879x128xf32, #tpu.memory_space<vmem>>, vector<196x128xf32>,
    %get3A_93 = arith.constant 0 : index
    %get3A_94 = arith.constant 0 : index
    %get3A_95 = vector.load %arg5[%get3A_93, %get3A_94] : memref<6x128xf32, #tpu.memory_space<vmem>>, vector<6x128xf32>
    %get3A_96 = arith.constant 0 : index
    %get3A_97 = arith.constant 0 : index
    %get3A_98 = vector.load %arg6[%get3A_96, %get3A_97] : memref<6x128xf32, #tpu.memory_space<vmem>>, vector<6x128xf32>
    %broadcast_in_dim3A_99 = vector.shape_cast %get3A_95 : vector<6x128xf32> to vector<6x1x128xf32>
    %broadcast_in_dim3A_100 = vector.shape_cast %get3A_98 : vector<6x128xf32> to vector<1x6x128xf32>
    %add3A_101 = vector.broadcast %broadcast_in_dim3A_99 : vector<6x1x128xf32> to vector<6x6x128xf32>
    %add3A_102 = vector.broadcast %broadcast_in_dim3A_100 : vector<1x6x128xf32> to vector<6x6x128xf32>
    %add3A_103 = arith.addf %add3A_101, %add3A_102 : vector<6x6x128xf32>
    %reshape3A_104 = vector.shape_cast %add3A_103 : vector<6x6x128xf32> to vector<36x128xf32>
    %get3A_105 = arith.constant 0 : index
    %get3A_106 = arith.constant 0 : index
    %get3A_107 = vector.load %arg14[%get3A_105, %get3A_106] : memref<5x128xf32, #tpu.memory_space<vmem>>, vector<5x128xf32>
    %broadcast_in_dim3A_108 = vector.shape_cast %reshape3A_104 : vector<36x128xf32> to vector<36x1x128xf32>
    %broadcast_in_dim3A_109 = vector.shape_cast %get3A_107 : vector<5x128xf32> to vector<1x5x128xf32>
    %add3A_110 = vector.broadcast %broadcast_in_dim3A_108 : vector<36x1x128xf32> to vector<36x5x128xf32>
    %add3A_111 = vector.broadcast %broadcast_in_dim3A_109 : vector<1x5x128xf32> to vector<36x5x128xf32>
    %add3A_112 = arith.addf %add3A_110, %add3A_111 : vector<36x5x128xf32>
    %reshape3A_113 = vector.shape_cast %add3A_112 : vector<36x5x128xf32> to vector<180x128xf32>
    %swap3A_114 = arith.constant 699 : index
    %swap3A_115 = arith.constant 0 : index
    %swap3A_116 = vector.load %arg16[%swap3A_114, %swap3A_115] : memref<879x128xf32, #tpu.memory_space<vmem>>, vector<180x128xf32>
    tpu.vector_store %arg16[%swap3A_114, %swap3A_115], %reshape3A_113 {strides = array<i32>} : memref<879x128xf32, #tpu.memory_space<vmem>>, vector<180x128xf32>,
    return
  }
}

</mosaic_0001>

<sc_bundles>
// kernel: kernel.4.cloned.1.call-start
scs
__scs_entry_jumppad:
0x0: {  	(pc) =	sbr.rel $0x88, $3  }
0x1: {  	(tag) =	ssettag $0x0;
	lr =	simm.s32 $0x1  }
0x2: {  	[smem:$0x3F90] =	sst lr;
	_ =	strace $0xD0000000  }
0x3: {  	_ = 	snop  }
0x4: {  	_ = 	snop  }
0x5: {  	_ = 	snop  }
0x6: {  	_ = 	snop  }
0x7: {  	_ = 	snop  }
__scs_overlays_trampoline_lowered:
0x8: {  	[smem:$0x3F9F] =	sst s0  }
0x9: {  	[smem:$0x3FA0] =	sst s1  }
0xa: {  	[smem:$0x3FA1] =	sst s2  }
0xb: {  	[smem:$0x3FA2] =	sst s3  }
0xc: {  	[smem:$0x3FA3] =	sst s4  }
0xd: {  	[smem:$0x3FA4] =	sst s5  }
0xe: {  	[smem:$0x3FA5] =	sst s6  }
0xf: {  	[smem:$0x3FA6] =	sst s7  }
0x10: {  	[smem:$0x3FA7] =	sst s8  }
0x11: {  	[smem:$0x3FA8] =	sst s9;
	s0 =	simm.s32 @!p0 $0x0  }
0x12: {  	s1 =	sld [smem:$0x3F8E];
	s0 =	simm.s32 @p0 $0x1  }
0x13: {  	[smem:$0x3FA9] =	sst s0;
	s0 =	simm.s32 @!p1 $0x0  }
0x14: {  	s2 =	sld [smem:$0x3F8D];
	s0 =	simm.s32 @p1 $0x1  }
0x15: {  	[smem:$0x3FAA] =	sst s0;
	s0 =	simm.s32 @!p2 $0x0  }
0x16: {  	s3 =	sld [smem:$0x3FDB];
	s0 =	simm.s32 @p2 $0x1  }
0x17: {  	s4 =	simm.s32 $0x1BF5;
	[smem:$0x3FAC] =	sst s0  }
0x18: {  	s0 =	sld [smem:$0x3F8F];
	_ =	swait.ge [sflag:s4], $0x0  }
0x19: {  	s7 =	sld [smem:$0x3F90]  }
0x1a: {  	s8 =	sadd.s32 $0xFFFFE003, lr  }
0x1b: {  	s9 =	sadd.s32 $0xFFFFFEF7, lr;
	s5 =	simm.s32 $0xFFFFFFFF;
	p2 =	slt.u32 s8, $0xFFFFF086  }
0x1c: {  	p1 =	slt.u32 s9, $0xF7A;
	s5 =	simm.s32 @!p2 $0x0  }
0x1d: {  	s5 =	simm.s32 @p1 $0x1;
	p0 =	seq.s32 s7, s2  }
0x1e: {  	s7 =	smul.u32 @!p0 $0xF7A, s2;
	p2 =	seq.s32 @!p0 s5, $0x0  }
0x1f: {  	s9 =	smul.u32 $0xF7A, s1;
	s8 =	simm.s32 @!p0 $0x1BF5;
	p2 =	por !p2, p0  }
0x20: {  	[sflag:s8] =	ssyncset.s32 @!p0 $0xFFFFF086;
	s6 =	sadd.s32 @!p0 s3, s7;
	s7 =	simm.s32 @!p0 $0x108  }
0x21: {  	s3 =	sadd.s32 s3, s9;
	s6 =	sadd.s32 @!p0 $0x88, s6;
	s7 =	simm.s32 @p2 $0x1082  }
0x22: {  	[simem:s7], [sflag:s8] =	dma.local @!p0 [hbm:s6], $0xF7A  }
0x23: {  	s9 =	sor.u32 $0xD0000000, s2;
	s6 =	simm.s32 $0x108;
	_ =	swait.ge @!p0 [sflag:s8], $0x0  }
0x24: {  	s3 =	sadd.s32 $0x88, s3;
	s6 =	simm.s32 @!p1 $0x1082;
	[sflag:s4] =	ssyncset.s32 $0xFFFFF086  }
0x25: {  	[simem:s6], [sflag:s4] =	dma.local [hbm:s3], $0xF7A  }
0x26: {  	[smem:$0x3F90] =	sst s1;
	(tag) =	ssettag s2;
	_ =	strace s9  }
0x27: {  	s1 =	sld [smem:$0x3FA0]  }
0x28: {  	s2 =	sld [smem:$0x3FA1]  }
0x29: {  	s4 =	sld [smem:$0x3FA3]  }
0x2a: {  	p0 =	seq.s32 s5, $0x0;
	s5 =	sld [smem:$0x3FA4]  }
0x2b: {  	s6 =	sld [smem:$0x3FA5]  }
0x2c: {  	s7 =	sld [smem:$0x3FA6]  }
0x2d: {  	s3 =	simm.s32 $0x108;
	s8 =	sld [smem:$0x3FA7]  }
0x2e: {  	s3 =	simm.s32 @!p0 $0x1082;
	s9 =	sld [smem:$0x3FA8]  }
0x2f: {  	lr =	sadd.s32 s0, s3;
	s0 =	sld [smem:$0x3F9F]  }
0x30: {  	s3 =	sld [smem:$0x3FA2]  }
0x31: {  	[smem:$0x3FAB] =	sst s10  }
0x32: {  	s10 =	sld [smem:$0x3FA9];
	_ =	sdelay $0x3  }
0x33: {  	p0 =	seq.s32 s10, $0x1;
	s10 =	sld [smem:$0x3FAB];
	_ =	sdelay $0x3  }
0x34: {  	[smem:$0x3FAB] =	sst s10  }
0x35: {  	s10 =	sld [smem:$0x3FAA];
	_ =	sdelay $0x3  }
0x36: {  	p1 =	seq.s32 s10, $0x1;
	s10 =	sld [smem:$0x3FAB];
	_ =	sdelay $0x3  }
0x37: {  	[smem:$0x3FAB] =	sst s10  }
0x38: {  	s10 =	sld [smem:$0x3FAC]  }
0x39: {  	_ = 	snop;
	(pc) =	sbr.ind lr, $3  }
0x3a: {  	_ = 	snop  }
0x3b: {  	_ = 	snop  }
0x3c: {  	p2 =	seq.s32 s10, $0x1;
	s10 =	sld [smem:$0x3FAB]  }
0x3d: {  	_ =	shalt  }
0x3e: {  	_ =	shalt  }
0x3f: {  	_ =	shalt  }
0x40: {  	_ =	shalt  }
0x41: {  	_ =	shalt  }
0x42: {  	_ =	shalt  }
0x43: {  	_ =	shalt  }
0x44: {  	_ =	shalt  }
0x45: {  	_ =	shalt  }
0x46: {  	_ =	shalt  }
0x47: {  	_ =	shalt  }
0x48: {  	_ =	shalt  }
0x49: {  	_ =	shalt  }
0x4a: {  	_ =	shalt  }
0x4b: {  	_ =	shalt  }
0x4c: {  	_ =	shalt  }
0x4d: {  	_ =	shalt  }
0x4e: {  	_ =	shalt  }
0x4f: {  	_ =	shalt  }
0x50: {  	_ =	shalt  }
0x51: {  	_ =	shalt  }
0x52: {  	_ =	shalt  }
0x53: {  	_ =	shalt  }
0x54: {  	_ =	shalt  }
0x55: {  	_ =	shalt  }
0x56: {  	_ =	shalt  }
0x57: {  	_ =	shalt  }
0x58: {  	_ =	shalt  }
0x59: {  	_ =	shalt  }
0x5a: {  	_ =	shalt  }
0x5b: {  	_ =	shalt  }
0x5c: {  	_ =	shalt  }
0x5d: {  	_ =	shalt  }
0x5e: {  	_ =	shalt  }
0x5f: {  	_ =	shalt  }
0x60: {  	_ =	shalt  }
0x61: {  	_ =	shalt  }
0x62: {  	_ =	shalt  }
0x63: {  	_ =	shalt  }
0x64: {  	_ =	shalt  }
0x65: {  	_ =	shalt  }
0x66: {  	_ =	shalt  }
0x67: {  	_ =	shalt  }
0x68: {  	_ =	shalt  }
0x69: {  	_ =	shalt  }
0x6a: {  	_ =	shalt  }
0x6b: {  	_ =	shalt  }
0x6c: {  	_ =	shalt  }
0x6d: {  	_ =	shalt  }
0x6e: {  	_ =	shalt  }
0x6f: {  	_ =	shalt  }
0x70: {  	_ =	shalt  }
0x71: {  	_ =	shalt  }
0x72: {  	_ =	shalt  }
0x73: {  	_ =	shalt  }
0x74: {  	_ =	shalt  }
0x75: {  	_ =	shalt  }
0x76: {  	_ =	shalt  }
0x77: {  	_ =	shalt  }
0x78: {  	_ =	shalt  }
0x79: {  	_ =	shalt  }
0x7a: {  	_ =	shalt  }
0x7b: {  	_ =	shalt  }
0x7c: {  	_ =	shalt  }
0x7d: {  	_ =	shalt  }
0x7e: {  	_ =	shalt  }
0x7f: {  	_ =	shalt  }
0x80: {  	_ =	shalt  }
0x81: {  	_ =	shalt  }
0x82: {  	_ =	shalt  }
0x83: {  	_ =	shalt  }
0x84: {  	_ =	shalt  }
0x85: {  	_ =	shalt  }
0x86: {  	_ =	shalt  }
0x87: {  	_ =	shalt  }
.Lfunc_end0:
.L_simem_size_0:
called_computation_lowered:
.L_overlay_start_0:
0x88: {  	s2 =	sld [smem:$0x3FD9]  }
0x89: {  	s3 =	sld [smem:$0x3FFE];
	_ =	sdelay $0x1  }
0x8a: {  	s1 =	srdreg.scid  }
0x8b: {  	s0 =	sand.u32 $0x1, s1  }
0x8c: {  	s17 =	sshll.u32 s0, $0xA;
	s2 =	sadd.s32 s3, s2  }
0x8d: {  	s2 =	sadd.s32 s2, s17  }
0x8e: {  	[smem:$0x3FB7] =	sst s2  }
0x8f: {  	_ = 	snop  }
0x90: {  	s2 =	sld [smem:$0x3FD0];
	(tm) =	ssettm $0x1  }
0x91: {  	s18 =	sld [smem:$0x3FFB];
	_ =	sdelay $0x3  }
0x92: {  	_ =	strace s18  }
0x93: {  	s3 =	sld [smem:$0x3FFC];
	_ =	sdelay $0x3  }
0x94: {  	_ =	strace s3  }
0x95: {  	s3 =	sld [smem:$0x3FFD];
	_ =	sdelay $0x3  }
0x96: {  	_ =	strace s3  }
0x97: {  	_ =	strace $0x8FFFFFFF  }
0x98: {  	s19 =	sld [smem:$0x3FDB];
	_ =	sdelay $0x1  }
0x99: {  	s4 =	simm.s32 $_scs_section_size  }
0x9a: {  	s5 =	simm.s32 $_size__tile_overlayer_lowered;
	s6 =	simm.s32 $_tile_overlayer_lowered  }
0x9b: {  	s22 =	simm.s32 $0x1BFF;
	s21 =	sshll.u32 s6, $0x1;
	s3 =	sadd.s32 s4, s19  }
0x9c: {  	s7 =	simm.s32 $0x0;
	s20 =	sshll.u32 s5, $0x1;
	s5 =	sadd.s32 s21, s3  }
0x9d: {  	[timem:s7], [sflag:s22] =	dma.local [hbm:s5], s20  }
0x9e: {  	_ =	swait.ge [sflag:s22], s20  }
0x9f: {  	s4 =	ssub.s32 $0x0, s20;
	[sflag:s22] =	ssyncset.done $0x0  }
0xa0: {  	[sflag:s22] =	ssyncadd.s32 s4;
	_ =	sdelay $0x1  }
0xa1: {  	s23 =	simm.s32 $0x1B8B  }
0xa2: {  	_ =	swait.ge [sflag:s23], $0x1  }
0xa3: {  	[sflag:s23] =	ssyncset.done $0x0  }
0xa4: {  	s25 =	simm.s32 $0x1B8E;
	s24 =	sld [smem:$0x3FFE];
	[sflag:s23] =	ssyncadd.s32 $0xFFFFFFFF  }
0xa5: {  	s26 =	simm.s32 $execute0_lowered;
	[smem:$0x3FD2] =	sst s25  }
0xa6: {  	s5 =	sshll.u32 s26, $0x1;
	_ =	strace $0x80000046;
	[dreg:$0x1] =	wrdreg $0xFFFFFFFF  }
0xa7: {  	s28 =	simm.s32 $_size_execute0_lowered;
	s3 =	sadd.s32 s3, s5;
	[dreg:$0x0] =	wrdreg $0x0  }
0xa8: {  	s5 =	sshll.u32 s28, $0x1;
	[dreg:$0x2] =	wrdreg s3  }
0xa9: {  	[dreg:$0x3] =	wrdreg s5  }
0xaa: {  	[dreg:$0x4] =	wrdreg $0xC0  }
0xab: {  	_ =	task [dreg:s7], $0x5FFFF  }
0xac: {  	[dreg:$0x1] =	wrdreg $0xFFFFFFFF  }
0xad: {  	[dreg:$0x0] =	wrdreg $0x60  }
0xae: {  	[dreg:$0x2] =	wrdreg s24  }
0xaf: {  	[dreg:$0x3] =	wrdreg s2  }
0xb0: {  	[dreg:$0x4] =	wrdreg $0x9  }
0xb1: {  	_ =	task.clear_ibuf [dreg:s7], $0x5FFFF;
	_ =	strace $0x90000046  }
0xb2: {  	s29 =	simm.s32 $0x9;
	_ =	strace $0x80000048  }
0xb3: {  	_ =	swait.ge [sflag:s29], $0x1  }
0xb4: {  	[sflag:s29] =	ssyncadd.s32 $0xFFFFFFFF  }
0xb5: {  	_ =	strace $0x90000048  }
0xb6: {  	_ =	sfence  }
0xb7: {  	s30 =	sld [smem:$0x0];
	_ =	sdelay $0x2  }
0xb8: {  	s31 =	sshll.u32 s1, $0xD;
	s1 =	sshrl.u32 s1, $0x2  }
0xb9: {  	s3 =	sand.u32 $0x4000, s31;
	s1 =	sadd.s32 s1, s30  }
0xba: {  	s0 =	sor.u32 s3, s0;
	s1 =	sshll.u32 s1, $0x11  }
0xbb: {  	s0 =	sor.u32 s1, s0  }
0xbc: {  	s0 =	sadd.s32 $0x8F2B, s0  }
0xbd: {  	[sflag:s0] =	ssyncadd.remote.s32 $0x1  }
0xbe: {  	_ =	sfence.sel $0xFFFF  }
0xbf: {  	[dreg:$0x0] =	wrdreg $0xFFFFFFFF;
	(pc) =	sbr.abs _section_cstart, $3  }
0xc0: {  	[dreg:$0x1] =	wrdreg $0xFFFFFFFF  }
0xc1: {  	_ =	task.clear_ibuf [dreg:s7], $0x2FFFF;
	_ =	strace $0x9FFFFFFF  }
0xc2: {  	(tm) =	ssettm $0x7FFFFFFF  }
0xc3: {  	_ =	shalt  }
tec
execute0_lowered:
.L_overlay_start_1:
0x0: {  	(tag) =	ssettag $0x1  }
0x1: {  	s0 =	rddreg [dreg:$0x0]  }
0x2: {  	s1 =	rddreg [dreg:$0x1];
	s3 =	simm.s32 $0x0;
	s2 =	srdreg.scid  }
0x3: {  	s4 =	stileid.u32;
	s12 =	simm.s32 $0x5;
	s13 =	simm.s32 $0x800  }
0x4: {  	s14 =	simm.s32 $0xC3800;
	s15 =	simm.s32 $0xDC00;
	s16 =	simm.s32 $0x1  }
0x5: {  	s17 =	simm.s32 $0x10;
	s18 =	simm.s32 $0x20;
	s19 =	simm.s32 $0x30  }
0x6: {  	s20 =	simm.s32 $0xFC00;
	s21 =	simm.s32 $0x2;
	s22 =	simm.s32 $0x17C00  }
0x7: {  	s23 =	simm.s32 $0x3;
	s24 =	simm.s32 $0x4;
	s25 =	simm.s32 $0x0  }
0x8: {  	[smem:$0x7FF] =	sst s3;
	s2 =	sand.u32 $0x1, s2;
	s5 =	sshll.u32 s4, $0x1  }
0x9: {  	s4 =	sadd.s32 $0x3E00, s0;
	s29 =	sadd.s32 $0x2200, s0;
	s31 =	sadd.s32 $0x186000, s1  }
.Ltmp0:
0xa: {  	_ =	strace $0x80000047;
	s7 =	ssub.s32 $0x2, s2;
	(pc) =	sbr.rel .LBB2_1-.Ltmp0, $4  }
0xb: {  	s5 =	sor.u32 s2, s5;
	[dreg:$0x3] =	wrdreg s29;
	s30 =	sshrl.u32 s7, $0x1  }
0xc: {  	[dreg:$0x5] =	wrdreg s31;
	s8 =	sshll.u32 s5, $0x8;
	s2 =	ssub.s32 s7, s30  }
0xd: {  	s7 =	sadd.s32 s4, s8;
	s8 =	sadd.s32 $0x7E00, s0;
	s0 =	sadd.s32 $0x1C400, s0  }
0xe: {  	v0 =	vlaneseq.u32;
	p0 =	sne.s32 s5, $0x1F;
	[dreg:$0x4] =	wrdreg s0;
	s11 =	smax.u32 s2, $0x1  }
.LBB2_22:
0xf: {  	s25 =	sadd.s32 $0x1, s25  }
0x10: {  	p1 =	sne.s32 s25, s11  }
.Ltmp1:
0x11: {  	_ = 	snop;
	(pc) =	sbr.rel @!p1 .LBB2_23-.Ltmp1, $1  }
0x12: {  	_ =	sdelay $0x3  }
.LBB2_1:
0x13: {  	s0 =	rddreg [dreg:$0x3]  }
0x14: {  	[tilespmem:s3], [sflag:$0x5] =	stream.linear.gather [hbm4b:s0+s3], $0xDC00, $0x38;
	[tilespmem:$0x1FC00] =	vst v63  }
.Ltmp2:
0x15: {  	_ = 	snop;
	(pc) =	sbr.rel .LBB2_2-.Ltmp2, $4  }
0x16: {  	_ =	swait.ge [sflag:s12], $0xDC00  }
0x17: {  	[sflag:s12] =	ssyncset.done $0x0  }
0x18: {  	s26 =	simm.s32 $0x0;
	[sflag:s12] =	ssyncadd.s32 $0xFFFF2400  }
0x19: {  	[tilespmem:s15], [sflag:$0x1] =	stream.strided.gather [hbm4b:s7+s13], $0x1000, s14, s13, $0x38;
	[tilespmem:$0x1FC00] =	vst v63  }
.LBB2_15:
0x1a: {  	s26 =	sadd.s32 $0x1, s26  }
0x1b: {  	p1 =	sne.s32 s26, $0x7  }
.Ltmp3:
0x1c: {  	_ = 	snop;
	(pc) =	sbr.rel @!p1 .LBB2_16-.Ltmp3, $1  }
0x1d: {  	_ =	sdelay $0x3  }
.LBB2_2:
0x1e: {  	s0 =	sshll.u32 s26, $0x6  }
0x1f: {  	s29 =	sor.u32 s5, s0  }
0x20: {  	p2 =	sgt.u32 s29, $0x185  }
.Ltmp4:
0x21: {  	s28 =	sor.u32 $0x20, s29;
	(pc) =	sbr.rel @p2 .LBB2_15-.Ltmp4, $4  }
0x22: {  	p1 =	sgt.u32 s28, $0x185  }
0x23: {  	s0 =	sshll.u32 @!p1 s28, $0x8;
	s2 =	simm.s32 @!p1 $0x800  }
0x24: {  	s9 =	simm.s32 @!p1 $0xC3800;
	s30 =	simm.s32 @!p1 $0xEC00;
	s0 =	sadd.s32 @!p1 s4, s0  }
0x25: {  	[tilespmem:s30], [sflag:$0x2] =	stream.strided.gather @!p1 [hbm4b:s0+s2], $0x1000, s9, s2, $0x38;
	[tilespmem:$0x1FC00] =	vst v63  }
0x26: {  	p2 =	seq.s32 s26, $0x0  }
0x27: {  	s0 =	simm.s32 @!p2 $0x3  }
0x28: {  	_ =	swait.ge @!p2 [sflag:s0], $0x8000  }
0x29: {  	[sflag:s0] =	ssyncset.done @!p2 $0x0  }
0x2a: {  	[sflag:s0] =	ssyncadd.s32 @!p2 $0xFFFF8000  }
0x2b: {  	_ =	swait.ge [sflag:s16], $0x1000  }
0x2c: {  	s30 =	simm.s32 $0x0;
	[sflag:s16] =	ssyncset.done $0x0  }
0x2d: {  	s2 =	simm.s32 $0xFC80;
	s0 =	simm.s32 $0x0;
	[sflag:s16] =	ssyncadd.s32 $0xFFFFF000  }
.LBB2_4:
0x2e: {  	s9 =	sshll.u32 s0, $0x4;
	s31 =	sshll.u32 s0, $0x7  }
0x2f: {  	s10 =	sand.u32 $0x70, s9;
	s6 =	sand.u32 $0x400, s31  }
0x30: {  	s6 =	sor.u32 s10, s6  }
0x31: {  	v1 =	vld [tilespmem:s6+$0xDE80]  }
0x32: {  	v6 =	vld [tilespmem:s6+$0xDC00]  }
0x33: {  	v7 =	vld [tilespmem:s6+$0xE500]  }
0x34: {  	s9 =	sor.u32 s31, s9;
	v2 =	vld [tilespmem:s6+$0xDF00]  }
0x35: {  	s9 =	sor.u32 $0x380, s9;
	v10 =	vld [tilespmem:s6+$0xE600]  }
0x36: {  	v13 =	vld [tilespmem:s9+$0xDC00]  }
0x37: {  	v3 =	vld [tilespmem:s6+$0xE700];
	v1 =	vmul.u32 $0x6, v1  }
0x38: {  	v4 =	vld [tilespmem:s6+$0xE480];
	v6 =	vadd.s32 v6, v7  }
0x39: {  	v8 =	vmov s30;
	v6 =	vshll.u32 v6, $0x6;
	v1 =	vadd.s32 v2, v1  }
0x3a: {  	s10 =	simm.s32 $0x1;
	v2 =	vld [tilespmem:s6+$0xE780];
	v7 =	vperm.xlane v6, v8;
	v1 =	vmul.u32 $0x5, v1  }
0x3b: {  	v5 =	vld [tilespmem:s6+$0xDC80];
	v34 =	vmov s10;
	v10 =	vshll.u32 v10, $0x7;
	v13 =	vshll.u32 v13, $0x6  }
0x3c: {  	v10 =	vadd.s32 v13, v10;
	v13 =	vadd.s32 v0, v7;
	v1 =	vadd.s32 v3, v1  }
0x3d: {  	v9 =	vld [tilespmem:s6+$0xE680];
	v7 =	vadd.s32 $0x1DC0, v10;
	v3 =	vmul.u32 $0x7, v4;
	v1 =	vshll.u32 v1, $0x6  }
0x3e: {  	v11 =	vld [tilespmem:s6+$0xDD00];
	v42 =	vperm.xlane v7, v34;
	v1 =	vadd.s32 $0xAEC0, v1  }
0x3f: {  	v14 =	vld [tilespmem:s6+$0xDD80];
	v2 =	vadd.s32 v2, v3;
	v3 =	vperm.xlane v1, v8  }
0x40: {  	v15 =	vld [tilespmem:s6+$0xE580];
	v5 =	vshll.u32 v5, $0x6;
	v42 =	vadd.s32 v0, v42;
	v2 =	vshll.u32 v2, $0x8  }
0x41: {  	v17 =	vld [tilespmem:s6+$0xE400];
	v2 =	vadd.s32 v2, v5;
	v5 =	vadd.s32 v0, v3  }
0x42: {  	v4 =	vld [tilespmem:s6+$0xDE00]  }
0x43: {  	v25 =	vperm.xlane v1, v34;
	v35 =	vld.idx.msk [tilespmem:v13+s17+$0x0], $0xffff  }
0x44: {  	v36 =	vld.idx.msk [tilespmem:v13+s18+$0x0], $0xffff  }
0x45: {  	v37 =	vadd.s32 v0, v25;
	v50 =	vld.idx.msk [tilespmem:v42+s19+$0x0], $0xffff  }
0x46: {  	v3 =	vadd.s32 $0x7DC0, v2;
	v12 =	vld.idx.msk [tilespmem:v5+s3+$0x0], $0xffff  }
0x47: {  	v2 =	vperm.xlane v3, v8;
	v16 =	vld.idx.msk [tilespmem:v5+s17+$0x0], $0xffff  }
0x48: {  	v9 =	vshll.u32 v9, $0x6;
	v4 =	vshll.u32 v4, $0x7;
	v25 =	vperm.xlane v3, v34;
	v20 =	vld.idx.msk [tilespmem:v5+s18+$0x0], $0xffff  }
0x49: {  	v4 =	vadd.s32 v9, v4;
	v9 =	vadd.s32 v0, v2;
	v24 =	vld.idx.msk [tilespmem:v5+s19+$0x0], $0xffff  }
0x4a: {  	v41 =	vadd.s32 v0, v25;
	v25 =	vperm.xlane v6, v34;
	v28 =	vld.idx.msk [tilespmem:v37+s3+$0x0], $0xffff  }
0x4b: {  	v26 =	vld.idx.msk [tilespmem:v37+s17+$0x0], $0xffff  }
0x4c: {  	v11 =	vmul.u32 $0xC, v11;
	v2 =	vadd.s32 $0x78C0, v4;
	v43 =	vadd.s32 v0, v25;
	v25 =	vld.idx.msk [tilespmem:v37+s18+$0x0], $0xffff  }
0x4d: {  	v4 =	vperm.xlane v2, v8;
	v37 =	vld.idx.msk [tilespmem:v37+s19+$0x0], $0xffff  }
0x4e: {  	v11 =	vadd.s32 v14, v11;
	v18 =	vld.idx.msk [tilespmem:v9+s3+$0x0], $0xffff  }
0x4f: {  	v11 =	vshll.u32 v11, $0x6;
	v14 =	vadd.s32 v0, v4;
	v19 =	vld.idx.msk [tilespmem:v9+s17+$0x0], $0xffff  }
0x50: {  	v4 =	vadd.s32 $0x54C0, v11;
	v11 =	vshll.u32 v15, $0x7;
	v15 =	vshll.u32 v17, $0x6;
	v17 =	vld.idx.msk [tilespmem:v9+s18+$0x0], $0xffff  }
0x51: {  	v22 =	vld.idx.msk [tilespmem:v9+s19+$0x0], $0xffff  }
0x52: {  	v46 =	vld.idx.msk [tilespmem:v41+s3+$0x0], $0xffff  }
0x53: {  	v47 =	vld.idx.msk [tilespmem:v41+s17+$0x0], $0xffff  }
0x54: {  	v48 =	vld.idx.msk [tilespmem:v41+s18+$0x0], $0xffff  }
0x55: {  	v45 =	vperm.xlane v2, v34;
	v41 =	vld.idx.msk [tilespmem:v41+s19+$0x0], $0xffff  }
0x56: {  	v5 =	vperm.xlane v4, v8;
	v49 =	vld.idx.msk [tilespmem:v43+s19+$0x0], $0xffff  }
0x57: {  	v45 =	vadd.s32 v0, v45;
	v11 =	vadd.s32 v15, v11;
	v62 =	vld.idx.msk [tilespmem:v43+s17+$0x0], $0xffff  }
0x58: {  	v15 =	vadd.s32 v0, v5;
	v5 =	vadd.s32 $0x3C40, v11;
	v11 =	vld.idx.msk [tilespmem:v14+s3+$0x0], $0xffff  }
0x59: {  	v21 =	vld.idx.msk [tilespmem:v14+s17+$0x0], $0xffff  }
0x5a: {  	v23 =	vld.idx.msk [tilespmem:v14+s18+$0x0], $0xffff  }
0x5b: {  	v27 =	vld.idx.msk [tilespmem:v14+s19+$0x0], $0xffff  }
0x5c: {  	v52 =	vld.idx.msk [tilespmem:v45+s3+$0x0], $0xffff  }
0x5d: {  	v54 =	vld.idx.msk [tilespmem:v45+s17+$0x0], $0xffff  }
0x5e: {  	v55 =	vld.idx.msk [tilespmem:v45+s19+$0x0], $0xffff  }
0x5f: {  	v9 =	vperm.xlane v5, v8;
	v45 =	vld.idx.msk [tilespmem:v45+s18+$0x0], $0xffff  }
0x60: {  	v14 =	vld.idx.msk [tilespmem:v15+s3+$0x0], $0xffff  }
0x61: {  	v9 =	vadd.s32 v0, v9;
	v29 =	vld.idx.msk [tilespmem:v15+s17+$0x0], $0xffff  }
0x62: {  	v30 =	vld.idx.msk [tilespmem:v15+s18+$0x0], $0xffff  }
0x63: {  	v31 =	vld.idx.msk [tilespmem:v15+s19+$0x0], $0xffff  }
0x64: {  	v49 =	vadd.bf16 v50, v49;
	v50 =	vld.idx.msk [tilespmem:v43+s3+$0x0], $0xffff  }
0x65: {  	v8 =	vperm.xlane v7, v8;
	v43 =	vld.idx.msk [tilespmem:v43+s18+$0x0], $0xffff  }
0x66: {  	v10 =	vld.idx.msk [tilespmem:v9+s3+$0x0], $0xffff  }
0x67: {  	v8 =	vadd.s32 v0, v8;
	v15 =	vld.idx.msk [tilespmem:v9+s17+$0x0], $0xffff  }
0x68: {  	v32 =	vld.idx.msk [tilespmem:v9+s18+$0x0], $0xffff  }
0x69: {  	v44 =	vperm.xlane v5, v34;
	v33 =	vld.idx.msk [tilespmem:v9+s19+$0x0], $0xffff  }
0x6a: {  	v34 =	vperm.xlane v4, v34;
	v9 =	vld.idx.msk [tilespmem:v13+s3+$0x0], $0xffff  }
0x6b: {  	v44 =	vadd.s32 v0, v44;
	v13 =	vld.idx.msk [tilespmem:v13+s19+$0x0], $0xffff  }
0x6c: {  	v34 =	vadd.s32 v0, v34;
	v38 =	vld.idx.msk [tilespmem:v8+s3+$0x0], $0xffff  }
0x6d: {  	v39 =	vld.idx.msk [tilespmem:v8+s17+$0x0], $0xffff  }
0x6e: {  	v40 =	vld.idx.msk [tilespmem:v8+s18+$0x0], $0xffff  }
0x6f: {  	v8 =	vld.idx.msk [tilespmem:v8+s19+$0x0], $0xffff  }
0x70: {  	s9 =	simm.s32 $0x2;
	v51 =	vld.idx.msk [tilespmem:v44+s19+$0x0], $0xffff  }
0x71: {  	v59 =	vmov s9;
	v53 =	vld.idx.msk [tilespmem:v34+s19+$0x0], $0xffff  }
0x72: {  	v61 =	vperm.xlane v1, v59;
	v56 =	vld.idx.msk [tilespmem:v34+s3+$0x0], $0xffff  }
0x73: {  	v57 =	vld.idx.msk [tilespmem:v34+s17+$0x0], $0xffff  }
0x74: {  	v61 =	vadd.s32 v0, v61;
	v34 =	vld.idx.msk [tilespmem:v34+s18+$0x0], $0xffff  }
0x75: {  	v58 =	vld.idx.msk [tilespmem:v44+s3+$0x0], $0xffff;
	v9 =	vadd.bf16 v38, v9;
	v38 =	vadd.bf16 v51, v49  }
0x76: {  	v60 =	vld.idx.msk [tilespmem:v44+s17+$0x0], $0xffff;
	v35 =	vadd.bf16 v39, v35;
	v36 =	vadd.bf16 v40, v36  }
0x77: {  	v63 =	vperm.xlane v3, v59;
	v44 =	vld.idx.msk [tilespmem:v44+s18+$0x0], $0xffff;
	v9 =	vadd.bf16 v10, v9;
	v10 =	vadd.bf16 v53, v38  }
0x78: {  	v49 =	vld.idx.msk [tilespmem:v42+s3+$0x0], $0xffff;
	v13 =	vadd.bf16 v8, v13;
	v15 =	vadd.bf16 v15, v35  }
0x79: {  	v51 =	vadd.s32 v0, v63;
	v8 =	vld.idx.msk [tilespmem:v61+s18+$0x0], $0xffff;
	v14 =	vadd.bf16 v14, v9;
	v63 =	vadd.bf16 v55, v10  }
0x7a: {  	v38 =	vld.idx.msk [tilespmem:v42+s17+$0x0], $0xffff;
	v32 =	vadd.bf16 v32, v36;
	v15 =	vadd.bf16 v29, v15  }
0x7b: {  	v53 =	vld.idx.msk [tilespmem:v42+s18+$0x0], $0xffff;
	v14 =	vadd.bf16 v11, v14;
	v40 =	vadd.bf16 v41, v63  }
0x7c: {  	v33 =	vadd.bf16 v33, v13;
	v10 =	vld.idx.msk [tilespmem:v61+s3+$0x0], $0xffff;
	v29 =	vperm.xlane v2, v59;
	v21 =	vadd.bf16 v21, v15  }
0x7d: {  	v9 =	vld.idx.msk [tilespmem:v61+s17+$0x0], $0xffff;
	v18 =	vadd.bf16 v18, v14;
	v41 =	vadd.bf16 v37, v40  }
0x7e: {  	v42 =	vperm.xlane v4, v59;
	v30 =	vadd.bf16 v30, v32;
	v13 =	vld.idx.msk [tilespmem:v51+s18+$0x0], $0xffff;
	v29 =	vadd.s32 v0, v29  }
0x7f: {  	v11 =	vld.idx.msk [tilespmem:v61+s19+$0x0], $0xffff;
	v19 =	vadd.bf16 v19, v21;
	v18 =	vadd.bf16 v12, v18;
	v12 =	vunpack.i.u.bf16.f32 v41  }
0x80: {  	v32 =	vadd.s32 v0, v42;
	v15 =	vld.idx.msk [tilespmem:v51+s3+$0x0], $0xffff;
	v21 =	vadd.bf16 v31, v33;
	v31 =	vunpack.i.l.bf16.f32 v41;
	[tilespmem:s2+$0x70] =	vst v12  }
0x81: {  	v23 =	vadd.bf16 v23, v30;
	v14 =	vld.idx.msk [tilespmem:v51+s17+$0x0], $0xffff;
	v30 =	vadd.bf16 v16, v19;
	[tilespmem:s2+$0x30] =	vst v31;
	v16 =	vunpack.i.l.bf16.f32 v18  }
0x82: {  	v12 =	vld.idx.msk [tilespmem:v51+s19+$0x0], $0xffff;
	v31 =	vunpack.i.u.bf16.f32 v18;
	[tilespmem:s2+$0xFFFFFF80] =	vst v16;
	v16 =	vadd.bf16 v49, v50  }
0x83: {  	v27 =	vadd.bf16 v27, v21;
	v19 =	vld.idx.msk [tilespmem:v29+s3+$0x0], $0xffff;
	[tilespmem:s2+$0xFFFFFFC0] =	vst v31;
	v31 =	vadd.bf16 v38, v62  }
0x84: {  	v21 =	vadd.bf16 v17, v23;
	v17 =	vld.idx.msk [tilespmem:v29+s18+$0x0], $0xffff;
	v50 =	vperm.xlane v5, v59;
	v51 =	vadd.bf16 v58, v16  }
0x85: {  	v18 =	vld.idx.msk [tilespmem:v29+s17+$0x0], $0xffff;
	v23 =	vunpack.i.l.bf16.f32 v30;
	v27 =	vadd.bf16 v22, v27;
	v31 =	vadd.bf16 v60, v31  }
0x86: {  	v22 =	vld.idx.msk [tilespmem:v32+s19+$0x0], $0xffff;
	[tilespmem:s2+$0xFFFFFF90] =	vst v23;
	v33 =	vadd.s32 v0, v50;
	v35 =	vadd.bf16 v56, v51  }
0x87: {  	v23 =	vadd.bf16 v53, v43;
	v53 =	vperm.xlane v6, v59;
	v16 =	vld.idx.msk [tilespmem:v29+s19+$0x0], $0xffff;
	v31 =	vadd.bf16 v57, v31  }
0x88: {  	v59 =	vperm.xlane v7, v59;
	v29 =	vadd.bf16 v20, v21;
	v21 =	vld.idx.msk [tilespmem:v32+s3+$0x0], $0xffff;
	v35 =	vadd.bf16 v52, v35  }
0x89: {  	v30 =	vunpack.i.u.bf16.f32 v30;
	v20 =	vld.idx.msk [tilespmem:v32+s17+$0x0], $0xffff;
	v31 =	vadd.bf16 v54, v31  }
0x8a: {  	v55 =	vadd.bf16 v44, v23;
	v23 =	vld.idx.msk [tilespmem:v32+s18+$0x0], $0xffff;
	v61 =	vadd.s32 v0, v59;
	v58 =	vadd.bf16 v46, v35  }
0x8b: {  	[tilespmem:s2+$0xFFFFFFD0] =	vst v30;
	v30 =	vunpack.i.l.bf16.f32 v29;
	v57 =	vadd.bf16 v24, v27;
	v24 =	vld.idx.msk [tilespmem:v33+s3+$0x0], $0xffff;
	v31 =	vadd.bf16 v47, v31  }
0x8c: {  	v29 =	vunpack.i.u.bf16.f32 v29;
	[tilespmem:s2+$0xFFFFFFA0] =	vst v30;
	v30 =	vadd.bf16 v34, v55;
	v27 =	vld.idx.msk [tilespmem:v33+s17+$0x0], $0xffff;
	v28 =	vadd.bf16 v28, v58  }
0x8d: {  	[tilespmem:s2+$0xFFFFFFE0] =	vst v29;
	v32 =	vunpack.i.u.bf16.f32 v57;
	v29 =	vld.idx.msk [tilespmem:v33+s18+$0x0], $0xffff;
	v26 =	vadd.bf16 v26, v31  }
0x8e: {  	s10 =	simm.s32 $0x3;
	v56 =	vadd.s32 v0, v53;
	v37 =	vadd.bf16 v45, v30;
	v30 =	vld.idx.msk [tilespmem:v33+s19+$0x0], $0xffff;
	[tilespmem:s2+$0xFFFFFFF0] =	vst v32;
	v31 =	vunpack.i.l.bf16.f32 v28  }
0x8f: {  	v32 =	vmov s10;
	v38 =	vld.idx.msk [tilespmem:v61+s3+$0x0], $0xffff;
	[tilespmem:s2+$0x0] =	vst v31;
	v31 =	vunpack.i.l.bf16.f32 v26;
	v26 =	vunpack.i.u.bf16.f32 v26  }
0x90: {  	v39 =	vld.idx.msk [tilespmem:v61+s17+$0x0], $0xffff;
	v62 =	vadd.bf16 v48, v37;
	[tilespmem:s2+$0x50] =	vst v26;
	v26 =	vperm.xlane v1, v32  }
0x91: {  	v41 =	vld.idx.msk [tilespmem:v61+s18+$0x0], $0xffff  }
0x92: {  	v60 =	vunpack.i.l.bf16.f32 v57;
	v40 =	vld.idx.msk [tilespmem:v61+s19+$0x0], $0xffff;
	v25 =	vadd.bf16 v25, v62;
	[tilespmem:s2+$0x10] =	vst v31;
	v31 =	vadd.s32 v0, v26  }
0x93: {  	[tilespmem:s2+$0xFFFFFFB0] =	vst v60;
	v34 =	vld.idx.msk [tilespmem:v56+s3+$0x0], $0xffff;
	v28 =	vunpack.i.u.bf16.f32 v28  }
0x94: {  	v63 =	vperm.xlane v3, v32;
	v35 =	vld.idx.msk [tilespmem:v56+s17+$0x0], $0xffff;
	[tilespmem:s2+$0x40] =	vst v28;
	v28 =	vunpack.i.l.bf16.f32 v25  }
0x95: {  	v36 =	vld.idx.msk [tilespmem:v56+s18+$0x0], $0xffff;
	v25 =	vunpack.i.u.bf16.f32 v25;
	[tilespmem:s2+$0x20] =	vst v28  }
0x96: {  	s31 =	smov.u32 s2;
	s9 =	simm.s32 $0x4;
	v37 =	vld.idx.msk [tilespmem:v56+s19+$0x0], $0xffff;
	v42 =	vadd.s32 v0, v63;
	[tilespmem:s2+$0x60] =	vst v25  }
.LBB2_5:
0x97: {  	p3 =	slt.u32 s9, $0xE;
	v26 =	vperm.xlane v6, v32;
	v28 =	vld.idx.msk [tilespmem:v31+s3+$0x0], $0xffff  }
0x98: {  	v33 =	vperm.xlane v7, v32;
	v25 =	vld.idx.msk [tilespmem:v31+s17+$0x0], $0xffff  }
0x99: {  	v43 =	vadd.s32 v0, v26;
	v26 =	vld.idx.msk [tilespmem:v31+s18+$0x0], $0xffff  }
0x9a: {  	v44 =	vadd.s32 v0, v33;
	v33 =	vperm.xlane v5, v32;
	v45 =	vld.idx.msk [tilespmem:v31+s19+$0x0], $0xffff  }
0x9b: {  	v46 =	vperm.xlane v2, v32;
	v31 =	vld.idx.msk [tilespmem:v42+s3+$0x0], $0xffff  }
0x9c: {  	v48 =	vperm.xlane v4, v32;
	v47 =	vadd.s32 v0, v33;
	v32 =	vld.idx.msk [tilespmem:v42+s17+$0x0], $0xffff  }
0x9d: {  	v46 =	vadd.s32 v0, v46;
	v33 =	vld.idx.msk [tilespmem:v42+s18+$0x0], $0xffff  }
0x9e: {  	v48 =	vadd.s32 v0, v48;
	v49 =	vld.idx.msk [tilespmem:v43+s19+$0x0], $0xffff  }
0x9f: {  	v50 =	vld.idx.msk [tilespmem:v44+s19+$0x0], $0xffff  }
0xa0: {  	v42 =	vld.idx.msk [tilespmem:v42+s19+$0x0], $0xffff  }
0xa1: {  	v51 =	vld.idx.msk [tilespmem:v47+s19+$0x0], $0xffff  }
0xa2: {  	v52 =	vld.idx.msk [tilespmem:v46+s3+$0x0], $0xffff  }
0xa3: {  	v53 =	vld.idx.msk [tilespmem:v48+s19+$0x0], $0xffff  }
0xa4: {  	v54 =	vld.idx.msk [tilespmem:v46+s17+$0x0], $0xffff  }
0xa5: {  	v49 =	vadd.bf16 v50, v49;
	v50 =	vld.idx.msk [tilespmem:v46+s19+$0x0], $0xffff  }
0xa6: {  	v34 =	vadd.bf16 v38, v34;
	v35 =	vadd.bf16 v39, v35;
	v38 =	vld.idx.msk [tilespmem:v46+s18+$0x0], $0xffff  }
0xa7: {  	v36 =	vadd.bf16 v41, v36;
	v39 =	vadd.bf16 v51, v49;
	v41 =	vld.idx.msk [tilespmem:v48+s3+$0x0], $0xffff  }
0xa8: {  	v24 =	vadd.bf16 v24, v34;
	v37 =	vadd.bf16 v40, v37;
	v34 =	vld.idx.msk [tilespmem:v48+s17+$0x0], $0xffff  }
0xa9: {  	v27 =	vadd.bf16 v27, v35;
	v39 =	vadd.bf16 v53, v39;
	v35 =	vld.idx.msk [tilespmem:v48+s18+$0x0], $0xffff  }
0xaa: {  	v29 =	vadd.bf16 v29, v36;
	v30 =	vadd.bf16 v30, v37;
	v36 =	vld.idx.msk [tilespmem:v47+s3+$0x0], $0xffff  }
0xab: {  	v21 =	vadd.bf16 v21, v24;
	v37 =	vmov s9;
	v39 =	vadd.bf16 v50, v39;
	v24 =	vld.idx.msk [tilespmem:v47+s17+$0x0], $0xffff  }
0xac: {  	v20 =	vadd.bf16 v20, v27;
	v40 =	vperm.xlane v1, v37;
	v23 =	vadd.bf16 v23, v29;
	v27 =	vld.idx.msk [tilespmem:v47+s18+$0x0], $0xffff  }
0xad: {  	v19 =	vadd.bf16 v19, v21;
	v29 =	vadd.bf16 v42, v39;
	v21 =	vld.idx.msk [tilespmem:v43+s3+$0x0], $0xffff  }
0xae: {  	v22 =	vadd.bf16 v22, v30;
	v18 =	vadd.bf16 v18, v20;
	v39 =	vadd.s32 v0, v40;
	v20 =	vld.idx.msk [tilespmem:v43+s17+$0x0], $0xffff  }
0xaf: {  	v15 =	vadd.bf16 v15, v19;
	v29 =	vadd.bf16 v45, v29;
	v19 =	vld.idx.msk [tilespmem:v43+s18+$0x0], $0xffff  }
0xb0: {  	v30 =	vperm.xlane v3, v37;
	v17 =	vadd.bf16 v17, v23;
	v14 =	vadd.bf16 v14, v18;
	v18 =	vld.idx.msk [tilespmem:v44+s3+$0x0], $0xffff  }
0xb1: {  	s31 =	sadd.s32 $0x100, s31;
	v15 =	vadd.bf16 v10, v15;
	v10 =	vunpack.i.u.bf16.f32 v29;
	v29 =	vunpack.i.l.bf16.f32 v29;
	v23 =	vld.idx.msk [tilespmem:v44+s17+$0x0], $0xffff  }
0xb2: {  	v30 =	vadd.s32 v0, v30;
	v16 =	vadd.bf16 v16, v22;
	v22 =	vld.idx.msk [tilespmem:v44+s18+$0x0], $0xffff;
	[tilespmem:s31+$0x70] =	vst v10  }
0xb3: {  	v13 =	vadd.bf16 v13, v17;
	v14 =	vadd.bf16 v9, v14;
	v17 =	vunpack.i.l.bf16.f32 v15;
	v10 =	vld.idx.msk [tilespmem:v39+s3+$0x0], $0xffff;
	[tilespmem:s31+$0x30] =	vst v29  }
0xb4: {  	v15 =	vunpack.i.u.bf16.f32 v15;
	v40 =	vperm.xlane v2, v37;
	v29 =	vperm.xlane v4, v37;
	v9 =	vld.idx.msk [tilespmem:v39+s17+$0x0], $0xffff;
	[tilespmem:s31+$0xFFFFFF80] =	vst v17  }
0xb5: {  	v12 =	vadd.bf16 v12, v16;
	v13 =	vadd.bf16 v8, v13;
	v8 =	vld.idx.msk [tilespmem:v39+s18+$0x0], $0xffff;
	[tilespmem:s31+$0xFFFFFFC0] =	vst v15;
	v15 =	vunpack.i.l.bf16.f32 v14  }
0xb6: {  	v16 =	vadd.s32 v0, v40;
	v14 =	vunpack.i.u.bf16.f32 v14;
	v17 =	vadd.bf16 v18, v21;
	v39 =	vld.idx.msk [tilespmem:v39+s19+$0x0], $0xffff;
	[tilespmem:s31+$0xFFFFFF90] =	vst v15  }
0xb7: {  	v11 =	vadd.bf16 v11, v12;
	v12 =	vunpack.i.l.bf16.f32 v13;
	v18 =	vadd.bf16 v23, v20;
	v15 =	vld.idx.msk [tilespmem:v30+s3+$0x0], $0xffff;
	[tilespmem:s31+$0xFFFFFFD0] =	vst v14  }
0xb8: {  	v20 =	vunpack.i.u.bf16.f32 v13;
	v19 =	vadd.bf16 v22, v19;
	v17 =	vadd.bf16 v36, v17;
	v14 =	vld.idx.msk [tilespmem:v30+s17+$0x0], $0xffff;
	[tilespmem:s31+$0xFFFFFFA0] =	vst v12  }
0xb9: {  	v22 =	vadd.s32 v0, v29;
	v18 =	vadd.bf16 v24, v18;
	v13 =	vld.idx.msk [tilespmem:v30+s18+$0x0], $0xffff;
	[tilespmem:s31+$0xFFFFFFE0] =	vst v20;
	v20 =	vunpack.i.l.bf16.f32 v11  }
0xba: {  	v11 =	vunpack.i.u.bf16.f32 v11;
	v17 =	vadd.bf16 v41, v17;
	v12 =	vld.idx.msk [tilespmem:v30+s19+$0x0], $0xffff;
	[tilespmem:s31+$0xFFFFFFB0] =	vst v20;
	v20 =	vadd.bf16 v27, v19  }
0xbb: {  	v27 =	vadd.bf16 v34, v18;
	v19 =	vld.idx.msk [tilespmem:v16+s3+$0x0], $0xffff;
	[tilespmem:s31+$0xFFFFFFF0] =	vst v11  }
0xbc: {  	v21 =	vperm.xlane v5, v37;
	v23 =	vadd.bf16 v52, v17;
	v18 =	vld.idx.msk [tilespmem:v16+s17+$0x0], $0xffff;
	v20 =	vadd.bf16 v35, v20  }
0xbd: {  	v24 =	vadd.bf16 v54, v27;
	v11 =	vmov v39;
	v17 =	vld.idx.msk [tilespmem:v16+s18+$0x0], $0xffff  }
0xbe: {  	v30 =	vadd.s32 v0, v21;
	v23 =	vadd.bf16 v31, v23;
	v16 =	vld.idx.msk [tilespmem:v16+s19+$0x0], $0xffff;
	v27 =	vadd.bf16 v38, v20  }
0xbf: {  	v29 =	vperm.xlane v6, v37;
	v24 =	vadd.bf16 v32, v24;
	v21 =	vld.idx.msk [tilespmem:v22+s3+$0x0], $0xffff  }
0xc0: {  	v28 =	vadd.bf16 v28, v23;
	v20 =	vld.idx.msk [tilespmem:v22+s17+$0x0], $0xffff;
	v27 =	vadd.bf16 v33, v27  }
0xc1: {  	v31 =	vadd.s32 v0, v29;
	v25 =	vadd.bf16 v25, v24;
	v23 =	vld.idx.msk [tilespmem:v22+s18+$0x0], $0xffff  }
0xc2: {  	v29 =	vunpack.i.u.bf16.f32 v28;
	v22 =	vld.idx.msk [tilespmem:v22+s19+$0x0], $0xffff;
	v26 =	vadd.bf16 v26, v27;
	v27 =	vunpack.i.l.bf16.f32 v28  }
0xc3: {  	v28 =	vunpack.i.u.bf16.f32 v25;
	v25 =	vunpack.i.l.bf16.f32 v25;
	v24 =	vld.idx.msk [tilespmem:v30+s3+$0x0], $0xffff;
	[tilespmem:s31+$0x0] =	vst v27  }
0xc4: {  	v32 =	vperm.xlane v7, v37;
	v27 =	vld.idx.msk [tilespmem:v30+s17+$0x0], $0xffff;
	[tilespmem:s31+$0x40] =	vst v29;
	v33 =	vunpack.i.u.bf16.f32 v26;
	v26 =	vunpack.i.l.bf16.f32 v26  }
0xc5: {  	v29 =	vld.idx.msk [tilespmem:v30+s18+$0x0], $0xffff;
	[tilespmem:s31+$0x10] =	vst v25  }
0xc6: {  	s6 =	sadd.s32 $0x1, s9;
	v25 =	vadd.s32 v0, v32;
	v30 =	vld.idx.msk [tilespmem:v30+s19+$0x0], $0xffff;
	[tilespmem:s31+$0x50] =	vst v28  }
0xc7: {  	v32 =	vmov s6;
	v34 =	vld.idx.msk [tilespmem:v31+s3+$0x0], $0xffff;
	[tilespmem:s31+$0x20] =	vst v26  }
0xc8: {  	v26 =	vperm.xlane v1, v32;
	v35 =	vld.idx.msk [tilespmem:v31+s17+$0x0], $0xffff;
	[tilespmem:s31+$0x60] =	vst v33  }
0xc9: {  	v36 =	vld.idx.msk [tilespmem:v31+s18+$0x0], $0xffff  }
.Ltmp5:
0xca: {  	v37 =	vld.idx.msk [tilespmem:v31+s19+$0x0], $0xffff;
	v31 =	vadd.s32 v0, v26;
	(pc) =	sbr.rel @p3 .LBB2_5-.Ltmp5, $4  }
0xcb: {  	v38 =	vld.idx.msk [tilespmem:v25+s3+$0x0], $0xffff  }
0xcc: {  	v26 =	vperm.xlane v3, v32;
	v39 =	vld.idx.msk [tilespmem:v25+s17+$0x0], $0xffff  }
0xcd: {  	v41 =	vld.idx.msk [tilespmem:v25+s18+$0x0], $0xffff  }
0xce: {  	s9 =	sadd.s32 $0x2, s9;
	v42 =	vadd.s32 v0, v26;
	v40 =	vld.idx.msk [tilespmem:v25+s19+$0x0], $0xffff  }
0xcf: {  	_ =	sdelay $0x3  }
0xd0: {  	v3 =	vld.idx.msk [tilespmem:v31+s3+$0x0], $0xffff  }
0xd1: {  	v1 =	vperm.xlane v6, v32;
	v58 =	vperm.xlane v7, v32;
	v7 =	vld.idx.msk [tilespmem:v31+s17+$0x0], $0xffff  }
0xd2: {  	v25 =	vld.idx.msk [tilespmem:v31+s18+$0x0], $0xffff  }
0xd3: {  	v5 =	vperm.xlane v5, v32;
	v26 =	vld.idx.msk [tilespmem:v31+s19+$0x0], $0xffff;
	v1 =	vadd.s32 v0, v1  }
0xd4: {  	v28 =	vld.idx.msk [tilespmem:v42+s3+$0x0], $0xffff;
	v4 =	vperm.xlane v4, v32;
	v6 =	vadd.s32 v0, v58  }
0xd5: {  	v2 =	vperm.xlane v2, v32;
	v31 =	vld.idx.msk [tilespmem:v42+s17+$0x0], $0xffff;
	v5 =	vadd.s32 v0, v5  }
0xd6: {  	v32 =	vld.idx.msk [tilespmem:v42+s18+$0x0], $0xffff;
	v4 =	vadd.s32 v0, v4  }
0xd7: {  	v59 =	vld.idx.msk [tilespmem:v42+s19+$0x0], $0xffff;
	v2 =	vadd.s32 v0, v2  }
0xd8: {  	v33 =	vld.idx.msk [tilespmem:v1+s19+$0x0], $0xffff  }
0xd9: {  	v34 =	vadd.bf16 v38, v34;
	v43 =	vld.idx.msk [tilespmem:v6+s19+$0x0], $0xffff  }
0xda: {  	v44 =	vld.idx.msk [tilespmem:v5+s19+$0x0], $0xffff  }
0xdb: {  	v35 =	vadd.bf16 v39, v35;
	v24 =	vadd.bf16 v24, v34;
	v46 =	vld.idx.msk [tilespmem:v4+s19+$0x0], $0xffff  }
0xdc: {  	v36 =	vadd.bf16 v41, v36;
	v37 =	vadd.bf16 v40, v37;
	v60 =	vld.idx.msk [tilespmem:v2+s19+$0x0], $0xffff  }
0xdd: {  	v27 =	vadd.bf16 v27, v35;
	v21 =	vadd.bf16 v21, v24;
	v63 =	vld.idx.msk [tilespmem:v1+s3+$0x0], $0xffff  }
0xde: {  	v29 =	vadd.bf16 v29, v36;
	v30 =	vadd.bf16 v30, v37;
	v36 =	vld.idx.msk [tilespmem:v1+s17+$0x0], $0xffff  }
0xdf: {  	v20 =	vadd.bf16 v20, v27;
	v19 =	vadd.bf16 v19, v21;
	v37 =	vld.idx.msk [tilespmem:v6+s3+$0x0], $0xffff  }
0xe0: {  	v23 =	vadd.bf16 v23, v29;
	v1 =	vld.idx.msk [tilespmem:v1+s18+$0x0], $0xffff  }
0xe1: {  	v40 =	vld.idx.msk [tilespmem:v6+s17+$0x0], $0xffff;
	v18 =	vadd.bf16 v18, v20;
	v15 =	vadd.bf16 v15, v19  }
0xe2: {  	v6 =	vld.idx.msk [tilespmem:v6+s18+$0x0], $0xffff;
	v22 =	vadd.bf16 v22, v30;
	v17 =	vadd.bf16 v17, v23  }
0xe3: {  	v61 =	vld.idx.msk [tilespmem:v4+s3+$0x0], $0xffff;
	v14 =	vadd.bf16 v14, v18;
	v10 =	vadd.bf16 v10, v15  }
0xe4: {  	v62 =	vld.idx.msk [tilespmem:v5+s3+$0x0], $0xffff;
	v13 =	vadd.bf16 v13, v17;
	v33 =	vadd.bf16 v43, v33  }
0xe5: {  	v42 =	vld.idx.msk [tilespmem:v5+s17+$0x0], $0xffff;
	v43 =	vadd.bf16 v16, v22;
	v9 =	vadd.bf16 v9, v14  }
0xe6: {  	v5 =	vld.idx.msk [tilespmem:v5+s18+$0x0], $0xffff;
	v49 =	vadd.bf16 v40, v36;
	v33 =	vadd.bf16 v44, v33  }
0xe7: {  	v45 =	vld.idx.msk [tilespmem:v2+s3+$0x0], $0xffff;
	v1 =	vadd.bf16 v6, v1;
	v44 =	vadd.bf16 v37, v63  }
0xe8: {  	v54 =	vadd.bf16 v8, v13;
	v33 =	vadd.bf16 v46, v33;
	v46 =	vld.idx.msk [tilespmem:v4+s17+$0x0], $0xffff  }
0xe9: {  	s6 =	sadd.s32 $0x100, s31;
	v51 =	vunpack.i.l.bf16.f32 v10;
	v12 =	vadd.bf16 v12, v43;
	v4 =	vld.idx.msk [tilespmem:v4+s18+$0x0], $0xffff;
	v16 =	vadd.bf16 v62, v44  }
0xea: {  	v47 =	vld.idx.msk [tilespmem:v2+s17+$0x0], $0xffff;
	v10 =	vunpack.i.u.bf16.f32 v10;
	v52 =	vadd.bf16 v42, v49;
	[tilespmem:s6+$0xFFFFFF80] =	vst v51;
	v33 =	vadd.bf16 v60, v33  }
0xeb: {  	v2 =	vld.idx.msk [tilespmem:v2+s18+$0x0], $0xffff;
	v1 =	vadd.bf16 v5, v1;
	[tilespmem:s6+$0xFFFFFFC0] =	vst v10;
	v55 =	vunpack.i.l.bf16.f32 v9;
	v53 =	vadd.bf16 v61, v16  }
0xec: {  	v9 =	vunpack.i.u.bf16.f32 v9;
	[tilespmem:s6+$0xFFFFFF90] =	vst v55;
	v58 =	vadd.bf16 v11, v12;
	v38 =	vadd.bf16 v59, v33  }
0xed: {  	[tilespmem:s6+$0xFFFFFFD0] =	vst v9;
	v6 =	vunpack.i.u.bf16.f32 v54;
	v57 =	vadd.bf16 v45, v53;
	v56 =	vadd.bf16 v46, v52  }
0xee: {  	[tilespmem:s6+$0xFFFFFFE0] =	vst v6;
	v5 =	vunpack.i.u.bf16.f32 v58;
	v1 =	vadd.bf16 v4, v1;
	v41 =	vadd.bf16 v26, v38  }
0xef: {  	[tilespmem:s6+$0xFFFFFFF0] =	vst v5;
	v59 =	vunpack.i.l.bf16.f32 v54;
	v60 =	vadd.bf16 v28, v57;
	v8 =	vadd.bf16 v47, v56  }
0xf0: {  	[tilespmem:s6+$0xFFFFFFA0] =	vst v59;
	v1 =	vadd.bf16 v2, v1;
	v2 =	vunpack.i.l.bf16.f32 v58  }
0xf1: {  	v48 =	vunpack.i.u.bf16.f32 v41;
	v3 =	vadd.bf16 v3, v60;
	[tilespmem:s6+$0xFFFFFFB0] =	vst v2;
	v61 =	vadd.bf16 v31, v8  }
0xf2: {  	v50 =	vunpack.i.l.bf16.f32 v41;
	[tilespmem:s6+$0x70] =	vst v48  }
0xf3: {  	s0 =	sadd.s32 $0x1, s0;
	[tilespmem:s6+$0x30] =	vst v50;
	v1 =	vadd.bf16 v32, v1;
	v62 =	vunpack.i.l.bf16.f32 v3;
	v2 =	vadd.bf16 v7, v61  }
0xf4: {  	p3 =	sne.s32 s0, $0x10;
	v3 =	vunpack.i.u.bf16.f32 v3;
	[tilespmem:s6+$0x0] =	vst v62  }
.Ltmp6:
0xf5: {  	v1 =	vadd.bf16 v25, v1;
	[tilespmem:s6+$0x40] =	vst v3;
	v63 =	vunpack.i.l.bf16.f32 v2;
	(pc) =	sbr.rel @p3 .LBB2_4-.Ltmp6, $4  }
0xf6: {  	v2 =	vunpack.i.u.bf16.f32 v2;
	[tilespmem:s6+$0x10] =	vst v63  }
0xf7: {  	v3 =	vunpack.i.l.bf16.f32 v1;
	[tilespmem:s6+$0x50] =	vst v2  }
0xf8: {  	v1 =	vunpack.i.u.bf16.f32 v1;
	[tilespmem:s6+$0x20] =	vst v3  }
0xf9: {  	s2 =	sadd.s32 $0x800, s2;
	[tilespmem:s6+$0x60] =	vst v1  }
0xfa: {  	p3 =	sgt.u32 s29, $0x145  }
.Ltmp7:
0xfb: {  	_ = 	snop;
	(pc) =	sbr.rel @p3 .LBB2_9-.Ltmp7, $4  }
0xfc: {  	_ = 	snop  }
0xfd: {  	s0 =	sshll.u32 s29, $0xC  }
0xfe: {  	s0 =	sadd.s32 s1, s0  }
0xff: {  	[hbm4b:s0+s3] =	stream.linear.scatter [tilespmem:s20], [sflag:$0x3], $0x8000, $0x38;
	[tilespmem:$0x1FC00] =	vst v63  }
.Ltmp8:
0x100: {  	(pc) =	sbr.rel .LBB2_10-.Ltmp8, $4  }
0x101: {  	_ = 	snop  }
0x102: {  	s0 =	sshll.u32 s29, $0x8  }
0x103: {  	s0 =	sadd.s32 s0, s8  }
0x104: {  	[tilespmem:s15], [sflag:$0x1] =	stream.strided.gather [hbm4b:s0+s13], $0x1000, s14, s13, $0x38;
	[tilespmem:$0x1FC00] =	vst v63  }
.LBB2_9:
.Ltmp9:
0x105: {  	(pc) =	sbr.rel @p1 .LBB2_15-.Ltmp9, $1  }
0x106: {  	_ =	sdelay $0x3  }
.LBB2_10:
0x107: {  	s0 =	simm.s32 @!p2 $0x4  }
0x108: {  	_ =	swait.ge @!p2 [sflag:s0], $0x8000  }
0x109: {  	[sflag:s0] =	ssyncset.done @!p2 $0x0  }
0x10a: {  	[sflag:s0] =	ssyncadd.s32 @!p2 $0xFFFF8000  }
0x10b: {  	_ =	swait.ge [sflag:s21], $0x1000  }
0x10c: {  	s29 =	simm.s32 $0x0;
	[sflag:s21] =	ssyncset.done $0x0  }
0x10d: {  	s30 =	simm.s32 $0x17C80;
	s0 =	simm.s32 $0x0;
	[sflag:s21] =	ssyncadd.s32 $0xFFFFF000  }
.LBB2_11:
0x10e: {  	s2 =	sshll.u32 s0, $0x4;
	s6 =	sshll.u32 s0, $0x7  }
0x10f: {  	s9 =	sand.u32 $0x70, s2;
	s10 =	sand.u32 $0x400, s6  }
0x110: {  	s9 =	sor.u32 s9, s10  }
0x111: {  	v1 =	vld [tilespmem:s9+$0xEE80]  }
0x112: {  	v2 =	vld [tilespmem:s9+$0xEF00]  }
0x113: {  	v3 =	vld [tilespmem:s9+$0xF700]  }
0x114: {  	v4 =	vld [tilespmem:s9+$0xF480]  }
0x115: {  	v5 =	vld [tilespmem:s9+$0xEC80]  }
0x116: {  	v6 =	vld [tilespmem:s9+$0xEC00]  }
0x117: {  	s2 =	sor.u32 s6, s2;
	v7 =	vld [tilespmem:s9+$0xF500]  }
0x118: {  	s2 =	sor.u32 $0x380, s2;
	v10 =	vld [tilespmem:s9+$0xF600]  }
0x119: {  	v13 =	vld [tilespmem:s2+$0xEC00]  }
0x11a: {  	v9 =	vld [tilespmem:s9+$0xF680]  }
0x11b: {  	v11 =	vld [tilespmem:s9+$0xED00];
	v1 =	vmul.u32 $0x6, v1  }
0x11c: {  	v8 =	vmov s29;
	v14 =	vld [tilespmem:s9+$0xED80];
	v6 =	vadd.s32 v6, v7  }
0x11d: {  	v15 =	vld [tilespmem:s9+$0xF580];
	v10 =	vshll.u32 v10, $0x7;
	v6 =	vshll.u32 v6, $0x6;
	v1 =	vadd.s32 v2, v1  }
0x11e: {  	v13 =	vshll.u32 v13, $0x6;
	v2 =	vld [tilespmem:s9+$0xF780];
	v7 =	vperm.xlane v6, v8;
	v1 =	vmul.u32 $0x5, v1  }
0x11f: {  	v17 =	vld [tilespmem:s9+$0xF400];
	v10 =	vadd.s32 v13, v10  }
0x120: {  	v13 =	vadd.s32 v0, v7;
	v1 =	vadd.s32 v3, v1;
	v3 =	vmul.u32 $0x7, v4;
	v4 =	vld [tilespmem:s9+$0xEE00];
	s9 =	simm.s32 $0x1  }
0x121: {  	v7 =	vadd.s32 $0x1DC0, v10;
	v1 =	vshll.u32 v1, $0x6;
	v34 =	vmov s9  }
0x122: {  	v1 =	vadd.s32 $0xAEC0, v1;
	v42 =	vperm.xlane v7, v34  }
0x123: {  	v2 =	vadd.s32 v2, v3;
	v3 =	vperm.xlane v1, v8  }
0x124: {  	v5 =	vshll.u32 v5, $0x6;
	v2 =	vshll.u32 v2, $0x8;
	v42 =	vadd.s32 v0, v42  }
0x125: {  	v2 =	vadd.s32 v2, v5;
	v5 =	vadd.s32 v0, v3;
	_ =	sdelay $0x1  }
0x126: {  	v25 =	vperm.xlane v1, v34;
	v35 =	vld.idx.msk [tilespmem:v13+s17+$0x0], $0xffff  }
0x127: {  	v36 =	vld.idx.msk [tilespmem:v13+s18+$0x0], $0xffff  }
0x128: {  	v37 =	vadd.s32 v0, v25;
	v50 =	vld.idx.msk [tilespmem:v42+s19+$0x0], $0xffff  }
0x129: {  	v3 =	vadd.s32 $0x7DC0, v2;
	v12 =	vld.idx.msk [tilespmem:v5+s3+$0x0], $0xffff  }
0x12a: {  	v2 =	vperm.xlane v3, v8;
	v16 =	vld.idx.msk [tilespmem:v5+s17+$0x0], $0xffff  }
0x12b: {  	v9 =	vshll.u32 v9, $0x6;
	v4 =	vshll.u32 v4, $0x7;
	v25 =	vperm.xlane v3, v34;
	v20 =	vld.idx.msk [tilespmem:v5+s18+$0x0], $0xffff  }
0x12c: {  	v4 =	vadd.s32 v9, v4;
	v9 =	vadd.s32 v0, v2;
	v24 =	vld.idx.msk [tilespmem:v5+s19+$0x0], $0xffff  }
0x12d: {  	v41 =	vadd.s32 v0, v25;
	v25 =	vperm.xlane v6, v34;
	v28 =	vld.idx.msk [tilespmem:v37+s3+$0x0], $0xffff  }
0x12e: {  	v26 =	vld.idx.msk [tilespmem:v37+s17+$0x0], $0xffff  }
0x12f: {  	v11 =	vmul.u32 $0xC, v11;
	v2 =	vadd.s32 $0x78C0, v4;
	v43 =	vadd.s32 v0, v25;
	v25 =	vld.idx.msk [tilespmem:v37+s18+$0x0], $0xffff  }
0x130: {  	v4 =	vperm.xlane v2, v8;
	v37 =	vld.idx.msk [tilespmem:v37+s19+$0x0], $0xffff  }
0x131: {  	v11 =	vadd.s32 v14, v11;
	v18 =	vld.idx.msk [tilespmem:v9+s3+$0x0], $0xffff  }
0x132: {  	v11 =	vshll.u32 v11, $0x6;
	v14 =	vadd.s32 v0, v4;
	v19 =	vld.idx.msk [tilespmem:v9+s17+$0x0], $0xffff  }
0x133: {  	v4 =	vadd.s32 $0x54C0, v11;
	v11 =	vshll.u32 v15, $0x7;
	v15 =	vshll.u32 v17, $0x6;
	v17 =	vld.idx.msk [tilespmem:v9+s18+$0x0], $0xffff  }
0x134: {  	v22 =	vld.idx.msk [tilespmem:v9+s19+$0x0], $0xffff  }
0x135: {  	v46 =	vld.idx.msk [tilespmem:v41+s3+$0x0], $0xffff  }
0x136: {  	v47 =	vld.idx.msk [tilespmem:v41+s17+$0x0], $0xffff  }
0x137: {  	v48 =	vld.idx.msk [tilespmem:v41+s18+$0x0], $0xffff  }
0x138: {  	v45 =	vperm.xlane v2, v34;
	v41 =	vld.idx.msk [tilespmem:v41+s19+$0x0], $0xffff  }
0x139: {  	v5 =	vperm.xlane v4, v8;
	v49 =	vld.idx.msk [tilespmem:v43+s19+$0x0], $0xffff  }
0x13a: {  	v45 =	vadd.s32 v0, v45;
	v11 =	vadd.s32 v15, v11;
	v62 =	vld.idx.msk [tilespmem:v43+s17+$0x0], $0xffff  }
0x13b: {  	v15 =	vadd.s32 v0, v5;
	v5 =	vadd.s32 $0x3C40, v11;
	v11 =	vld.idx.msk [tilespmem:v14+s3+$0x0], $0xffff  }
0x13c: {  	v21 =	vld.idx.msk [tilespmem:v14+s17+$0x0], $0xffff  }
0x13d: {  	v23 =	vld.idx.msk [tilespmem:v14+s18+$0x0], $0xffff  }
0x13e: {  	v27 =	vld.idx.msk [tilespmem:v14+s19+$0x0], $0xffff  }
0x13f: {  	v52 =	vld.idx.msk [tilespmem:v45+s3+$0x0], $0xffff  }
0x140: {  	v54 =	vld.idx.msk [tilespmem:v45+s17+$0x0], $0xffff  }
0x141: {  	v55 =	vld.idx.msk [tilespmem:v45+s19+$0x0], $0xffff  }
0x142: {  	v9 =	vperm.xlane v5, v8;
	v45 =	vld.idx.msk [tilespmem:v45+s18+$0x0], $0xffff  }
0x143: {  	v14 =	vld.idx.msk [tilespmem:v15+s3+$0x0], $0xffff  }
0x144: {  	v9 =	vadd.s32 v0, v9;
	v29 =	vld.idx.msk [tilespmem:v15+s17+$0x0], $0xffff  }
0x145: {  	v30 =	vld.idx.msk [tilespmem:v15+s18+$0x0], $0xffff  }
0x146: {  	v31 =	vld.idx.msk [tilespmem:v15+s19+$0x0], $0xffff  }
0x147: {  	v49 =	vadd.bf16 v50, v49;
	v50 =	vld.idx.msk [tilespmem:v43+s3+$0x0], $0xffff  }
0x148: {  	v8 =	vperm.xlane v7, v8;
	v43 =	vld.idx.msk [tilespmem:v43+s18+$0x0], $0xffff  }
0x149: {  	v10 =	vld.idx.msk [tilespmem:v9+s3+$0x0], $0xffff  }
0x14a: {  	v8 =	vadd.s32 v0, v8;
	v15 =	vld.idx.msk [tilespmem:v9+s17+$0x0], $0xffff  }
0x14b: {  	v32 =	vld.idx.msk [tilespmem:v9+s18+$0x0], $0xffff  }
0x14c: {  	v44 =	vperm.xlane v5, v34;
	v33 =	vld.idx.msk [tilespmem:v9+s19+$0x0], $0xffff  }
0x14d: {  	v34 =	vperm.xlane v4, v34;
	v9 =	vld.idx.msk [tilespmem:v13+s3+$0x0], $0xffff  }
0x14e: {  	v44 =	vadd.s32 v0, v44;
	v13 =	vld.idx.msk [tilespmem:v13+s19+$0x0], $0xffff  }
0x14f: {  	v34 =	vadd.s32 v0, v34;
	v38 =	vld.idx.msk [tilespmem:v8+s3+$0x0], $0xffff  }
0x150: {  	v39 =	vld.idx.msk [tilespmem:v8+s17+$0x0], $0xffff  }
0x151: {  	v40 =	vld.idx.msk [tilespmem:v8+s18+$0x0], $0xffff  }
0x152: {  	v8 =	vld.idx.msk [tilespmem:v8+s19+$0x0], $0xffff  }
0x153: {  	s10 =	simm.s32 $0x2;
	v51 =	vld.idx.msk [tilespmem:v44+s19+$0x0], $0xffff  }
0x154: {  	v59 =	vmov s10;
	v53 =	vld.idx.msk [tilespmem:v34+s19+$0x0], $0xffff  }
0x155: {  	v61 =	vperm.xlane v1, v59;
	v56 =	vld.idx.msk [tilespmem:v34+s3+$0x0], $0xffff  }
0x156: {  	v57 =	vld.idx.msk [tilespmem:v34+s17+$0x0], $0xffff  }
0x157: {  	v61 =	vadd.s32 v0, v61;
	v34 =	vld.idx.msk [tilespmem:v34+s18+$0x0], $0xffff  }
0x158: {  	v58 =	vld.idx.msk [tilespmem:v44+s3+$0x0], $0xffff;
	v9 =	vadd.bf16 v38, v9;
	v38 =	vadd.bf16 v51, v49  }
0x159: {  	v60 =	vld.idx.msk [tilespmem:v44+s17+$0x0], $0xffff;
	v35 =	vadd.bf16 v39, v35;
	v36 =	vadd.bf16 v40, v36  }
0x15a: {  	v63 =	vperm.xlane v3, v59;
	v44 =	vld.idx.msk [tilespmem:v44+s18+$0x0], $0xffff;
	v9 =	vadd.bf16 v10, v9;
	v10 =	vadd.bf16 v53, v38  }
0x15b: {  	v49 =	vld.idx.msk [tilespmem:v42+s3+$0x0], $0xffff;
	v13 =	vadd.bf16 v8, v13;
	v15 =	vadd.bf16 v15, v35  }
0x15c: {  	v51 =	vadd.s32 v0, v63;
	v8 =	vld.idx.msk [tilespmem:v61+s18+$0x0], $0xffff;
	v14 =	vadd.bf16 v14, v9;
	v63 =	vadd.bf16 v55, v10  }
0x15d: {  	v38 =	vld.idx.msk [tilespmem:v42+s17+$0x0], $0xffff;
	v32 =	vadd.bf16 v32, v36;
	v15 =	vadd.bf16 v29, v15  }
0x15e: {  	v53 =	vld.idx.msk [tilespmem:v42+s18+$0x0], $0xffff;
	v14 =	vadd.bf16 v11, v14;
	v40 =	vadd.bf16 v41, v63  }
0x15f: {  	v33 =	vadd.bf16 v33, v13;
	v10 =	vld.idx.msk [tilespmem:v61+s3+$0x0], $0xffff;
	v29 =	vperm.xlane v2, v59;
	v21 =	vadd.bf16 v21, v15  }
0x160: {  	v9 =	vld.idx.msk [tilespmem:v61+s17+$0x0], $0xffff;
	v18 =	vadd.bf16 v18, v14;
	v41 =	vadd.bf16 v37, v40  }
0x161: {  	v42 =	vperm.xlane v4, v59;
	v30 =	vadd.bf16 v30, v32;
	v13 =	vld.idx.msk [tilespmem:v51+s18+$0x0], $0xffff;
	v29 =	vadd.s32 v0, v29  }
0x162: {  	v11 =	vld.idx.msk [tilespmem:v61+s19+$0x0], $0xffff;
	v19 =	vadd.bf16 v19, v21;
	v18 =	vadd.bf16 v12, v18;
	v12 =	vunpack.i.u.bf16.f32 v41  }
0x163: {  	v32 =	vadd.s32 v0, v42;
	v15 =	vld.idx.msk [tilespmem:v51+s3+$0x0], $0xffff;
	v21 =	vadd.bf16 v31, v33;
	v31 =	vunpack.i.l.bf16.f32 v41;
	[tilespmem:s30+$0x70] =	vst v12  }
0x164: {  	v23 =	vadd.bf16 v23, v30;
	v14 =	vld.idx.msk [tilespmem:v51+s17+$0x0], $0xffff;
	v30 =	vadd.bf16 v16, v19;
	[tilespmem:s30+$0x30] =	vst v31;
	v16 =	vunpack.i.l.bf16.f32 v18  }
0x165: {  	v12 =	vld.idx.msk [tilespmem:v51+s19+$0x0], $0xffff;
	v31 =	vunpack.i.u.bf16.f32 v18;
	[tilespmem:s30+$0xFFFFFF80] =	vst v16;
	v16 =	vadd.bf16 v49, v50  }
0x166: {  	v27 =	vadd.bf16 v27, v21;
	v19 =	vld.idx.msk [tilespmem:v29+s3+$0x0], $0xffff;
	[tilespmem:s30+$0xFFFFFFC0] =	vst v31;
	v31 =	vadd.bf16 v38, v62  }
0x167: {  	v21 =	vadd.bf16 v17, v23;
	v17 =	vld.idx.msk [tilespmem:v29+s18+$0x0], $0xffff;
	v50 =	vperm.xlane v5, v59;
	v51 =	vadd.bf16 v58, v16  }
0x168: {  	v18 =	vld.idx.msk [tilespmem:v29+s17+$0x0], $0xffff;
	v23 =	vunpack.i.l.bf16.f32 v30;
	v27 =	vadd.bf16 v22, v27;
	v31 =	vadd.bf16 v60, v31  }
0x169: {  	v22 =	vld.idx.msk [tilespmem:v32+s19+$0x0], $0xffff;
	[tilespmem:s30+$0xFFFFFF90] =	vst v23;
	v33 =	vadd.s32 v0, v50;
	v35 =	vadd.bf16 v56, v51  }
0x16a: {  	v23 =	vadd.bf16 v53, v43;
	v53 =	vperm.xlane v6, v59;
	v16 =	vld.idx.msk [tilespmem:v29+s19+$0x0], $0xffff;
	v31 =	vadd.bf16 v57, v31  }
0x16b: {  	v59 =	vperm.xlane v7, v59;
	v29 =	vadd.bf16 v20, v21;
	v21 =	vld.idx.msk [tilespmem:v32+s3+$0x0], $0xffff;
	v35 =	vadd.bf16 v52, v35  }
0x16c: {  	v30 =	vunpack.i.u.bf16.f32 v30;
	v20 =	vld.idx.msk [tilespmem:v32+s17+$0x0], $0xffff;
	v31 =	vadd.bf16 v54, v31  }
0x16d: {  	v55 =	vadd.bf16 v44, v23;
	v23 =	vld.idx.msk [tilespmem:v32+s18+$0x0], $0xffff;
	v61 =	vadd.s32 v0, v59;
	v58 =	vadd.bf16 v46, v35  }
0x16e: {  	[tilespmem:s30+$0xFFFFFFD0] =	vst v30;
	v30 =	vunpack.i.l.bf16.f32 v29;
	v57 =	vadd.bf16 v24, v27;
	v24 =	vld.idx.msk [tilespmem:v33+s3+$0x0], $0xffff;
	v31 =	vadd.bf16 v47, v31  }
0x16f: {  	v29 =	vunpack.i.u.bf16.f32 v29;
	[tilespmem:s30+$0xFFFFFFA0] =	vst v30;
	v30 =	vadd.bf16 v34, v55;
	v27 =	vld.idx.msk [tilespmem:v33+s17+$0x0], $0xffff;
	v28 =	vadd.bf16 v28, v58  }
0x170: {  	[tilespmem:s30+$0xFFFFFFE0] =	vst v29;
	v32 =	vunpack.i.u.bf16.f32 v57;
	v29 =	vld.idx.msk [tilespmem:v33+s18+$0x0], $0xffff;
	v26 =	vadd.bf16 v26, v31  }
0x171: {  	s31 =	simm.s32 $0x3;
	v56 =	vadd.s32 v0, v53;
	v37 =	vadd.bf16 v45, v30;
	v30 =	vld.idx.msk [tilespmem:v33+s19+$0x0], $0xffff;
	[tilespmem:s30+$0xFFFFFFF0] =	vst v32;
	v31 =	vunpack.i.l.bf16.f32 v28  }
0x172: {  	v32 =	vmov s31;
	v38 =	vld.idx.msk [tilespmem:v61+s3+$0x0], $0xffff;
	[tilespmem:s30+$0x0] =	vst v31;
	v31 =	vunpack.i.l.bf16.f32 v26;
	v26 =	vunpack.i.u.bf16.f32 v26  }
0x173: {  	v39 =	vld.idx.msk [tilespmem:v61+s17+$0x0], $0xffff;
	v62 =	vadd.bf16 v48, v37;
	[tilespmem:s30+$0x50] =	vst v26;
	v26 =	vperm.xlane v1, v32  }
0x174: {  	v41 =	vld.idx.msk [tilespmem:v61+s18+$0x0], $0xffff  }
0x175: {  	v60 =	vunpack.i.l.bf16.f32 v57;
	v40 =	vld.idx.msk [tilespmem:v61+s19+$0x0], $0xffff;
	v25 =	vadd.bf16 v25, v62;
	[tilespmem:s30+$0x10] =	vst v31;
	v31 =	vadd.s32 v0, v26  }
0x176: {  	[tilespmem:s30+$0xFFFFFFB0] =	vst v60;
	v34 =	vld.idx.msk [tilespmem:v56+s3+$0x0], $0xffff;
	v28 =	vunpack.i.u.bf16.f32 v28  }
0x177: {  	v63 =	vperm.xlane v3, v32;
	v35 =	vld.idx.msk [tilespmem:v56+s17+$0x0], $0xffff;
	[tilespmem:s30+$0x40] =	vst v28;
	v28 =	vunpack.i.l.bf16.f32 v25  }
0x178: {  	v36 =	vld.idx.msk [tilespmem:v56+s18+$0x0], $0xffff;
	v25 =	vunpack.i.u.bf16.f32 v25;
	[tilespmem:s30+$0x20] =	vst v28  }
0x179: {  	s2 =	smov.u32 s30;
	s9 =	simm.s32 $0x4;
	v37 =	vld.idx.msk [tilespmem:v56+s19+$0x0], $0xffff;
	v42 =	vadd.s32 v0, v63;
	[tilespmem:s30+$0x60] =	vst v25  }
.LBB2_12:
0x17a: {  	p1 =	slt.u32 s9, $0xE;
	v26 =	vperm.xlane v6, v32;
	v28 =	vld.idx.msk [tilespmem:v31+s3+$0x0], $0xffff  }
0x17b: {  	v33 =	vperm.xlane v7, v32;
	v25 =	vld.idx.msk [tilespmem:v31+s17+$0x0], $0xffff  }
0x17c: {  	v43 =	vadd.s32 v0, v26;
	v26 =	vld.idx.msk [tilespmem:v31+s18+$0x0], $0xffff  }
0x17d: {  	v44 =	vadd.s32 v0, v33;
	v33 =	vperm.xlane v5, v32;
	v45 =	vld.idx.msk [tilespmem:v31+s19+$0x0], $0xffff  }
0x17e: {  	v46 =	vperm.xlane v2, v32;
	v31 =	vld.idx.msk [tilespmem:v42+s3+$0x0], $0xffff  }
0x17f: {  	v48 =	vperm.xlane v4, v32;
	v47 =	vadd.s32 v0, v33;
	v32 =	vld.idx.msk [tilespmem:v42+s17+$0x0], $0xffff  }
0x180: {  	v46 =	vadd.s32 v0, v46;
	v33 =	vld.idx.msk [tilespmem:v42+s18+$0x0], $0xffff  }
0x181: {  	v48 =	vadd.s32 v0, v48;
	v49 =	vld.idx.msk [tilespmem:v43+s19+$0x0], $0xffff  }
0x182: {  	v50 =	vld.idx.msk [tilespmem:v44+s19+$0x0], $0xffff  }
0x183: {  	v42 =	vld.idx.msk [tilespmem:v42+s19+$0x0], $0xffff  }
0x184: {  	v51 =	vld.idx.msk [tilespmem:v47+s19+$0x0], $0xffff  }
0x185: {  	v52 =	vld.idx.msk [tilespmem:v46+s3+$0x0], $0xffff  }
0x186: {  	v53 =	vld.idx.msk [tilespmem:v48+s19+$0x0], $0xffff  }
0x187: {  	v54 =	vld.idx.msk [tilespmem:v46+s17+$0x0], $0xffff  }
0x188: {  	v49 =	vadd.bf16 v50, v49;
	v50 =	vld.idx.msk [tilespmem:v46+s19+$0x0], $0xffff  }
0x189: {  	v34 =	vadd.bf16 v38, v34;
	v35 =	vadd.bf16 v39, v35;
	v38 =	vld.idx.msk [tilespmem:v46+s18+$0x0], $0xffff  }
0x18a: {  	v36 =	vadd.bf16 v41, v36;
	v39 =	vadd.bf16 v51, v49;
	v41 =	vld.idx.msk [tilespmem:v48+s3+$0x0], $0xffff  }
0x18b: {  	v24 =	vadd.bf16 v24, v34;
	v37 =	vadd.bf16 v40, v37;
	v34 =	vld.idx.msk [tilespmem:v48+s17+$0x0], $0xffff  }
0x18c: {  	v27 =	vadd.bf16 v27, v35;
	v39 =	vadd.bf16 v53, v39;
	v35 =	vld.idx.msk [tilespmem:v48+s18+$0x0], $0xffff  }
0x18d: {  	v29 =	vadd.bf16 v29, v36;
	v30 =	vadd.bf16 v30, v37;
	v36 =	vld.idx.msk [tilespmem:v47+s3+$0x0], $0xffff  }
0x18e: {  	v21 =	vadd.bf16 v21, v24;
	v37 =	vmov s9;
	v39 =	vadd.bf16 v50, v39;
	v24 =	vld.idx.msk [tilespmem:v47+s17+$0x0], $0xffff  }
0x18f: {  	v20 =	vadd.bf16 v20, v27;
	v40 =	vperm.xlane v1, v37;
	v23 =	vadd.bf16 v23, v29;
	v27 =	vld.idx.msk [tilespmem:v47+s18+$0x0], $0xffff  }
0x190: {  	v19 =	vadd.bf16 v19, v21;
	v29 =	vadd.bf16 v42, v39;
	v21 =	vld.idx.msk [tilespmem:v43+s3+$0x0], $0xffff  }
0x191: {  	v22 =	vadd.bf16 v22, v30;
	v18 =	vadd.bf16 v18, v20;
	v39 =	vadd.s32 v0, v40;
	v20 =	vld.idx.msk [tilespmem:v43+s17+$0x0], $0xffff  }
0x192: {  	v15 =	vadd.bf16 v15, v19;
	v29 =	vadd.bf16 v45, v29;
	v19 =	vld.idx.msk [tilespmem:v43+s18+$0x0], $0xffff  }
0x193: {  	v30 =	vperm.xlane v3, v37;
	v17 =	vadd.bf16 v17, v23;
	v14 =	vadd.bf16 v14, v18;
	v18 =	vld.idx.msk [tilespmem:v44+s3+$0x0], $0xffff  }
0x194: {  	s2 =	sadd.s32 $0x100, s2;
	v15 =	vadd.bf16 v10, v15;
	v10 =	vunpack.i.u.bf16.f32 v29;
	v29 =	vunpack.i.l.bf16.f32 v29;
	v23 =	vld.idx.msk [tilespmem:v44+s17+$0x0], $0xffff  }
0x195: {  	v30 =	vadd.s32 v0, v30;
	v16 =	vadd.bf16 v16, v22;
	v22 =	vld.idx.msk [tilespmem:v44+s18+$0x0], $0xffff;
	[tilespmem:s2+$0x70] =	vst v10  }
0x196: {  	v13 =	vadd.bf16 v13, v17;
	v14 =	vadd.bf16 v9, v14;
	v17 =	vunpack.i.l.bf16.f32 v15;
	v10 =	vld.idx.msk [tilespmem:v39+s3+$0x0], $0xffff;
	[tilespmem:s2+$0x30] =	vst v29  }
0x197: {  	v15 =	vunpack.i.u.bf16.f32 v15;
	v40 =	vperm.xlane v2, v37;
	v29 =	vperm.xlane v4, v37;
	v9 =	vld.idx.msk [tilespmem:v39+s17+$0x0], $0xffff;
	[tilespmem:s2+$0xFFFFFF80] =	vst v17  }
0x198: {  	v12 =	vadd.bf16 v12, v16;
	v13 =	vadd.bf16 v8, v13;
	v8 =	vld.idx.msk [tilespmem:v39+s18+$0x0], $0xffff;
	[tilespmem:s2+$0xFFFFFFC0] =	vst v15;
	v15 =	vunpack.i.l.bf16.f32 v14  }
0x199: {  	v16 =	vadd.s32 v0, v40;
	v14 =	vunpack.i.u.bf16.f32 v14;
	v17 =	vadd.bf16 v18, v21;
	v39 =	vld.idx.msk [tilespmem:v39+s19+$0x0], $0xffff;
	[tilespmem:s2+$0xFFFFFF90] =	vst v15  }
0x19a: {  	v11 =	vadd.bf16 v11, v12;
	v12 =	vunpack.i.l.bf16.f32 v13;
	v18 =	vadd.bf16 v23, v20;
	v15 =	vld.idx.msk [tilespmem:v30+s3+$0x0], $0xffff;
	[tilespmem:s2+$0xFFFFFFD0] =	vst v14  }
0x19b: {  	v20 =	vunpack.i.u.bf16.f32 v13;
	v19 =	vadd.bf16 v22, v19;
	v17 =	vadd.bf16 v36, v17;
	v14 =	vld.idx.msk [tilespmem:v30+s17+$0x0], $0xffff;
	[tilespmem:s2+$0xFFFFFFA0] =	vst v12  }
0x19c: {  	v22 =	vadd.s32 v0, v29;
	v18 =	vadd.bf16 v24, v18;
	v13 =	vld.idx.msk [tilespmem:v30+s18+$0x0], $0xffff;
	[tilespmem:s2+$0xFFFFFFE0] =	vst v20;
	v20 =	vunpack.i.l.bf16.f32 v11  }
0x19d: {  	v11 =	vunpack.i.u.bf16.f32 v11;
	v17 =	vadd.bf16 v41, v17;
	v12 =	vld.idx.msk [tilespmem:v30+s19+$0x0], $0xffff;
	[tilespmem:s2+$0xFFFFFFB0] =	vst v20;
	v20 =	vadd.bf16 v27, v19  }
0x19e: {  	v27 =	vadd.bf16 v34, v18;
	v19 =	vld.idx.msk [tilespmem:v16+s3+$0x0], $0xffff;
	[tilespmem:s2+$0xFFFFFFF0] =	vst v11  }
0x19f: {  	v21 =	vperm.xlane v5, v37;
	v23 =	vadd.bf16 v52, v17;
	v18 =	vld.idx.msk [tilespmem:v16+s17+$0x0], $0xffff;
	v20 =	vadd.bf16 v35, v20  }
0x1a0: {  	v24 =	vadd.bf16 v54, v27;
	v11 =	vmov v39;
	v17 =	vld.idx.msk [tilespmem:v16+s18+$0x0], $0xffff  }
0x1a1: {  	v30 =	vadd.s32 v0, v21;
	v23 =	vadd.bf16 v31, v23;
	v16 =	vld.idx.msk [tilespmem:v16+s19+$0x0], $0xffff;
	v27 =	vadd.bf16 v38, v20  }
0x1a2: {  	v29 =	vperm.xlane v6, v37;
	v24 =	vadd.bf16 v32, v24;
	v21 =	vld.idx.msk [tilespmem:v22+s3+$0x0], $0xffff  }
0x1a3: {  	v28 =	vadd.bf16 v28, v23;
	v20 =	vld.idx.msk [tilespmem:v22+s17+$0x0], $0xffff;
	v27 =	vadd.bf16 v33, v27  }
0x1a4: {  	v31 =	vadd.s32 v0, v29;
	v25 =	vadd.bf16 v25, v24;
	v23 =	vld.idx.msk [tilespmem:v22+s18+$0x0], $0xffff  }
0x1a5: {  	v29 =	vunpack.i.u.bf16.f32 v28;
	v22 =	vld.idx.msk [tilespmem:v22+s19+$0x0], $0xffff;
	v26 =	vadd.bf16 v26, v27;
	v27 =	vunpack.i.l.bf16.f32 v28  }
0x1a6: {  	v28 =	vunpack.i.u.bf16.f32 v25;
	v25 =	vunpack.i.l.bf16.f32 v25;
	v24 =	vld.idx.msk [tilespmem:v30+s3+$0x0], $0xffff;
	[tilespmem:s2+$0x0] =	vst v27  }
0x1a7: {  	v32 =	vperm.xlane v7, v37;
	v27 =	vld.idx.msk [tilespmem:v30+s17+$0x0], $0xffff;
	[tilespmem:s2+$0x40] =	vst v29;
	v33 =	vunpack.i.u.bf16.f32 v26;
	v26 =	vunpack.i.l.bf16.f32 v26  }
0x1a8: {  	v29 =	vld.idx.msk [tilespmem:v30+s18+$0x0], $0xffff;
	[tilespmem:s2+$0x10] =	vst v25  }
0x1a9: {  	s6 =	sadd.s32 $0x1, s9;
	v25 =	vadd.s32 v0, v32;
	v30 =	vld.idx.msk [tilespmem:v30+s19+$0x0], $0xffff;
	[tilespmem:s2+$0x50] =	vst v28  }
0x1aa: {  	v32 =	vmov s6;
	v34 =	vld.idx.msk [tilespmem:v31+s3+$0x0], $0xffff;
	[tilespmem:s2+$0x20] =	vst v26  }
0x1ab: {  	v26 =	vperm.xlane v1, v32;
	v35 =	vld.idx.msk [tilespmem:v31+s17+$0x0], $0xffff;
	[tilespmem:s2+$0x60] =	vst v33  }
0x1ac: {  	v36 =	vld.idx.msk [tilespmem:v31+s18+$0x0], $0xffff  }
.Ltmp10:
0x1ad: {  	v37 =	vld.idx.msk [tilespmem:v31+s19+$0x0], $0xffff;
	v31 =	vadd.s32 v0, v26;
	(pc) =	sbr.rel @p1 .LBB2_12-.Ltmp10, $4  }
0x1ae: {  	v38 =	vld.idx.msk [tilespmem:v25+s3+$0x0], $0xffff  }
0x1af: {  	v26 =	vperm.xlane v3, v32;
	v39 =	vld.idx.msk [tilespmem:v25+s17+$0x0], $0xffff  }
0x1b0: {  	v41 =	vld.idx.msk [tilespmem:v25+s18+$0x0], $0xffff  }
0x1b1: {  	s9 =	sadd.s32 $0x2, s9;
	v42 =	vadd.s32 v0, v26;
	v40 =	vld.idx.msk [tilespmem:v25+s19+$0x0], $0xffff  }
0x1b2: {  	_ =	sdelay $0x3  }
0x1b3: {  	v3 =	vld.idx.msk [tilespmem:v31+s3+$0x0], $0xffff  }
0x1b4: {  	v1 =	vperm.xlane v6, v32;
	v58 =	vperm.xlane v7, v32;
	v7 =	vld.idx.msk [tilespmem:v31+s17+$0x0], $0xffff  }
0x1b5: {  	v25 =	vld.idx.msk [tilespmem:v31+s18+$0x0], $0xffff  }
0x1b6: {  	v5 =	vperm.xlane v5, v32;
	v26 =	vld.idx.msk [tilespmem:v31+s19+$0x0], $0xffff;
	v1 =	vadd.s32 v0, v1  }
0x1b7: {  	v28 =	vld.idx.msk [tilespmem:v42+s3+$0x0], $0xffff;
	v4 =	vperm.xlane v4, v32;
	v6 =	vadd.s32 v0, v58  }
0x1b8: {  	v2 =	vperm.xlane v2, v32;
	v31 =	vld.idx.msk [tilespmem:v42+s17+$0x0], $0xffff;
	v5 =	vadd.s32 v0, v5  }
0x1b9: {  	v32 =	vld.idx.msk [tilespmem:v42+s18+$0x0], $0xffff;
	v4 =	vadd.s32 v0, v4  }
0x1ba: {  	v59 =	vld.idx.msk [tilespmem:v42+s19+$0x0], $0xffff;
	v2 =	vadd.s32 v0, v2  }
0x1bb: {  	v33 =	vld.idx.msk [tilespmem:v1+s19+$0x0], $0xffff  }
0x1bc: {  	v34 =	vadd.bf16 v38, v34;
	v43 =	vld.idx.msk [tilespmem:v6+s19+$0x0], $0xffff  }
0x1bd: {  	v44 =	vld.idx.msk [tilespmem:v5+s19+$0x0], $0xffff  }
0x1be: {  	v35 =	vadd.bf16 v39, v35;
	v24 =	vadd.bf16 v24, v34;
	v46 =	vld.idx.msk [tilespmem:v4+s19+$0x0], $0xffff  }
0x1bf: {  	v36 =	vadd.bf16 v41, v36;
	v37 =	vadd.bf16 v40, v37;
	v60 =	vld.idx.msk [tilespmem:v2+s19+$0x0], $0xffff  }
0x1c0: {  	v27 =	vadd.bf16 v27, v35;
	v21 =	vadd.bf16 v21, v24;
	v63 =	vld.idx.msk [tilespmem:v1+s3+$0x0], $0xffff  }
0x1c1: {  	v29 =	vadd.bf16 v29, v36;
	v30 =	vadd.bf16 v30, v37;
	v36 =	vld.idx.msk [tilespmem:v1+s17+$0x0], $0xffff  }
0x1c2: {  	v20 =	vadd.bf16 v20, v27;
	v19 =	vadd.bf16 v19, v21;
	v37 =	vld.idx.msk [tilespmem:v6+s3+$0x0], $0xffff  }
0x1c3: {  	v23 =	vadd.bf16 v23, v29;
	v1 =	vld.idx.msk [tilespmem:v1+s18+$0x0], $0xffff  }
0x1c4: {  	v40 =	vld.idx.msk [tilespmem:v6+s17+$0x0], $0xffff;
	v18 =	vadd.bf16 v18, v20;
	v15 =	vadd.bf16 v15, v19  }
0x1c5: {  	v6 =	vld.idx.msk [tilespmem:v6+s18+$0x0], $0xffff;
	v22 =	vadd.bf16 v22, v30;
	v17 =	vadd.bf16 v17, v23  }
0x1c6: {  	v61 =	vld.idx.msk [tilespmem:v4+s3+$0x0], $0xffff;
	v14 =	vadd.bf16 v14, v18;
	v10 =	vadd.bf16 v10, v15  }
0x1c7: {  	v62 =	vld.idx.msk [tilespmem:v5+s3+$0x0], $0xffff;
	v13 =	vadd.bf16 v13, v17;
	v33 =	vadd.bf16 v43, v33  }
0x1c8: {  	v42 =	vld.idx.msk [tilespmem:v5+s17+$0x0], $0xffff;
	v43 =	vadd.bf16 v16, v22;
	v9 =	vadd.bf16 v9, v14  }
0x1c9: {  	v5 =	vld.idx.msk [tilespmem:v5+s18+$0x0], $0xffff;
	v49 =	vadd.bf16 v40, v36;
	v33 =	vadd.bf16 v44, v33  }
0x1ca: {  	v45 =	vld.idx.msk [tilespmem:v2+s3+$0x0], $0xffff;
	v1 =	vadd.bf16 v6, v1;
	v44 =	vadd.bf16 v37, v63  }
0x1cb: {  	v54 =	vadd.bf16 v8, v13;
	v33 =	vadd.bf16 v46, v33;
	v46 =	vld.idx.msk [tilespmem:v4+s17+$0x0], $0xffff  }
0x1cc: {  	s2 =	sadd.s32 $0x100, s2;
	v51 =	vunpack.i.l.bf16.f32 v10;
	v12 =	vadd.bf16 v12, v43;
	v4 =	vld.idx.msk [tilespmem:v4+s18+$0x0], $0xffff;
	v16 =	vadd.bf16 v62, v44  }
0x1cd: {  	v47 =	vld.idx.msk [tilespmem:v2+s17+$0x0], $0xffff;
	v10 =	vunpack.i.u.bf16.f32 v10;
	v52 =	vadd.bf16 v42, v49;
	[tilespmem:s2+$0xFFFFFF80] =	vst v51;
	v33 =	vadd.bf16 v60, v33  }
0x1ce: {  	v2 =	vld.idx.msk [tilespmem:v2+s18+$0x0], $0xffff;
	v1 =	vadd.bf16 v5, v1;
	[tilespmem:s2+$0xFFFFFFC0] =	vst v10;
	v55 =	vunpack.i.l.bf16.f32 v9;
	v53 =	vadd.bf16 v61, v16  }
0x1cf: {  	v9 =	vunpack.i.u.bf16.f32 v9;
	[tilespmem:s2+$0xFFFFFF90] =	vst v55;
	v58 =	vadd.bf16 v11, v12;
	v38 =	vadd.bf16 v59, v33  }
0x1d0: {  	[tilespmem:s2+$0xFFFFFFD0] =	vst v9;
	v6 =	vunpack.i.u.bf16.f32 v54;
	v57 =	vadd.bf16 v45, v53;
	v56 =	vadd.bf16 v46, v52  }
0x1d1: {  	[tilespmem:s2+$0xFFFFFFE0] =	vst v6;
	v5 =	vunpack.i.u.bf16.f32 v58;
	v1 =	vadd.bf16 v4, v1;
	v41 =	vadd.bf16 v26, v38  }
0x1d2: {  	[tilespmem:s2+$0xFFFFFFF0] =	vst v5;
	v59 =	vunpack.i.l.bf16.f32 v54;
	v60 =	vadd.bf16 v28, v57;
	v8 =	vadd.bf16 v47, v56  }
0x1d3: {  	[tilespmem:s2+$0xFFFFFFA0] =	vst v59;
	v1 =	vadd.bf16 v2, v1;
	v2 =	vunpack.i.l.bf16.f32 v58  }
0x1d4: {  	v48 =	vunpack.i.u.bf16.f32 v41;
	v3 =	vadd.bf16 v3, v60;
	[tilespmem:s2+$0xFFFFFFB0] =	vst v2;
	v61 =	vadd.bf16 v31, v8  }
0x1d5: {  	v50 =	vunpack.i.l.bf16.f32 v41;
	[tilespmem:s2+$0x70] =	vst v48  }
0x1d6: {  	s0 =	sadd.s32 $0x1, s0;
	[tilespmem:s2+$0x30] =	vst v50;
	v1 =	vadd.bf16 v32, v1;
	v62 =	vunpack.i.l.bf16.f32 v3;
	v2 =	vadd.bf16 v7, v61  }
0x1d7: {  	p1 =	sne.s32 s0, $0x10;
	v3 =	vunpack.i.u.bf16.f32 v3;
	[tilespmem:s2+$0x0] =	vst v62  }
.Ltmp11:
0x1d8: {  	v1 =	vadd.bf16 v25, v1;
	[tilespmem:s2+$0x40] =	vst v3;
	v63 =	vunpack.i.l.bf16.f32 v2;
	(pc) =	sbr.rel @p1 .LBB2_11-.Ltmp11, $4  }
0x1d9: {  	v2 =	vunpack.i.u.bf16.f32 v2;
	[tilespmem:s2+$0x10] =	vst v63  }
0x1da: {  	v3 =	vunpack.i.l.bf16.f32 v1;
	[tilespmem:s2+$0x50] =	vst v2  }
0x1db: {  	v1 =	vunpack.i.u.bf16.f32 v1;
	[tilespmem:s2+$0x20] =	vst v3  }
0x1dc: {  	s30 =	sadd.s32 $0x800, s30;
	[tilespmem:s2+$0x60] =	vst v1  }
.Ltmp12:
0x1dd: {  	(pc) =	sbr.rel .LBB2_15-.Ltmp12, $4  }
0x1de: {  	_ = 	snop  }
0x1df: {  	s0 =	sshll.u32 s28, $0xC  }
0x1e0: {  	s0 =	sadd.s32 s1, s0  }
0x1e1: {  	[hbm4b:s0+s3] =	stream.linear.scatter [tilespmem:s22], [sflag:$0x4], $0x8000, $0x38;
	[tilespmem:$0x1FC00] =	vst v63  }
.LBB2_16:
0x1e2: {  	_ =	swait.ge [sflag:s23], $0x8000  }
.Ltmp13:
0x1e3: {  	[sflag:s23] =	ssyncset.done $0x0;
	(pc) =	sbr.rel @p0 .LBB2_22-.Ltmp13, $4  }
0x1e4: {  	[sflag:s23] =	ssyncadd.s32 $0xFFFF8000  }
0x1e5: {  	_ =	swait.ge [sflag:s24], $0x8000  }
0x1e6: {  	[sflag:s24] =	ssyncset.done $0x0  }
0x1e7: {  	[sflag:s24] =	ssyncadd.s32 $0xFFFF8000  }
0x1e8: {  	s0 =	rddreg [dreg:$0x4]  }
0x1e9: {  	[tilespmem:s15], [sflag:$0x5] =	stream.strided.gather [hbm4b:s0+s13], $0x1000, s14, s13, $0x38;
	[tilespmem:$0x1FC00] =	vst v63  }
0x1ea: {  	_ =	swait.ge [sflag:s12], $0x1000  }
0x1eb: {  	s26 =	simm.s32 $0x0;
	[sflag:s12] =	ssyncset.done $0x0  }
0x1ec: {  	s28 =	simm.s32 $0xFC80;
	s0 =	simm.s32 $0x0;
	[sflag:s12] =	ssyncadd.s32 $0xFFFFF000  }
.LBB2_18:
0x1ed: {  	s2 =	sshll.u32 s0, $0x4;
	s6 =	sshll.u32 s0, $0x7  }
0x1ee: {  	s9 =	sand.u32 $0x70, s2;
	s10 =	sand.u32 $0x400, s6  }
0x1ef: {  	s9 =	sor.u32 s9, s10  }
0x1f0: {  	v1 =	vld [tilespmem:s9+$0xDE80]  }
0x1f1: {  	v6 =	vld [tilespmem:s9+$0xDC00]  }
0x1f2: {  	v7 =	vld [tilespmem:s9+$0xE500]  }
0x1f3: {  	s2 =	sor.u32 s6, s2;
	v2 =	vld [tilespmem:s9+$0xDF00]  }
0x1f4: {  	s2 =	sor.u32 $0x380, s2;
	v10 =	vld [tilespmem:s9+$0xE600]  }
0x1f5: {  	v13 =	vld [tilespmem:s2+$0xDC00]  }
0x1f6: {  	v3 =	vld [tilespmem:s9+$0xE700];
	v1 =	vmul.u32 $0x6, v1  }
0x1f7: {  	v4 =	vld [tilespmem:s9+$0xE480];
	v6 =	vadd.s32 v6, v7  }
0x1f8: {  	v8 =	vmov s26;
	v6 =	vshll.u32 v6, $0x6;
	v1 =	vadd.s32 v2, v1  }
0x1f9: {  	s29 =	simm.s32 $0x1;
	v2 =	vld [tilespmem:s9+$0xE780];
	v7 =	vperm.xlane v6, v8;
	v1 =	vmul.u32 $0x5, v1  }
0x1fa: {  	v34 =	vmov s29;
	v5 =	vld [tilespmem:s9+$0xDC80];
	v10 =	vshll.u32 v10, $0x7;
	v13 =	vshll.u32 v13, $0x6  }
0x1fb: {  	v10 =	vadd.s32 v13, v10;
	v13 =	vadd.s32 v0, v7;
	v1 =	vadd.s32 v3, v1  }
0x1fc: {  	v9 =	vld [tilespmem:s9+$0xE680];
	v7 =	vadd.s32 $0x1DC0, v10;
	v3 =	vmul.u32 $0x7, v4;
	v1 =	vshll.u32 v1, $0x6  }
0x1fd: {  	v11 =	vld [tilespmem:s9+$0xDD00];
	v42 =	vperm.xlane v7, v34;
	v1 =	vadd.s32 $0xAEC0, v1  }
0x1fe: {  	v14 =	vld [tilespmem:s9+$0xDD80];
	v2 =	vadd.s32 v2, v3;
	v3 =	vperm.xlane v1, v8  }
0x1ff: {  	v15 =	vld [tilespmem:s9+$0xE580];
	v5 =	vshll.u32 v5, $0x6;
	v42 =	vadd.s32 v0, v42;
	v2 =	vshll.u32 v2, $0x8  }
0x200: {  	v17 =	vld [tilespmem:s9+$0xE400];
	v2 =	vadd.s32 v2, v5;
	v5 =	vadd.s32 v0, v3  }
0x201: {  	v4 =	vld [tilespmem:s9+$0xDE00]  }
0x202: {  	v25 =	vperm.xlane v1, v34;
	v35 =	vld.idx.msk [tilespmem:v13+s17+$0x0], $0xffff  }
0x203: {  	v36 =	vld.idx.msk [tilespmem:v13+s18+$0x0], $0xffff  }
0x204: {  	v37 =	vadd.s32 v0, v25;
	v50 =	vld.idx.msk [tilespmem:v42+s19+$0x0], $0xffff  }
0x205: {  	v3 =	vadd.s32 $0x7DC0, v2;
	v12 =	vld.idx.msk [tilespmem:v5+s3+$0x0], $0xffff  }
0x206: {  	v2 =	vperm.xlane v3, v8;
	v16 =	vld.idx.msk [tilespmem:v5+s17+$0x0], $0xffff  }
0x207: {  	v9 =	vshll.u32 v9, $0x6;
	v4 =	vshll.u32 v4, $0x7;
	v25 =	vperm.xlane v3, v34;
	v20 =	vld.idx.msk [tilespmem:v5+s18+$0x0], $0xffff  }
0x208: {  	v4 =	vadd.s32 v9, v4;
	v9 =	vadd.s32 v0, v2;
	v24 =	vld.idx.msk [tilespmem:v5+s19+$0x0], $0xffff  }
0x209: {  	v41 =	vadd.s32 v0, v25;
	v25 =	vperm.xlane v6, v34;
	v28 =	vld.idx.msk [tilespmem:v37+s3+$0x0], $0xffff  }
0x20a: {  	v26 =	vld.idx.msk [tilespmem:v37+s17+$0x0], $0xffff  }
0x20b: {  	v11 =	vmul.u32 $0xC, v11;
	v2 =	vadd.s32 $0x78C0, v4;
	v43 =	vadd.s32 v0, v25;
	v25 =	vld.idx.msk [tilespmem:v37+s18+$0x0], $0xffff  }
0x20c: {  	v4 =	vperm.xlane v2, v8;
	v37 =	vld.idx.msk [tilespmem:v37+s19+$0x0], $0xffff  }
0x20d: {  	v11 =	vadd.s32 v14, v11;
	v18 =	vld.idx.msk [tilespmem:v9+s3+$0x0], $0xffff  }
0x20e: {  	v11 =	vshll.u32 v11, $0x6;
	v14 =	vadd.s32 v0, v4;
	v19 =	vld.idx.msk [tilespmem:v9+s17+$0x0], $0xffff  }
0x20f: {  	v4 =	vadd.s32 $0x54C0, v11;
	v11 =	vshll.u32 v15, $0x7;
	v15 =	vshll.u32 v17, $0x6;
	v17 =	vld.idx.msk [tilespmem:v9+s18+$0x0], $0xffff  }
0x210: {  	v22 =	vld.idx.msk [tilespmem:v9+s19+$0x0], $0xffff  }
0x211: {  	v46 =	vld.idx.msk [tilespmem:v41+s3+$0x0], $0xffff  }
0x212: {  	v47 =	vld.idx.msk [tilespmem:v41+s17+$0x0], $0xffff  }
0x213: {  	v48 =	vld.idx.msk [tilespmem:v41+s18+$0x0], $0xffff  }
0x214: {  	v45 =	vperm.xlane v2, v34;
	v41 =	vld.idx.msk [tilespmem:v41+s19+$0x0], $0xffff  }
0x215: {  	v5 =	vperm.xlane v4, v8;
	v49 =	vld.idx.msk [tilespmem:v43+s19+$0x0], $0xffff  }
0x216: {  	v45 =	vadd.s32 v0, v45;
	v11 =	vadd.s32 v15, v11;
	v62 =	vld.idx.msk [tilespmem:v43+s17+$0x0], $0xffff  }
0x217: {  	v15 =	vadd.s32 v0, v5;
	v5 =	vadd.s32 $0x3C40, v11;
	v11 =	vld.idx.msk [tilespmem:v14+s3+$0x0], $0xffff  }
0x218: {  	v21 =	vld.idx.msk [tilespmem:v14+s17+$0x0], $0xffff  }
0x219: {  	v23 =	vld.idx.msk [tilespmem:v14+s18+$0x0], $0xffff  }
0x21a: {  	v27 =	vld.idx.msk [tilespmem:v14+s19+$0x0], $0xffff  }
0x21b: {  	v52 =	vld.idx.msk [tilespmem:v45+s3+$0x0], $0xffff  }
0x21c: {  	v54 =	vld.idx.msk [tilespmem:v45+s17+$0x0], $0xffff  }
0x21d: {  	v55 =	vld.idx.msk [tilespmem:v45+s19+$0x0], $0xffff  }
0x21e: {  	v9 =	vperm.xlane v5, v8;
	v45 =	vld.idx.msk [tilespmem:v45+s18+$0x0], $0xffff  }
0x21f: {  	v14 =	vld.idx.msk [tilespmem:v15+s3+$0x0], $0xffff  }
0x220: {  	v9 =	vadd.s32 v0, v9;
	v29 =	vld.idx.msk [tilespmem:v15+s17+$0x0], $0xffff  }
0x221: {  	v30 =	vld.idx.msk [tilespmem:v15+s18+$0x0], $0xffff  }
0x222: {  	v31 =	vld.idx.msk [tilespmem:v15+s19+$0x0], $0xffff  }
0x223: {  	v49 =	vadd.bf16 v50, v49;
	v50 =	vld.idx.msk [tilespmem:v43+s3+$0x0], $0xffff  }
0x224: {  	v8 =	vperm.xlane v7, v8;
	v43 =	vld.idx.msk [tilespmem:v43+s18+$0x0], $0xffff  }
0x225: {  	v10 =	vld.idx.msk [tilespmem:v9+s3+$0x0], $0xffff  }
0x226: {  	v8 =	vadd.s32 v0, v8;
	v15 =	vld.idx.msk [tilespmem:v9+s17+$0x0], $0xffff  }
0x227: {  	v32 =	vld.idx.msk [tilespmem:v9+s18+$0x0], $0xffff  }
0x228: {  	v44 =	vperm.xlane v5, v34;
	v33 =	vld.idx.msk [tilespmem:v9+s19+$0x0], $0xffff  }
0x229: {  	v34 =	vperm.xlane v4, v34;
	v9 =	vld.idx.msk [tilespmem:v13+s3+$0x0], $0xffff  }
0x22a: {  	v44 =	vadd.s32 v0, v44;
	v13 =	vld.idx.msk [tilespmem:v13+s19+$0x0], $0xffff  }
0x22b: {  	v34 =	vadd.s32 v0, v34;
	v38 =	vld.idx.msk [tilespmem:v8+s3+$0x0], $0xffff  }
0x22c: {  	v39 =	vld.idx.msk [tilespmem:v8+s17+$0x0], $0xffff  }
0x22d: {  	v40 =	vld.idx.msk [tilespmem:v8+s18+$0x0], $0xffff  }
0x22e: {  	v8 =	vld.idx.msk [tilespmem:v8+s19+$0x0], $0xffff  }
0x22f: {  	s30 =	simm.s32 $0x2;
	v51 =	vld.idx.msk [tilespmem:v44+s19+$0x0], $0xffff  }
0x230: {  	v59 =	vmov s30;
	v53 =	vld.idx.msk [tilespmem:v34+s19+$0x0], $0xffff  }
0x231: {  	v61 =	vperm.xlane v1, v59;
	v56 =	vld.idx.msk [tilespmem:v34+s3+$0x0], $0xffff  }
0x232: {  	v57 =	vld.idx.msk [tilespmem:v34+s17+$0x0], $0xffff  }
0x233: {  	v61 =	vadd.s32 v0, v61;
	v34 =	vld.idx.msk [tilespmem:v34+s18+$0x0], $0xffff  }
0x234: {  	v58 =	vld.idx.msk [tilespmem:v44+s3+$0x0], $0xffff;
	v9 =	vadd.bf16 v38, v9;
	v38 =	vadd.bf16 v51, v49  }
0x235: {  	v60 =	vld.idx.msk [tilespmem:v44+s17+$0x0], $0xffff;
	v35 =	vadd.bf16 v39, v35;
	v36 =	vadd.bf16 v40, v36  }
0x236: {  	v63 =	vperm.xlane v3, v59;
	v44 =	vld.idx.msk [tilespmem:v44+s18+$0x0], $0xffff;
	v9 =	vadd.bf16 v10, v9;
	v10 =	vadd.bf16 v53, v38  }
0x237: {  	v49 =	vld.idx.msk [tilespmem:v42+s3+$0x0], $0xffff;
	v13 =	vadd.bf16 v8, v13;
	v15 =	vadd.bf16 v15, v35  }
0x238: {  	v51 =	vadd.s32 v0, v63;
	v8 =	vld.idx.msk [tilespmem:v61+s18+$0x0], $0xffff;
	v14 =	vadd.bf16 v14, v9;
	v63 =	vadd.bf16 v55, v10  }
0x239: {  	v38 =	vld.idx.msk [tilespmem:v42+s17+$0x0], $0xffff;
	v32 =	vadd.bf16 v32, v36;
	v15 =	vadd.bf16 v29, v15  }
0x23a: {  	v53 =	vld.idx.msk [tilespmem:v42+s18+$0x0], $0xffff;
	v14 =	vadd.bf16 v11, v14;
	v40 =	vadd.bf16 v41, v63  }
0x23b: {  	v33 =	vadd.bf16 v33, v13;
	v10 =	vld.idx.msk [tilespmem:v61+s3+$0x0], $0xffff;
	v29 =	vperm.xlane v2, v59;
	v21 =	vadd.bf16 v21, v15  }
0x23c: {  	v9 =	vld.idx.msk [tilespmem:v61+s17+$0x0], $0xffff;
	v18 =	vadd.bf16 v18, v14;
	v41 =	vadd.bf16 v37, v40  }
0x23d: {  	v42 =	vperm.xlane v4, v59;
	v30 =	vadd.bf16 v30, v32;
	v13 =	vld.idx.msk [tilespmem:v51+s18+$0x0], $0xffff;
	v29 =	vadd.s32 v0, v29  }
0x23e: {  	v11 =	vld.idx.msk [tilespmem:v61+s19+$0x0], $0xffff;
	v19 =	vadd.bf16 v19, v21;
	v18 =	vadd.bf16 v12, v18;
	v12 =	vunpack.i.u.bf16.f32 v41  }
0x23f: {  	v32 =	vadd.s32 v0, v42;
	v15 =	vld.idx.msk [tilespmem:v51+s3+$0x0], $0xffff;
	v21 =	vadd.bf16 v31, v33;
	v31 =	vunpack.i.l.bf16.f32 v41;
	[tilespmem:s28+$0x70] =	vst v12  }
0x240: {  	v23 =	vadd.bf16 v23, v30;
	v14 =	vld.idx.msk [tilespmem:v51+s17+$0x0], $0xffff;
	v30 =	vadd.bf16 v16, v19;
	[tilespmem:s28+$0x30] =	vst v31;
	v16 =	vunpack.i.l.bf16.f32 v18  }
0x241: {  	v12 =	vld.idx.msk [tilespmem:v51+s19+$0x0], $0xffff;
	v31 =	vunpack.i.u.bf16.f32 v18;
	[tilespmem:s28+$0xFFFFFF80] =	vst v16;
	v16 =	vadd.bf16 v49, v50  }
0x242: {  	v27 =	vadd.bf16 v27, v21;
	v19 =	vld.idx.msk [tilespmem:v29+s3+$0x0], $0xffff;
	[tilespmem:s28+$0xFFFFFFC0] =	vst v31;
	v31 =	vadd.bf16 v38, v62  }
0x243: {  	v21 =	vadd.bf16 v17, v23;
	v17 =	vld.idx.msk [tilespmem:v29+s18+$0x0], $0xffff;
	v50 =	vperm.xlane v5, v59;
	v51 =	vadd.bf16 v58, v16  }
0x244: {  	v18 =	vld.idx.msk [tilespmem:v29+s17+$0x0], $0xffff;
	v23 =	vunpack.i.l.bf16.f32 v30;
	v27 =	vadd.bf16 v22, v27;
	v31 =	vadd.bf16 v60, v31  }
0x245: {  	v22 =	vld.idx.msk [tilespmem:v32+s19+$0x0], $0xffff;
	[tilespmem:s28+$0xFFFFFF90] =	vst v23;
	v33 =	vadd.s32 v0, v50;
	v35 =	vadd.bf16 v56, v51  }
0x246: {  	v23 =	vadd.bf16 v53, v43;
	v53 =	vperm.xlane v6, v59;
	v16 =	vld.idx.msk [tilespmem:v29+s19+$0x0], $0xffff;
	v31 =	vadd.bf16 v57, v31  }
0x247: {  	v59 =	vperm.xlane v7, v59;
	v29 =	vadd.bf16 v20, v21;
	v21 =	vld.idx.msk [tilespmem:v32+s3+$0x0], $0xffff;
	v35 =	vadd.bf16 v52, v35  }
0x248: {  	v30 =	vunpack.i.u.bf16.f32 v30;
	v20 =	vld.idx.msk [tilespmem:v32+s17+$0x0], $0xffff;
	v31 =	vadd.bf16 v54, v31  }
0x249: {  	v55 =	vadd.bf16 v44, v23;
	v23 =	vld.idx.msk [tilespmem:v32+s18+$0x0], $0xffff;
	v61 =	vadd.s32 v0, v59;
	v58 =	vadd.bf16 v46, v35  }
0x24a: {  	[tilespmem:s28+$0xFFFFFFD0] =	vst v30;
	v30 =	vunpack.i.l.bf16.f32 v29;
	v57 =	vadd.bf16 v24, v27;
	v24 =	vld.idx.msk [tilespmem:v33+s3+$0x0], $0xffff;
	v31 =	vadd.bf16 v47, v31  }
0x24b: {  	v29 =	vunpack.i.u.bf16.f32 v29;
	[tilespmem:s28+$0xFFFFFFA0] =	vst v30;
	v30 =	vadd.bf16 v34, v55;
	v27 =	vld.idx.msk [tilespmem:v33+s17+$0x0], $0xffff;
	v28 =	vadd.bf16 v28, v58  }
0x24c: {  	[tilespmem:s28+$0xFFFFFFE0] =	vst v29;
	v32 =	vunpack.i.u.bf16.f32 v57;
	v29 =	vld.idx.msk [tilespmem:v33+s18+$0x0], $0xffff;
	v26 =	vadd.bf16 v26, v31  }
0x24d: {  	s31 =	simm.s32 $0x3;
	v56 =	vadd.s32 v0, v53;
	v37 =	vadd.bf16 v45, v30;
	v30 =	vld.idx.msk [tilespmem:v33+s19+$0x0], $0xffff;
	[tilespmem:s28+$0xFFFFFFF0] =	vst v32;
	v31 =	vunpack.i.l.bf16.f32 v28  }
0x24e: {  	v32 =	vmov s31;
	v38 =	vld.idx.msk [tilespmem:v61+s3+$0x0], $0xffff;
	[tilespmem:s28+$0x0] =	vst v31;
	v31 =	vunpack.i.l.bf16.f32 v26;
	v26 =	vunpack.i.u.bf16.f32 v26  }
0x24f: {  	v39 =	vld.idx.msk [tilespmem:v61+s17+$0x0], $0xffff;
	v62 =	vadd.bf16 v48, v37;
	[tilespmem:s28+$0x50] =	vst v26;
	v26 =	vperm.xlane v1, v32  }
0x250: {  	v41 =	vld.idx.msk [tilespmem:v61+s18+$0x0], $0xffff  }
0x251: {  	v60 =	vunpack.i.l.bf16.f32 v57;
	v40 =	vld.idx.msk [tilespmem:v61+s19+$0x0], $0xffff;
	v25 =	vadd.bf16 v25, v62;
	[tilespmem:s28+$0x10] =	vst v31;
	v31 =	vadd.s32 v0, v26  }
0x252: {  	[tilespmem:s28+$0xFFFFFFB0] =	vst v60;
	v34 =	vld.idx.msk [tilespmem:v56+s3+$0x0], $0xffff;
	v28 =	vunpack.i.u.bf16.f32 v28  }
0x253: {  	v63 =	vperm.xlane v3, v32;
	v35 =	vld.idx.msk [tilespmem:v56+s17+$0x0], $0xffff;
	[tilespmem:s28+$0x40] =	vst v28;
	v28 =	vunpack.i.l.bf16.f32 v25  }
0x254: {  	v36 =	vld.idx.msk [tilespmem:v56+s18+$0x0], $0xffff;
	v25 =	vunpack.i.u.bf16.f32 v25;
	[tilespmem:s28+$0x20] =	vst v28  }
0x255: {  	s2 =	smov.u32 s28;
	s9 =	simm.s32 $0x4;
	v37 =	vld.idx.msk [tilespmem:v56+s19+$0x0], $0xffff;
	v42 =	vadd.s32 v0, v63;
	[tilespmem:s28+$0x60] =	vst v25  }
.LBB2_19:
0x256: {  	p1 =	slt.u32 s9, $0xE;
	v26 =	vperm.xlane v6, v32;
	v28 =	vld.idx.msk [tilespmem:v31+s3+$0x0], $0xffff  }
0x257: {  	v33 =	vperm.xlane v7, v32;
	v25 =	vld.idx.msk [tilespmem:v31+s17+$0x0], $0xffff  }
0x258: {  	v43 =	vadd.s32 v0, v26;
	v26 =	vld.idx.msk [tilespmem:v31+s18+$0x0], $0xffff  }
0x259: {  	v44 =	vadd.s32 v0, v33;
	v33 =	vperm.xlane v5, v32;
	v45 =	vld.idx.msk [tilespmem:v31+s19+$0x0], $0xffff  }
0x25a: {  	v46 =	vperm.xlane v2, v32;
	v31 =	vld.idx.msk [tilespmem:v42+s3+$0x0], $0xffff  }
0x25b: {  	v48 =	vperm.xlane v4, v32;
	v47 =	vadd.s32 v0, v33;
	v32 =	vld.idx.msk [tilespmem:v42+s17+$0x0], $0xffff  }
0x25c: {  	v46 =	vadd.s32 v0, v46;
	v33 =	vld.idx.msk [tilespmem:v42+s18+$0x0], $0xffff  }
0x25d: {  	v48 =	vadd.s32 v0, v48;
	v49 =	vld.idx.msk [tilespmem:v43+s19+$0x0], $0xffff  }
0x25e: {  	v50 =	vld.idx.msk [tilespmem:v44+s19+$0x0], $0xffff  }
0x25f: {  	v42 =	vld.idx.msk [tilespmem:v42+s19+$0x0], $0xffff  }
0x260: {  	v51 =	vld.idx.msk [tilespmem:v47+s19+$0x0], $0xffff  }
0x261: {  	v52 =	vld.idx.msk [tilespmem:v46+s3+$0x0], $0xffff  }
0x262: {  	v53 =	vld.idx.msk [tilespmem:v48+s19+$0x0], $0xffff  }
0x263: {  	v54 =	vld.idx.msk [tilespmem:v46+s17+$0x0], $0xffff  }
0x264: {  	v49 =	vadd.bf16 v50, v49;
	v50 =	vld.idx.msk [tilespmem:v46+s19+$0x0], $0xffff  }
0x265: {  	v34 =	vadd.bf16 v38, v34;
	v35 =	vadd.bf16 v39, v35;
	v38 =	vld.idx.msk [tilespmem:v46+s18+$0x0], $0xffff  }
0x266: {  	v36 =	vadd.bf16 v41, v36;
	v39 =	vadd.bf16 v51, v49;
	v41 =	vld.idx.msk [tilespmem:v48+s3+$0x0], $0xffff  }
0x267: {  	v24 =	vadd.bf16 v24, v34;
	v37 =	vadd.bf16 v40, v37;
	v34 =	vld.idx.msk [tilespmem:v48+s17+$0x0], $0xffff  }
0x268: {  	v27 =	vadd.bf16 v27, v35;
	v39 =	vadd.bf16 v53, v39;
	v35 =	vld.idx.msk [tilespmem:v48+s18+$0x0], $0xffff  }
0x269: {  	v29 =	vadd.bf16 v29, v36;
	v30 =	vadd.bf16 v30, v37;
	v36 =	vld.idx.msk [tilespmem:v47+s3+$0x0], $0xffff  }
0x26a: {  	v21 =	vadd.bf16 v21, v24;
	v37 =	vmov s9;
	v39 =	vadd.bf16 v50, v39;
	v24 =	vld.idx.msk [tilespmem:v47+s17+$0x0], $0xffff  }
0x26b: {  	v20 =	vadd.bf16 v20, v27;
	v40 =	vperm.xlane v1, v37;
	v23 =	vadd.bf16 v23, v29;
	v27 =	vld.idx.msk [tilespmem:v47+s18+$0x0], $0xffff  }
0x26c: {  	v19 =	vadd.bf16 v19, v21;
	v29 =	vadd.bf16 v42, v39;
	v21 =	vld.idx.msk [tilespmem:v43+s3+$0x0], $0xffff  }
0x26d: {  	v22 =	vadd.bf16 v22, v30;
	v18 =	vadd.bf16 v18, v20;
	v39 =	vadd.s32 v0, v40;
	v20 =	vld.idx.msk [tilespmem:v43+s17+$0x0], $0xffff  }
0x26e: {  	v15 =	vadd.bf16 v15, v19;
	v29 =	vadd.bf16 v45, v29;
	v19 =	vld.idx.msk [tilespmem:v43+s18+$0x0], $0xffff  }
0x26f: {  	v30 =	vperm.xlane v3, v37;
	v17 =	vadd.bf16 v17, v23;
	v14 =	vadd.bf16 v14, v18;
	v18 =	vld.idx.msk [tilespmem:v44+s3+$0x0], $0xffff  }
0x270: {  	s2 =	sadd.s32 $0x100, s2;
	v15 =	vadd.bf16 v10, v15;
	v10 =	vunpack.i.u.bf16.f32 v29;
	v29 =	vunpack.i.l.bf16.f32 v29;
	v23 =	vld.idx.msk [tilespmem:v44+s17+$0x0], $0xffff  }
0x271: {  	v30 =	vadd.s32 v0, v30;
	v16 =	vadd.bf16 v16, v22;
	v22 =	vld.idx.msk [tilespmem:v44+s18+$0x0], $0xffff;
	[tilespmem:s2+$0x70] =	vst v10  }
0x272: {  	v13 =	vadd.bf16 v13, v17;
	v14 =	vadd.bf16 v9, v14;
	v17 =	vunpack.i.l.bf16.f32 v15;
	v10 =	vld.idx.msk [tilespmem:v39+s3+$0x0], $0xffff;
	[tilespmem:s2+$0x30] =	vst v29  }
0x273: {  	v15 =	vunpack.i.u.bf16.f32 v15;
	v40 =	vperm.xlane v2, v37;
	v29 =	vperm.xlane v4, v37;
	v9 =	vld.idx.msk [tilespmem:v39+s17+$0x0], $0xffff;
	[tilespmem:s2+$0xFFFFFF80] =	vst v17  }
0x274: {  	v12 =	vadd.bf16 v12, v16;
	v13 =	vadd.bf16 v8, v13;
	v8 =	vld.idx.msk [tilespmem:v39+s18+$0x0], $0xffff;
	[tilespmem:s2+$0xFFFFFFC0] =	vst v15;
	v15 =	vunpack.i.l.bf16.f32 v14  }
0x275: {  	v16 =	vadd.s32 v0, v40;
	v14 =	vunpack.i.u.bf16.f32 v14;
	v17 =	vadd.bf16 v18, v21;
	v39 =	vld.idx.msk [tilespmem:v39+s19+$0x0], $0xffff;
	[tilespmem:s2+$0xFFFFFF90] =	vst v15  }
0x276: {  	v11 =	vadd.bf16 v11, v12;
	v12 =	vunpack.i.l.bf16.f32 v13;
	v18 =	vadd.bf16 v23, v20;
	v15 =	vld.idx.msk [tilespmem:v30+s3+$0x0], $0xffff;
	[tilespmem:s2+$0xFFFFFFD0] =	vst v14  }
0x277: {  	v20 =	vunpack.i.u.bf16.f32 v13;
	v19 =	vadd.bf16 v22, v19;
	v17 =	vadd.bf16 v36, v17;
	v14 =	vld.idx.msk [tilespmem:v30+s17+$0x0], $0xffff;
	[tilespmem:s2+$0xFFFFFFA0] =	vst v12  }
0x278: {  	v22 =	vadd.s32 v0, v29;
	v18 =	vadd.bf16 v24, v18;
	v13 =	vld.idx.msk [tilespmem:v30+s18+$0x0], $0xffff;
	[tilespmem:s2+$0xFFFFFFE0] =	vst v20;
	v20 =	vunpack.i.l.bf16.f32 v11  }
0x279: {  	v11 =	vunpack.i.u.bf16.f32 v11;
	v17 =	vadd.bf16 v41, v17;
	v12 =	vld.idx.msk [tilespmem:v30+s19+$0x0], $0xffff;
	[tilespmem:s2+$0xFFFFFFB0] =	vst v20;
	v20 =	vadd.bf16 v27, v19  }
0x27a: {  	v27 =	vadd.bf16 v34, v18;
	v19 =	vld.idx.msk [tilespmem:v16+s3+$0x0], $0xffff;
	[tilespmem:s2+$0xFFFFFFF0] =	vst v11  }
0x27b: {  	v21 =	vperm.xlane v5, v37;
	v23 =	vadd.bf16 v52, v17;
	v18 =	vld.idx.msk [tilespmem:v16+s17+$0x0], $0xffff;
	v20 =	vadd.bf16 v35, v20  }
0x27c: {  	v24 =	vadd.bf16 v54, v27;
	v11 =	vmov v39;
	v17 =	vld.idx.msk [tilespmem:v16+s18+$0x0], $0xffff  }
0x27d: {  	v30 =	vadd.s32 v0, v21;
	v23 =	vadd.bf16 v31, v23;
	v16 =	vld.idx.msk [tilespmem:v16+s19+$0x0], $0xffff;
	v27 =	vadd.bf16 v38, v20  }
0x27e: {  	v29 =	vperm.xlane v6, v37;
	v24 =	vadd.bf16 v32, v24;
	v21 =	vld.idx.msk [tilespmem:v22+s3+$0x0], $0xffff  }
0x27f: {  	v28 =	vadd.bf16 v28, v23;
	v20 =	vld.idx.msk [tilespmem:v22+s17+$0x0], $0xffff;
	v27 =	vadd.bf16 v33, v27  }
0x280: {  	v31 =	vadd.s32 v0, v29;
	v25 =	vadd.bf16 v25, v24;
	v23 =	vld.idx.msk [tilespmem:v22+s18+$0x0], $0xffff  }
0x281: {  	v29 =	vunpack.i.u.bf16.f32 v28;
	v22 =	vld.idx.msk [tilespmem:v22+s19+$0x0], $0xffff;
	v26 =	vadd.bf16 v26, v27;
	v27 =	vunpack.i.l.bf16.f32 v28  }
0x282: {  	v28 =	vunpack.i.u.bf16.f32 v25;
	v25 =	vunpack.i.l.bf16.f32 v25;
	v24 =	vld.idx.msk [tilespmem:v30+s3+$0x0], $0xffff;
	[tilespmem:s2+$0x0] =	vst v27  }
0x283: {  	v32 =	vperm.xlane v7, v37;
	v27 =	vld.idx.msk [tilespmem:v30+s17+$0x0], $0xffff;
	[tilespmem:s2+$0x40] =	vst v29;
	v33 =	vunpack.i.u.bf16.f32 v26;
	v26 =	vunpack.i.l.bf16.f32 v26  }
0x284: {  	v29 =	vld.idx.msk [tilespmem:v30+s18+$0x0], $0xffff;
	[tilespmem:s2+$0x10] =	vst v25  }
0x285: {  	s6 =	sadd.s32 $0x1, s9;
	v25 =	vadd.s32 v0, v32;
	v30 =	vld.idx.msk [tilespmem:v30+s19+$0x0], $0xffff;
	[tilespmem:s2+$0x50] =	vst v28  }
0x286: {  	v32 =	vmov s6;
	v34 =	vld.idx.msk [tilespmem:v31+s3+$0x0], $0xffff;
	[tilespmem:s2+$0x20] =	vst v26  }
0x287: {  	v26 =	vperm.xlane v1, v32;
	v35 =	vld.idx.msk [tilespmem:v31+s17+$0x0], $0xffff;
	[tilespmem:s2+$0x60] =	vst v33  }
0x288: {  	v36 =	vld.idx.msk [tilespmem:v31+s18+$0x0], $0xffff  }
.Ltmp14:
0x289: {  	v37 =	vld.idx.msk [tilespmem:v31+s19+$0x0], $0xffff;
	v31 =	vadd.s32 v0, v26;
	(pc) =	sbr.rel @p1 .LBB2_19-.Ltmp14, $4  }
0x28a: {  	v38 =	vld.idx.msk [tilespmem:v25+s3+$0x0], $0xffff  }
0x28b: {  	v26 =	vperm.xlane v3, v32;
	v39 =	vld.idx.msk [tilespmem:v25+s17+$0x0], $0xffff  }
0x28c: {  	v41 =	vld.idx.msk [tilespmem:v25+s18+$0x0], $0xffff  }
0x28d: {  	s9 =	sadd.s32 $0x2, s9;
	v42 =	vadd.s32 v0, v26;
	v40 =	vld.idx.msk [tilespmem:v25+s19+$0x0], $0xffff  }
0x28e: {  	_ =	sdelay $0x3  }
0x28f: {  	v3 =	vld.idx.msk [tilespmem:v31+s3+$0x0], $0xffff  }
0x290: {  	v1 =	vperm.xlane v6, v32;
	v58 =	vperm.xlane v7, v32;
	v7 =	vld.idx.msk [tilespmem:v31+s17+$0x0], $0xffff  }
0x291: {  	v25 =	vld.idx.msk [tilespmem:v31+s18+$0x0], $0xffff  }
0x292: {  	v5 =	vperm.xlane v5, v32;
	v26 =	vld.idx.msk [tilespmem:v31+s19+$0x0], $0xffff;
	v1 =	vadd.s32 v0, v1  }
0x293: {  	v28 =	vld.idx.msk [tilespmem:v42+s3+$0x0], $0xffff;
	v4 =	vperm.xlane v4, v32;
	v6 =	vadd.s32 v0, v58  }
0x294: {  	v2 =	vperm.xlane v2, v32;
	v31 =	vld.idx.msk [tilespmem:v42+s17+$0x0], $0xffff;
	v5 =	vadd.s32 v0, v5  }
0x295: {  	v32 =	vld.idx.msk [tilespmem:v42+s18+$0x0], $0xffff;
	v4 =	vadd.s32 v0, v4  }
0x296: {  	v59 =	vld.idx.msk [tilespmem:v42+s19+$0x0], $0xffff;
	v2 =	vadd.s32 v0, v2  }
0x297: {  	v33 =	vld.idx.msk [tilespmem:v1+s19+$0x0], $0xffff  }
0x298: {  	v34 =	vadd.bf16 v38, v34;
	v43 =	vld.idx.msk [tilespmem:v6+s19+$0x0], $0xffff  }
0x299: {  	v44 =	vld.idx.msk [tilespmem:v5+s19+$0x0], $0xffff  }
0x29a: {  	v35 =	vadd.bf16 v39, v35;
	v24 =	vadd.bf16 v24, v34;
	v46 =	vld.idx.msk [tilespmem:v4+s19+$0x0], $0xffff  }
0x29b: {  	v36 =	vadd.bf16 v41, v36;
	v37 =	vadd.bf16 v40, v37;
	v60 =	vld.idx.msk [tilespmem:v2+s19+$0x0], $0xffff  }
0x29c: {  	v27 =	vadd.bf16 v27, v35;
	v21 =	vadd.bf16 v21, v24;
	v63 =	vld.idx.msk [tilespmem:v1+s3+$0x0], $0xffff  }
0x29d: {  	v29 =	vadd.bf16 v29, v36;
	v30 =	vadd.bf16 v30, v37;
	v36 =	vld.idx.msk [tilespmem:v1+s17+$0x0], $0xffff  }
0x29e: {  	v20 =	vadd.bf16 v20, v27;
	v19 =	vadd.bf16 v19, v21;
	v37 =	vld.idx.msk [tilespmem:v6+s3+$0x0], $0xffff  }
0x29f: {  	v23 =	vadd.bf16 v23, v29;
	v1 =	vld.idx.msk [tilespmem:v1+s18+$0x0], $0xffff  }
0x2a0: {  	v40 =	vld.idx.msk [tilespmem:v6+s17+$0x0], $0xffff;
	v18 =	vadd.bf16 v18, v20;
	v15 =	vadd.bf16 v15, v19  }
0x2a1: {  	v6 =	vld.idx.msk [tilespmem:v6+s18+$0x0], $0xffff;
	v22 =	vadd.bf16 v22, v30;
	v17 =	vadd.bf16 v17, v23  }
0x2a2: {  	v61 =	vld.idx.msk [tilespmem:v4+s3+$0x0], $0xffff;
	v14 =	vadd.bf16 v14, v18;
	v10 =	vadd.bf16 v10, v15  }
0x2a3: {  	v62 =	vld.idx.msk [tilespmem:v5+s3+$0x0], $0xffff;
	v13 =	vadd.bf16 v13, v17;
	v33 =	vadd.bf16 v43, v33  }
0x2a4: {  	v42 =	vld.idx.msk [tilespmem:v5+s17+$0x0], $0xffff;
	v43 =	vadd.bf16 v16, v22;
	v9 =	vadd.bf16 v9, v14  }
0x2a5: {  	v5 =	vld.idx.msk [tilespmem:v5+s18+$0x0], $0xffff;
	v49 =	vadd.bf16 v40, v36;
	v33 =	vadd.bf16 v44, v33  }
0x2a6: {  	v45 =	vld.idx.msk [tilespmem:v2+s3+$0x0], $0xffff;
	v1 =	vadd.bf16 v6, v1;
	v44 =	vadd.bf16 v37, v63  }
0x2a7: {  	v54 =	vadd.bf16 v8, v13;
	v33 =	vadd.bf16 v46, v33;
	v46 =	vld.idx.msk [tilespmem:v4+s17+$0x0], $0xffff  }
0x2a8: {  	s2 =	sadd.s32 $0x100, s2;
	v51 =	vunpack.i.l.bf16.f32 v10;
	v12 =	vadd.bf16 v12, v43;
	v4 =	vld.idx.msk [tilespmem:v4+s18+$0x0], $0xffff;
	v16 =	vadd.bf16 v62, v44  }
0x2a9: {  	v47 =	vld.idx.msk [tilespmem:v2+s17+$0x0], $0xffff;
	v10 =	vunpack.i.u.bf16.f32 v10;
	v52 =	vadd.bf16 v42, v49;
	[tilespmem:s2+$0xFFFFFF80] =	vst v51;
	v33 =	vadd.bf16 v60, v33  }
0x2aa: {  	v2 =	vld.idx.msk [tilespmem:v2+s18+$0x0], $0xffff;
	v1 =	vadd.bf16 v5, v1;
	[tilespmem:s2+$0xFFFFFFC0] =	vst v10;
	v55 =	vunpack.i.l.bf16.f32 v9;
	v53 =	vadd.bf16 v61, v16  }
0x2ab: {  	v9 =	vunpack.i.u.bf16.f32 v9;
	[tilespmem:s2+$0xFFFFFF90] =	vst v55;
	v58 =	vadd.bf16 v11, v12;
	v38 =	vadd.bf16 v59, v33  }
0x2ac: {  	[tilespmem:s2+$0xFFFFFFD0] =	vst v9;
	v6 =	vunpack.i.u.bf16.f32 v54;
	v57 =	vadd.bf16 v45, v53;
	v56 =	vadd.bf16 v46, v52  }
0x2ad: {  	[tilespmem:s2+$0xFFFFFFE0] =	vst v6;
	v5 =	vunpack.i.u.bf16.f32 v58;
	v1 =	vadd.bf16 v4, v1;
	v41 =	vadd.bf16 v26, v38  }
0x2ae: {  	[tilespmem:s2+$0xFFFFFFF0] =	vst v5;
	v59 =	vunpack.i.l.bf16.f32 v54;
	v60 =	vadd.bf16 v28, v57;
	v8 =	vadd.bf16 v47, v56  }
0x2af: {  	[tilespmem:s2+$0xFFFFFFA0] =	vst v59;
	v1 =	vadd.bf16 v2, v1;
	v2 =	vunpack.i.l.bf16.f32 v58  }
0x2b0: {  	v48 =	vunpack.i.u.bf16.f32 v41;
	v3 =	vadd.bf16 v3, v60;
	[tilespmem:s2+$0xFFFFFFB0] =	vst v2;
	v61 =	vadd.bf16 v31, v8  }
0x2b1: {  	v50 =	vunpack.i.l.bf16.f32 v41;
	[tilespmem:s2+$0x70] =	vst v48  }
0x2b2: {  	s0 =	sadd.s32 $0x1, s0;
	[tilespmem:s2+$0x30] =	vst v50;
	v1 =	vadd.bf16 v32, v1;
	v62 =	vunpack.i.l.bf16.f32 v3;
	v2 =	vadd.bf16 v7, v61  }
0x2b3: {  	p1 =	sne.s32 s0, $0x10;
	v3 =	vunpack.i.u.bf16.f32 v3;
	[tilespmem:s2+$0x0] =	vst v62  }
.Ltmp15:
0x2b4: {  	v1 =	vadd.bf16 v25, v1;
	[tilespmem:s2+$0x40] =	vst v3;
	v63 =	vunpack.i.l.bf16.f32 v2;
	(pc) =	sbr.rel @p1 .LBB2_18-.Ltmp15, $4  }
0x2b5: {  	v2 =	vunpack.i.u.bf16.f32 v2;
	[tilespmem:s2+$0x10] =	vst v63  }
0x2b6: {  	v3 =	vunpack.i.l.bf16.f32 v1;
	[tilespmem:s2+$0x50] =	vst v2  }
0x2b7: {  	v1 =	vunpack.i.u.bf16.f32 v1;
	[tilespmem:s2+$0x20] =	vst v3  }
0x2b8: {  	s28 =	sadd.s32 $0x800, s28;
	[tilespmem:s2+$0x60] =	vst v1  }
.Ltmp16:
0x2b9: {  	s0 =	rddreg [dreg:$0x5];
	(pc) =	sbr.rel .LBB2_22-.Ltmp16, $4  }
0x2ba: {  	[hbm4b:s0+s3] =	stream.linear.scatter [tilespmem:s20], [sflag:$0x5], $0x5000, $0x38;
	[tilespmem:$0x1FC00] =	vst v63  }
0x2bb: {  	_ =	swait.ge [sflag:s12], $0x5000  }
0x2bc: {  	[sflag:s12] =	ssyncset.done $0x0  }
0x2bd: {  	[sflag:s12] =	ssyncadd.s32 $0xFFFFB000  }
.LBB2_23:
0x2be: {  	_ =	sfence.sel $0x180000  }
0x2bf: {  	[bflag:$0x0] =	sbarrier.arrive $0xFFFF  }
0x2c0: {  	_ =	strace $0x90000047  }
0x2c1: {  	s0 =	stileid.u32;
	[bflag:$0x2] =	sbarrier.arrive $0xFFFF  }
0x2c2: {  	p0 =	sne.s32 s0, $0x0;
	s0 =	rddreg [dreg:$0x2]  }
0x2c3: {  	s0 =	sadd.s32 @!p0 $0x100000, s0  }
0x2c4: {  	[sflag:s0] =	ssyncadd.tile.s32 @!p0 $0x1;
	_ =	shalt  }
.Lfunc_end2:
_tile_overlayer_lowered:
.L_overlay_start_2:
0x2c5: {  	(tag) =	ssettag $0x2  }
0x2c6: {  	s0 =	rddreg [dreg:$0x0];
	s2 =	stileid.u32  }
0x2c7: {  	s1 =	rddreg [dreg:$0x1];
	p0 =	sne.s32 s2, $0x0  }
0x2c8: {  	s3 =	rddreg [dreg:$0x2];
	[bflag:$0x3] =	sbarrier.arrive $0xFFFF;
	s2 =	simm.s32 @!p0 $0x1C05  }
0x2c9: {  	[timem:s3], [sflag:s2] =	dma.local @!p0 [hbm:s0], s1  }
0x2ca: {  	s0 =	simm.s32 @!p0 $0x5  }
0x2cb: {  	_ =	swait.ge @!p0 [sflag:s0], s1  }
0x2cc: {  	s1 =	ssub.s32 @!p0 $0x0, s1;
	[sflag:s0] =	ssyncset.done @!p0 $0x0  }
0x2cd: {  	[sflag:s0] =	ssyncadd.s32 @!p0 s1  }
0x2ce: {  	[bflag:$0x3] =	sbarrier.arrive $0xFFFF  }
0x2cf: {  	_ =	shalt  }

</sc_bundles>
